<compile_context>
chip_gen: v7x
topology: tpu7x:2x2x1
jax: 0.10.2.dev20260603
libtpu: 0.0.44.dev20260713+nightly
codegen_flags: <defaults>
</compile_context>

<pallas_src>
import functools

import jax
import jax.numpy as jnp
from jax import lax
from jax.experimental import pallas as pl
from jax.experimental.pallas import tpu as pltpu
from jax.experimental.pallas import tpu_sc as plsc

N = 10000
E = 160000
D = 256
EPS = 1e-5


_NB = 1000


def _node_mm_body(h_ref, w_ref, b_ref, out_ref):
    out_ref[0] = (
        jnp.dot(h_ref[...], w_ref[0], preferred_element_type=jnp.float32)
        + b_ref[0]
    )


def _node_mm(h, Wstack, bstack):
    grid = (N // _NB, 5)
    return pl.pallas_call(
        _node_mm_body,
        grid=grid,
        in_specs=[
            pl.BlockSpec((_NB, D), lambda i, j: (i, 0)),
            pl.BlockSpec((1, D, D), lambda i, j: (j, 0, 0)),
            pl.BlockSpec((1, 1, D), lambda i, j: (j, 0, 0)),
        ],
        out_specs=pl.BlockSpec((1, _NB, D), lambda i, j: (j, i, 0)),
        out_shape=jax.ShapeDtypeStruct((5, N, D), jnp.float32),
    )(h, Wstack, bstack)



_GW = 32
_EPT = E // _GW
_GB = 40
_GNB = _EPT // _GB


def _sc_gather_body(src3, dst3, w2h_hbm, w3h_hbm,
                    g_out,
                    srcb, dstb, b2a, b2b, b3a, b3b,
                    sidx, sg0, sg1, sw0, sw1):
    wid = lax.axis_index("s") * 2 + lax.axis_index("c")
    base = wid * _EPT
    b2 = [b2a, b2b]
    b3 = [b3a, b3b]
    sg = [sg0, sg1]
    sw = [sw0, sw1]

    pltpu.async_copy(src3.at[wid], srcb, sidx).wait()
    pltpu.async_copy(dst3.at[wid], dstb, sidx).wait()

    def fire_g(b, j):
        pltpu.async_copy(w2h_hbm.at[srcb.at[b]], b2[j], sg[j])
        pltpu.async_copy(w3h_hbm.at[dstb.at[b]], b3[j], sg[j])

    def wait_g(b, j):
        pltpu.make_async_copy(w2h_hbm.at[srcb.at[b]], b2[j], sg[j]).wait()
        pltpu.make_async_copy(w3h_hbm.at[dstb.at[b]], b3[j], sg[j]).wait()

    def fire_w(b, j):
        off = base + b * _GB
        pltpu.async_copy(b2[j], g_out.at[pl.ds(off, _GB)], sw[j])

    def wait_w(b, j):
        off = base + b * _GB
        pltpu.make_async_copy(b2[j], g_out.at[pl.ds(off, _GB)], sw[j]).wait()

    def compute(j):
        def row_body(r, carry):
            for cv in range(16):
                sl = pl.ds(cv * 16, 16)
                b2[j][r, sl] = b2[j][r, sl] + b3[j][r, sl]
            return carry
        lax.fori_loop(0, _GB, row_body, 0)

    fire_g(0, 0)

    def outer(r, carry):
        for jj in range(2):
            b = r * 2 + jj

            @pl.when(b < _GNB)
            def _():
                @pl.when(b >= 1)
                def _():
                    wait_w(b - 1, 1 - jj)

                @pl.when(b + 1 < _GNB)
                def _():
                    fire_g(b + 1, 1 - jj)

                wait_g(b, jj)
                compute(jj)
                fire_w(b, jj)
        return carry

    lax.fori_loop(0, (_GNB + 2) // 2, outer, 0)
    wait_w(_GNB - 1, (_GNB - 1) % 2)


def _sc_gather(src3, dst3, w2h, w3h):
    mesh = plsc.VectorSubcoreMesh(core_axis_name="c", subcore_axis_name="s")
    f = functools.partial(
        pl.kernel,
        out_type=jax.ShapeDtypeStruct((E, D), jnp.float32),
        mesh=mesh,
        scratch_types=[
            pltpu.VMEM((_GNB, _GB), jnp.int32),
            pltpu.VMEM((_GNB, _GB), jnp.int32),
            pltpu.VMEM((_GB, D), jnp.float32),
            pltpu.VMEM((_GB, D), jnp.float32),
            pltpu.VMEM((_GB, D), jnp.float32),
            pltpu.VMEM((_GB, D), jnp.float32),
            pltpu.SemaphoreType.DMA,
            pltpu.SemaphoreType.DMA,
            pltpu.SemaphoreType.DMA,
            pltpu.SemaphoreType.DMA,
            pltpu.SemaphoreType.DMA,
        ],
    )(_sc_gather_body)
    return f(src3, dst3, w2h, w3h)



_EB = 2000


def _edge1_body(e_ref, g_ref, w1_ref, b1_ref, stats_ref):
    i = pl.program_id(0)
    w1e = jnp.dot(e_ref[...], w1_ref[...], preferred_element_type=jnp.float32)
    pre = w1e + b1_ref[...] + g_ref[...]

    @pl.when(i == 0)
    def _():
        stats_ref[...] = jnp.zeros_like(stats_ref)

    stats_ref[0:1, :] += jnp.sum(pre, axis=0, keepdims=True)
    stats_ref[1:2, :] += jnp.sum(pre * pre, axis=0, keepdims=True)


def _edge1(e, g, W1, b1):
    grid = (E // _EB,)
    return pl.pallas_call(
        _edge1_body,
        grid=grid,
        in_specs=[
            pl.BlockSpec((_EB, 16), lambda i: (i, 0)),
            pl.BlockSpec((_EB, D), lambda i: (i, 0)),
            pl.BlockSpec((16, D), lambda i: (0, 0)),
            pl.BlockSpec((1, D), lambda i: (0, 0)),
        ],
        out_specs=pl.BlockSpec((8, D), lambda i: (0, 0)),
        out_shape=jax.ShapeDtypeStruct((8, D), jnp.float32),
    )(e, g, W1, b1)



def _enew_block(e_blk, g_blk, stats, b1, ge, be, w1, wemb):
    mean = stats[0:1, :] * (1.0 / E)
    var = stats[1:2, :] * (1.0 / E) - mean * mean
    rstd = lax.rsqrt(var + EPS)
    w1e = jnp.dot(e_blk, w1, preferred_element_type=jnp.float32)
    pre = w1e + b1 + g_blk
    norm = (pre - mean) * (rstd * ge) + be
    e0 = jnp.dot(e_blk, wemb, preferred_element_type=jnp.float32)
    return e0 + jnp.maximum(norm, 0.0)


def _edge2_body(g_ref, e_ref, stats_ref, b1_ref, ge_ref, be_ref,
                w1_ref, wemb_ref, weta_ref, enew_ref, pay_ref):
    e_new = _enew_block(e_ref[...], g_ref[...], stats_ref[...], b1_ref[...],
                        ge_ref[...], be_ref[...], w1_ref[...], wemb_ref[...])
    enew_ref[...] = e_new
    sig = jax.nn.sigmoid(e_new)
    sigma = jnp.dot(sig, weta_ref[...], preferred_element_type=jnp.float32)
    pay_ref[0] = sigma[:, 0:128]
    pay_ref[1] = sigma[:, 128:256]


def _edge2(g, e, stats, b1, gamma_e, beta_e, W1, W_emb_e, W_eta):
    grid = (E // _EB,)
    return pl.pallas_call(
        _edge2_body,
        grid=grid,
        in_specs=[
            pl.BlockSpec((_EB, D), lambda i: (i, 0)),
            pl.BlockSpec((_EB, 16), lambda i: (i, 0)),
            pl.BlockSpec((8, D), lambda i: (0, 0)),
            pl.BlockSpec((1, D), lambda i: (0, 0)),
            pl.BlockSpec((1, D), lambda i: (0, 0)),
            pl.BlockSpec((1, D), lambda i: (0, 0)),
            pl.BlockSpec((16, D), lambda i: (0, 0)),
            pl.BlockSpec((16, D), lambda i: (0, 0)),
            pl.BlockSpec((D, D), lambda i: (0, 0)),
        ],
        out_specs=[
            pl.BlockSpec((_EB, D), lambda i: (i, 0)),
            pl.BlockSpec((2, _EB, _CC), lambda i: (0, i, 0)),
        ],
        out_shape=[
            jax.ShapeDtypeStruct((E, D), jnp.float32),
            jax.ShapeDtypeStruct((2, E, _CC), jnp.float32),
        ],
        input_output_aliases={0: 0},
    )(g, e, stats, b1, gamma_e, beta_e, W1, W_emb_e, W_eta)



_SB = 80
_EPS_T = E // 16
_SNB = _EPS_T // _SB
_NPAD = 10112
_RPT = _NPAD // 16
_CC = 128


def _sc_seg_body(src3t, dst3, sig_hbm, vh_hbm, zeros_hbm, out_hbm,
                 isa, isb, ida, idb, i2a, i2b, isca, iscb, sa, sb, va, vb,
                 acc, si0, si1, sv0, sv1, sg0, sg1, ss0, ss1):
    core = lax.axis_index("c")
    tile = lax.axis_index("s")
    rbase = tile * _RPT
    cN = core * N
    ibs = [isa, isb]
    ibd = [ida, idb]
    i2 = [i2a, i2b]
    isc = [isca, iscb]
    sgb = [sa, sb]
    vhb = [va, vb]
    si = [si0, si1]
    sv = [sv0, sv1]
    sg = [sg0, sg1]
    ss = [ss0, ss1]

    for phase in range(2):
        pltpu.sync_copy(zeros_hbm, acc.at[pl.ds(rbase, _RPT)])
        plsc.subcore_barrier()

        def fire_idx(b, j):
            pltpu.async_copy(dst3.at[tile, b], ibd[j], si[j])
            if phase == 0:
                pltpu.async_copy(src3t.at[tile, b], ibs[j], si[j])

        def wait_idx(b, j):
            pltpu.make_async_copy(dst3.at[tile, b], ibd[j], si[j]).wait()
            if phase == 0:
                pltpu.make_async_copy(src3t.at[tile, b], ibs[j],
                                      si[j]).wait()

        def build(j):
            for q in range(_SB // 16):
                qs = pl.ds(q * 16, 16)
                isc[j][qs] = ibd[j][qs]
                if phase == 0:
                    i2[j][qs] = ibs[j][qs] + cN

        def fire_sig(b, j):
            off = tile * _EPS_T + b * _SB
            pltpu.async_copy(sig_hbm.at[core, pl.ds(off, _SB)],
                             sgb[j], sg[j])

        def wait_sig(b, j):
            off = tile * _EPS_T + b * _SB
            pltpu.make_async_copy(sig_hbm.at[core, pl.ds(off, _SB)],
                                  sgb[j], sg[j]).wait()

        def fire_vh(j):
            pltpu.async_copy(vh_hbm.at[i2[j]], vhb[j], sv[j])

        def wait_vh(j):
            pltpu.make_async_copy(vh_hbm.at[i2[j]], vhb[j], sv[j]).wait()

        def compute(j):
            def row_body(r, carry):
                for cv in range(_CC // 16):
                    slc = pl.ds(cv * 16, 16)
                    vhb[j][r, slc] = vhb[j][r, slc] * sgb[j][r, slc]
                return carry
            lax.fori_loop(0, _SB, row_body, 0)

        def fire_scat(j):
            buf = vhb[j] if phase == 0 else sgb[j]
            pltpu.async_copy(buf, acc.at[isc[j]], ss[j], add=True)

        def wait_scat(j):
            buf = vhb[j] if phase == 0 else sgb[j]
            pltpu.make_async_copy(buf, acc.at[isc[j]], ss[j]).wait()

        fire_idx(0, 0)
        fire_idx(1, 1)
        wait_idx(0, 0)
        build(0)
        if phase == 0:
            fire_vh(0)
        fire_sig(0, 0)

        def outer(r, carry):
            for jj in range(2):
                b = r * 2 + jj

                @pl.when(b < _SNB)
                def _():
                    @pl.when(b >= 1)
                    def _():
                        wait_scat(1 - jj)

                    @pl.when(b + 1 < _SNB)
                    def _():
                        wait_idx(b + 1, 1 - jj)
                        build(1 - jj)
                        if phase == 0:
                            fire_vh(1 - jj)
                        fire_sig(b + 1, 1 - jj)

                    @pl.when(b + 2 < _SNB)
                    def _():
                        fire_idx(b + 2, jj)

                    wait_sig(b, jj)
                    if phase == 0:
                        wait_vh(jj)
                        compute(jj)
                    fire_scat(jj)
            return carry

        lax.fori_loop(0, (_SNB + 2) // 2, outer, 0)
        wait_scat((_SNB - 1) % 2)
        plsc.subcore_barrier()
        pltpu.sync_copy(acc.at[pl.ds(rbase, _RPT)],
                        out_hbm.at[core + 2 * phase, pl.ds(rbase, _RPT)])


def _sc_seg(src3t, dst3, sigma2, vhflat, zeros_nc):
    mesh = plsc.VectorSubcoreMesh(core_axis_name="c", subcore_axis_name="s")
    f = functools.partial(
        pl.kernel,
        out_type=jax.ShapeDtypeStruct((4, _NPAD, _CC), jnp.float32),
        mesh=mesh,
        scratch_types=[
            pltpu.VMEM((_SB,), jnp.int32),
            pltpu.VMEM((_SB,), jnp.int32),
            pltpu.VMEM((_SB,), jnp.int32),
            pltpu.VMEM((_SB,), jnp.int32),
            pltpu.VMEM((_SB,), jnp.int32),
            pltpu.VMEM((_SB,), jnp.int32),
            pltpu.VMEM((_SB,), jnp.int32),
            pltpu.VMEM((_SB,), jnp.int32),
            pltpu.VMEM((_SB, _CC), jnp.float32),
            pltpu.VMEM((_SB, _CC), jnp.float32),
            pltpu.VMEM((_SB, _CC), jnp.float32),
            pltpu.VMEM((_SB, _CC), jnp.float32),
            pltpu.VMEM_SHARED((_NPAD, _CC), jnp.float32),
            pltpu.SemaphoreType.DMA,
            pltpu.SemaphoreType.DMA,
            pltpu.SemaphoreType.DMA,
            pltpu.SemaphoreType.DMA,
            pltpu.SemaphoreType.DMA,
            pltpu.SemaphoreType.DMA,
            pltpu.SemaphoreType.DMA,
            pltpu.SemaphoreType.DMA,
        ],
    )(_sc_seg_body)
    return f(src3t, dst3, sigma2, vhflat, zeros_nc)



def _node1_body(uh_ref, seg_ref, t_ref, stats_ref):
    i = pl.program_id(0)
    num = jnp.concatenate([seg_ref[0], seg_ref[1]], axis=1)
    den = jnp.concatenate([seg_ref[2], seg_ref[3]], axis=1)
    t = uh_ref[...] + num / (den + EPS)
    t_ref[...] = t

    @pl.when(i == 0)
    def _():
        stats_ref[...] = jnp.zeros_like(stats_ref)

    stats_ref[0:1, :] += jnp.sum(t, axis=0, keepdims=True)
    stats_ref[1:2, :] += jnp.sum(t * t, axis=0, keepdims=True)


def _node1(uh, seg):
    grid = (N // _NB,)
    return pl.pallas_call(
        _node1_body,
        grid=grid,
        in_specs=[
            pl.BlockSpec((_NB, D), lambda i: (i, 0)),
            pl.BlockSpec((4, _NB, _CC), lambda i: (0, i, 0)),
        ],
        out_specs=[
            pl.BlockSpec((_NB, D), lambda i: (i, 0)),
            pl.BlockSpec((8, D), lambda i: (0, 0)),
        ],
        out_shape=[
            jax.ShapeDtypeStruct((N, D), jnp.float32),
            jax.ShapeDtypeStruct((8, D), jnp.float32),
        ],
    )(uh, seg)



def _node2_body(t_ref, h0_ref, stats_ref, gh_ref, bh_ref, out_ref):
    mean = stats_ref[0:1, :] * (1.0 / N)
    var = stats_ref[1:2, :] * (1.0 / N) - mean * mean
    rstd = lax.rsqrt(var + EPS)
    norm = (t_ref[...] - mean) * (rstd * gh_ref[...]) + bh_ref[...]
    out_ref[...] = h0_ref[...] + jnp.maximum(norm, 0.0)


def _node2(t, h0, stats, gamma_h, beta_h):
    grid = (N // _NB,)
    return pl.pallas_call(
        _node2_body,
        grid=grid,
        in_specs=[
            pl.BlockSpec((_NB, D), lambda i: (i, 0)),
            pl.BlockSpec((_NB, D), lambda i: (i, 0)),
            pl.BlockSpec((8, D), lambda i: (0, 0)),
            pl.BlockSpec((1, D), lambda i: (0, 0)),
            pl.BlockSpec((1, D), lambda i: (0, 0)),
        ],
        out_specs=pl.BlockSpec((_NB, D), lambda i: (i, 0)),
        out_shape=jax.ShapeDtypeStruct((N, D), jnp.float32),
    )(t, h0, stats, gamma_h, beta_h)



def kernel(h, e, edge_index, W_emb_n, W_emb_e, W_eta, WU, bU, WV, bV,
           W1, b1, W2, b2, W3, b3, gamma_h, beta_h, gamma_e, beta_e):
    src = edge_index[0]
    dst = edge_index[1]
    src3 = src.reshape(_GW, _GNB, _GB)
    dst3 = dst.reshape(_GW, _GNB, _GB)
    srct = src.reshape(16, _SNB, _SB)
    dstt = dst.reshape(16, _SNB, _SB)

    Wstack = jnp.stack([W_emb_n, WU, WV, W2, W3])
    bstack = jnp.stack([jnp.zeros_like(bU), bU, bV, b2, b3])[:, None, :]
    HW = _node_mm(h, Wstack, bstack)
    h0, Uh, Vh, W2h, W3h = HW[0], HW[1], HW[2], HW[3], HW[4]

    g = _sc_gather(src3, dst3, W2h, W3h)

    stats_e = _edge1(e, g, W1, b1[None, :])
    e_new, sigma2 = _edge2(g, e, stats_e, b1[None, :], gamma_e[None, :],
                           beta_e[None, :], W1, W_emb_e, W_eta)

    vhflat = jnp.concatenate([Vh[:, 0:_CC], Vh[:, _CC:2 * _CC]], axis=0)
    zeros_nc = jnp.zeros((_RPT, _CC), jnp.float32)
    seg = _sc_seg(srct, dstt, sigma2, vhflat, zeros_nc)

    t, stats_h = _node1(Uh, seg)
    h_new = _node2(t, h0, stats_h, gamma_h[None, :], beta_h[None, :])
    return (h_new, e_new)

# --- scband reference (transcript-rebuilt; emitter-appended) ---
"""Pipeline reference for scband-gated-gcnlayer-6700148982558 (READ-ONLY COPY).

The authoritative reference and input builder live on the scoring server;
editing this copy changes nothing except your own understanding.
"""

import jax, jax.numpy as jnp
import numpy as np

EPS = 1e-05
N, E = 10000, 160000
DIN, DOUT, EIN, EOUT = 256, 256, 16, 256


def setup_inputs(seed: int = 0) -> dict:
    key = jax.random.key(seed)
    ks = jax.random.split(key, 16)

    def w(k, shape, fan_in):
        return jax.random.normal(k, shape, dtype=jnp.float32) * (1.0 / np.sqrt(fan_in))

    inp = {}
    inp['h'] = jax.random.normal(ks[0], (N, DIN), dtype=jnp.float32)
    inp['e'] = jax.random.normal(ks[1], (E, EIN), dtype=jnp.float32)
    inp['edge_index'] = jax.random.randint(ks[2], (2, E), 0, N, dtype=jnp.int32)
    # learned parameters (nn.Linear weights stored as [in, out] for x @ W)
    inp['W_emb_n'] = w(ks[3], (DIN, DOUT), DIN)
    inp['W_emb_e'] = w(ks[4], (EIN, EOUT), EIN)
    inp['W_eta'] = w(ks[5], (EOUT, DOUT), EOUT)
    inp['WU'] = w(ks[6], (DIN, DOUT), DIN)
    inp['bU'] = jnp.zeros((DOUT,), dtype=jnp.float32)
    inp['WV'] = w(ks[7], (DIN, DOUT), DIN)
    inp['bV'] = jnp.zeros((DOUT,), dtype=jnp.float32)
    inp['W1'] = w(ks[8], (EIN, EOUT), EIN)
    inp['b1'] = jnp.zeros((EOUT,), dtype=jnp.float32)
    inp['W2'] = w(ks[9], (DIN, EOUT), DIN)
    inp['b2'] = jnp.zeros((EOUT,), dtype=jnp.float32)
    inp['W3'] = w(ks[10], (DIN, EOUT), DIN)
    inp['b3'] = jnp.zeros((EOUT,), dtype=jnp.float32)
    inp['gamma_h'] = jnp.ones((DOUT,), dtype=jnp.float32)
    inp['beta_h'] = jnp.zeros((DOUT,), dtype=jnp.float32)
    inp['gamma_e'] = jnp.ones((EOUT,), dtype=jnp.float32)
    inp['beta_e'] = jnp.zeros((EOUT,), dtype=jnp.float32)
    return inp


def _bn(x, g, b):
    m = jnp.mean(x, axis=0)
    v = jnp.var(x, axis=0)
    return (x - m) * jax.lax.rsqrt(v + 1e-05) * g + b


def reference(h, e, edge_index, W_emb_n, W_emb_e, W_eta, WU, bU, WV, bV, W1, b1, W2, b2, W3, b3, gamma_h, beta_h, gamma_e, beta_e):
    src = edge_index[0]
    dst = edge_index[1]
    h0 = h @ W_emb_n
    Uh = h @ WU + bU
    Vh = h @ WV + bV
    W2h = h @ W2 + b2
    W3h = h @ W3 + b3
    e0 = e @ W_emb_e
    W1e = e @ W1 + b1
    # message: e_ij = e + relu(BN(W1e + W2h_src + W3h_dst))
    pre_e = W1e + jnp.take(W2h, src, axis=0) + jnp.take(W3h, dst, axis=0)
    e_new = e0 + jax.nn.relu(_bn(pre_e, gamma_e, beta_e))
    # reduce: gated aggregation of Vh_j over incoming edges at dst
    sigma = jax.nn.sigmoid(e_new) @ W_eta
    Vh_src = jnp.take(Vh, src, axis=0)
    num = jax.ops.segment_sum(sigma * Vh_src, dst, num_segments=N)
    den = jax.ops.segment_sum(sigma, dst, num_segments=N)
    h_new = h0 + jax.nn.relu(_bn(Uh + num / (den + EPS), gamma_h, beta_h))
    return (h_new, e_new)

if __name__ == "__main__":
    import jax
    _d = setup_inputs()
    print(jax.jit(kernel)(*tuple(_d.values())))

</pallas_src>

<mosaic_0001>
#map = affine_map<(d0, d1) -> (0, 0, 0)>
#map1 = affine_map<(d0, d1) -> (0, 0)>
module attributes {stable_mosaic.version = 14 : i64} {
  func.func @_sc_gather_body(%arg0: i32, %arg1: i32, %arg2: memref<32x125x40xi32, #tpu.memory_space<hbm>>, %arg3: memref<32x125x40xi32, #tpu.memory_space<hbm>>, %arg4: memref<10000x256xf32, #tpu.memory_space<hbm>>, %arg5: memref<10000x256xf32, #tpu.memory_space<hbm>>, %arg6: memref<160000x256xf32, #tpu.memory_space<hbm>>, %arg7: memref<125x40xi32, #tpu.memory_space<vmem>>, %arg8: memref<125x40xi32, #tpu.memory_space<vmem>>, %arg9: memref<40x256xf32, #tpu.memory_space<vmem>>, %arg10: memref<40x256xf32, #tpu.memory_space<vmem>>, %arg11: memref<40x256xf32, #tpu.memory_space<vmem>>, %arg12: memref<40x256xf32, #tpu.memory_space<vmem>>, %arg13: memref<!tpu.dma_semaphore, #tpu.memory_space<semaphore_mem>>, %arg14: memref<!tpu.dma_semaphore, #tpu.memory_space<semaphore_mem>>, %arg15: memref<!tpu.dma_semaphore, #tpu.memory_space<semaphore_mem>>, %arg16: memref<!tpu.dma_semaphore, #tpu.memory_space<semaphore_mem>>, %arg17: memref<!tpu.dma_semaphore, #tpu.memory_space<semaphore_mem>>) attributes {dimension_semantics = [#tpu.dimension_semantics<core_parallel>, #tpu.dimension_semantics<subcore_parallel>], iteration_bounds = array<i64: 2, 16>, scalar_prefetch = 0 : i64, scratch_operands = 11 : i64, tpu.core_type = #tpu.core_type<sc_vector_subcore>, window_params = [{transform_indices = #map}, {transform_indices = #map}, {transform_indices = #map1}, {transform_indices = #map1}, {transform_indices = #map1}]} {
    %mul3A = arith.constant 2 : i32
    %mul3A_0 = arith.muli %arg1, %mul3A : i32
    %add3A = arith.addi %mul3A_0, %arg0 : i32
    %mul3A_1 = arith.constant 5000 : i32
    %mul3A_2 = arith.muli %add3A, %mul3A_1 : i32
    %dma_start3A = arith.constant 0 : i32
    %dma_start3A_3 = arith.constant 0 : i32
    %dma_start3A_4 = tpu.memref_slice %arg2[%add3A, %dma_start3A, %dma_start3A_3] : memref<32x125x40xi32, #tpu.memory_space<hbm>> -> memref<1x125x40xi32, #tpu.memory_space<hbm>>
    %dma_start3A_5 = tpu.memref_squeeze %dma_start3A_4 : memref<1x125x40xi32, #tpu.memory_space<hbm>> -> memref<125x40xi32, #tpu.memory_space<hbm>>
    %dma_start3A_6 = arith.constant 0 : i32
    %dma_start3A_7 = arith.constant 0 : i32
    %dma_start3A_8 = tpu.memref_slice %arg2[%add3A, %dma_start3A_6, %dma_start3A_7] : memref<32x125x40xi32, #tpu.memory_space<hbm>> -> memref<1x125x40xi32, #tpu.memory_space<hbm>>
    %dma_start3A_9 = tpu.memref_squeeze %dma_start3A_8 : memref<1x125x40xi32, #tpu.memory_space<hbm>> -> memref<125x40xi32, #tpu.memory_space<hbm>>
    tpu.enqueue_dma source(%dma_start3A_9 : memref<125x40xi32, #tpu.memory_space<hbm>>) target(%arg7 : memref<125x40xi32, #tpu.memory_space<vmem>>) target_semaphore(%arg13 : memref<!tpu.dma_semaphore, #tpu.memory_space<semaphore_mem>>)
    %dma_wait3A = arith.constant 0 : i32
    %dma_wait3A_10 = arith.constant 0 : i32
    %dma_wait3A_11 = tpu.memref_slice %arg2[%add3A, %dma_wait3A, %dma_wait3A_10] : memref<32x125x40xi32, #tpu.memory_space<hbm>> -> memref<1x125x40xi32, #tpu.memory_space<hbm>>
    %dma_wait3A_12 = tpu.memref_squeeze %dma_wait3A_11 : memref<1x125x40xi32, #tpu.memory_space<hbm>> -> memref<125x40xi32, #tpu.memory_space<hbm>>
    %dma_wait3A_13 = arith.constant 0 : i32
    %dma_wait3A_14 = arith.constant 0 : i32
    %dma_wait3A_15 = tpu.memref_slice %arg2[%add3A, %dma_wait3A_13, %dma_wait3A_14] : memref<32x125x40xi32, #tpu.memory_space<hbm>> -> memref<1x125x40xi32, #tpu.memory_space<hbm>>
    %dma_wait3A_16 = tpu.memref_squeeze %dma_wait3A_15 : memref<1x125x40xi32, #tpu.memory_space<hbm>> -> memref<125x40xi32, #tpu.memory_space<hbm>>
    tpu.wait_dma2 semaphore(%arg13 : memref<!tpu.dma_semaphore, #tpu.memory_space<semaphore_mem>>) src(%dma_wait3A_16 : memref<125x40xi32, #tpu.memory_space<hbm>>) dst(%arg7 : memref<125x40xi32, #tpu.memory_space<vmem>>)
    %dma_start3A_17 = arith.constant 0 : i32
    %dma_start3A_18 = arith.constant 0 : i32
    %dma_start3A_19 = tpu.memref_slice %arg3[%add3A, %dma_start3A_17, %dma_start3A_18] : memref<32x125x40xi32, #tpu.memory_space<hbm>> -> memref<1x125x40xi32, #tpu.memory_space<hbm>>
    %dma_start3A_20 = tpu.memref_squeeze %dma_start3A_19 : memref<1x125x40xi32, #tpu.memory_space<hbm>> -> memref<125x40xi32, #tpu.memory_space<hbm>>
    %dma_start3A_21 = arith.constant 0 : i32
    %dma_start3A_22 = arith.constant 0 : i32
    %dma_start3A_23 = tpu.memref_slice %arg3[%add3A, %dma_start3A_21, %dma_start3A_22] : memref<32x125x40xi32, #tpu.memory_space<hbm>> -> memref<1x125x40xi32, #tpu.memory_space<hbm>>
    %dma_start3A_24 = tpu.memref_squeeze %dma_start3A_23 : memref<1x125x40xi32, #tpu.memory_space<hbm>> -> memref<125x40xi32, #tpu.memory_space<hbm>>
    tpu.enqueue_dma source(%dma_start3A_24 : memref<125x40xi32, #tpu.memory_space<hbm>>) target(%arg8 : memref<125x40xi32, #tpu.memory_space<vmem>>) target_semaphore(%arg13 : memref<!tpu.dma_semaphore, #tpu.memory_space<semaphore_mem>>)
    %dma_wait3A_25 = arith.constant 0 : i32
    %dma_wait3A_26 = arith.constant 0 : i32
    %dma_wait3A_27 = tpu.memref_slice %arg3[%add3A, %dma_wait3A_25, %dma_wait3A_26] : memref<32x125x40xi32, #tpu.memory_space<hbm>> -> memref<1x125x40xi32, #tpu.memory_space<hbm>>
    %dma_wait3A_28 = tpu.memref_squeeze %dma_wait3A_27 : memref<1x125x40xi32, #tpu.memory_space<hbm>> -> memref<125x40xi32, #tpu.memory_space<hbm>>
    %dma_wait3A_29 = arith.constant 0 : i32
    %dma_wait3A_30 = arith.constant 0 : i32
    %dma_wait3A_31 = tpu.memref_slice %arg3[%add3A, %dma_wait3A_29, %dma_wait3A_30] : memref<32x125x40xi32, #tpu.memory_space<hbm>> -> memref<1x125x40xi32, #tpu.memory_space<hbm>>
    %dma_wait3A_32 = tpu.memref_squeeze %dma_wait3A_31 : memref<1x125x40xi32, #tpu.memory_space<hbm>> -> memref<125x40xi32, #tpu.memory_space<hbm>>
    tpu.wait_dma2 semaphore(%arg13 : memref<!tpu.dma_semaphore, #tpu.memory_space<semaphore_mem>>) src(%dma_wait3A_32 : memref<125x40xi32, #tpu.memory_space<hbm>>) dst(%arg8 : memref<125x40xi32, #tpu.memory_space<vmem>>)
    %dma_start3A_33 = arith.constant 0 : i32
    %dma_start3A_34 = arith.constant 0 : i32
    %dma_start3A_35 = tpu.memref_slice %arg7[%dma_start3A_33, %dma_start3A_34] : memref<125x40xi32, #tpu.memory_space<vmem>> -> memref<1x40xi32, #tpu.memory_space<vmem>>
    %dma_start3A_36 = tpu.memref_squeeze %dma_start3A_35 : memref<1x40xi32, #tpu.memory_space<vmem>> -> memref<40xi32, #tpu.memory_space<vmem>>
    %dma_start3A_37 = arith.constant 0 : i32
    %dma_start3A_38 = arith.constant 0 : i32
    %dma_start3A_39 = tpu.memref_slice %arg4[%dma_start3A_37, %dma_start3A_38] : memref<10000x256xf32, #tpu.memory_space<hbm>> -> memref<10000x256xf32, #tpu.memory_space<hbm>>
    tpu.enqueue_indirect_dma source(%dma_start3A_39 : memref<10000x256xf32, #tpu.memory_space<hbm>>) target(%arg9 : memref<40x256xf32, #tpu.memory_space<vmem>>) offsets(%dma_start3A_36 : memref<40xi32, #tpu.memory_space<vmem>>) semaphore(%arg14 : memref<!tpu.dma_semaphore, #tpu.memory_space<semaphore_mem>>)
    %dma_start3A_40 = arith.constant 0 : i32
    %dma_start3A_41 = arith.constant 0 : i32
    %dma_start3A_42 = tpu.memref_slice %arg8[%dma_start3A_40, %dma_start3A_41] : memref<125x40xi32, #tpu.memory_space<vmem>> -> memref<1x40xi32, #tpu.memory_space<vmem>>
    %dma_start3A_43 = tpu.memref_squeeze %dma_start3A_42 : memref<1x40xi32, #tpu.memory_space<vmem>> -> memref<40xi32, #tpu.memory_space<vmem>>
    %dma_start3A_44 = arith.constant 0 : i32
    %dma_start3A_45 = arith.constant 0 : i32
    %dma_start3A_46 = tpu.memref_slice %arg5[%dma_start3A_44, %dma_start3A_45] : memref<10000x256xf32, #tpu.memory_space<hbm>> -> memref<10000x256xf32, #tpu.memory_space<hbm>>
    tpu.enqueue_indirect_dma source(%dma_start3A_46 : memref<10000x256xf32, #tpu.memory_space<hbm>>) target(%arg11 : memref<40x256xf32, #tpu.memory_space<vmem>>) offsets(%dma_start3A_43 : memref<40xi32, #tpu.memory_space<vmem>>) semaphore(%arg14 : memref<!tpu.dma_semaphore, #tpu.memory_space<semaphore_mem>>)
    %scan3A = arith.constant 0 : i32
    %scan3A_47 = arith.constant 0 : i32
    %scan3A_48 = arith.constant 63 : i32
    %scan3A_49 = arith.addi %scan3A_47, %scan3A_48 : i32
    %scan3A_50 = arith.constant 1 : i32
    scf.for %scan3A_58 = %scan3A_47 to %scan3A_49 step %scan3A_50  : i32 {
      %mul3A_59 = arith.constant 2 : i32
      %mul3A_60 = arith.muli %scan3A_58, %mul3A_59 : i32
      %add3A_61 = arith.constant 0 : i32
      %add3A_62 = arith.addi %mul3A_60, %add3A_61 : i32
      %lt3A = arith.constant 125 : i32
      %lt3A_63 = arith.cmpi slt, %add3A_62, %lt3A : i32
      %convert_element_type3A = arith.extui %lt3A_63 : i1 to i32
      %cond3A = arith.constant 0 : i32
      %cond3A_64 = arith.cmpi ne, %convert_element_type3A, %cond3A : i32
      scf.if %cond3A_64 {
        %ge3A = arith.constant 1 : i32
        %ge3A_74 = arith.cmpi sge, %add3A_62, %ge3A : i32
        %convert_element_type3A_75 = arith.extui %ge3A_74 : i1 to i32
        %cond3A_76 = arith.constant 0 : i32
        %cond3A_77 = arith.cmpi ne, %convert_element_type3A_75, %cond3A_76 : i32
        scf.if %cond3A_77 {
          %sub3A = arith.constant 1 : i32
          %sub3A_110 = arith.subi %add3A_62, %sub3A : i32
          %mul3A_111 = arith.constant 40 : i32
          %mul3A_112 = arith.muli %sub3A_110, %mul3A_111 : i32
          %add3A_113 = arith.addi %mul3A_2, %mul3A_112 : i32
          %dma_wait3A_114 = arith.constant 0 : i32
          %dma_wait3A_115 = tpu.memref_slice %arg6[%add3A_113, %dma_wait3A_114] : memref<160000x256xf32, #tpu.memory_space<hbm>> -> memref<40x256xf32, #tpu.memory_space<hbm>>
          %dma_wait3A_116 = arith.constant 0 : i32
          %dma_wait3A_117 = tpu.memref_slice %arg6[%add3A_113, %dma_wait3A_116] : memref<160000x256xf32, #tpu.memory_space<hbm>> -> memref<40x256xf32, #tpu.memory_space<hbm>>
          tpu.wait_dma2 semaphore(%arg17 : memref<!tpu.dma_semaphore, #tpu.memory_space<semaphore_mem>>) src(%arg10 : memref<40x256xf32, #tpu.memory_space<vmem>>) dst(%dma_wait3A_117 : memref<40x256xf32, #tpu.memory_space<hbm>>)
        } else {
        }
        %add3A_78 = arith.constant 1 : i32
        %add3A_79 = arith.addi %add3A_62, %add3A_78 : i32
        %lt3A_80 = arith.constant 125 : i32
        %lt3A_81 = arith.cmpi slt, %add3A_79, %lt3A_80 : i32
        %convert_element_type3A_82 = arith.extui %lt3A_81 : i1 to i32
        %cond3A_83 = arith.constant 0 : i32
        %cond3A_84 = arith.cmpi ne, %convert_element_type3A_82, %cond3A_83 : i32
        scf.if %cond3A_84 {
          %add3A_110 = arith.constant 1 : i32
          %add3A_111 = arith.addi %add3A_62, %add3A_110 : i32
          %dma_start3A_112 = arith.constant 0 : i32
          %dma_start3A_113 = tpu.memref_slice %arg7[%add3A_111, %dma_start3A_112] : memref<125x40xi32, #tpu.memory_space<vmem>> -> memref<1x40xi32, #tpu.memory_space<vmem>>
          %dma_start3A_114 = tpu.memref_squeeze %dma_start3A_113 : memref<1x40xi32, #tpu.memory_space<vmem>> -> memref<40xi32, #tpu.memory_space<vmem>>
          %dma_start3A_115 = arith.constant 0 : i32
          %dma_start3A_116 = arith.constant 0 : i32
          %dma_start3A_117 = tpu.memref_slice %arg4[%dma_start3A_115, %dma_start3A_116] : memref<10000x256xf32, #tpu.memory_space<hbm>> -> memref<10000x256xf32, #tpu.memory_space<hbm>>
          tpu.enqueue_indirect_dma source(%dma_start3A_117 : memref<10000x256xf32, #tpu.memory_space<hbm>>) target(%arg10 : memref<40x256xf32, #tpu.memory_space<vmem>>) offsets(%dma_start3A_114 : memref<40xi32, #tpu.memory_space<vmem>>) semaphore(%arg15 : memref<!tpu.dma_semaphore, #tpu.memory_space<semaphore_mem>>)
          %dma_start3A_118 = arith.constant 0 : i32
          %dma_start3A_119 = tpu.memref_slice %arg8[%add3A_111, %dma_start3A_118] : memref<125x40xi32, #tpu.memory_space<vmem>> -> memref<1x40xi32, #tpu.memory_space<vmem>>
          %dma_start3A_120 = tpu.memref_squeeze %dma_start3A_119 : memref<1x40xi32, #tpu.memory_space<vmem>> -> memref<40xi32, #tpu.memory_space<vmem>>
          %dma_start3A_121 = arith.constant 0 : i32
          %dma_start3A_122 = arith.constant 0 : i32
          %dma_start3A_123 = tpu.memref_slice %arg5[%dma_start3A_121, %dma_start3A_122] : memref<10000x256xf32, #tpu.memory_space<hbm>> -> memref<10000x256xf32, #tpu.memory_space<hbm>>
          tpu.enqueue_indirect_dma source(%dma_start3A_123 : memref<10000x256xf32, #tpu.memory_space<hbm>>) target(%arg12 : memref<40x256xf32, #tpu.memory_space<vmem>>) offsets(%dma_start3A_120 : memref<40xi32, #tpu.memory_space<vmem>>) semaphore(%arg15 : memref<!tpu.dma_semaphore, #tpu.memory_space<semaphore_mem>>)
        } else {
        }
        %dma_wait3A_85 = arith.constant 0 : i32
        %dma_wait3A_86 = tpu.memref_slice %arg7[%add3A_62, %dma_wait3A_85] : memref<125x40xi32, #tpu.memory_space<vmem>> -> memref<1x40xi32, #tpu.memory_space<vmem>>
        %dma_wait3A_87 = tpu.memref_squeeze %dma_wait3A_86 : memref<1x40xi32, #tpu.memory_space<vmem>> -> memref<40xi32, #tpu.memory_space<vmem>>
        %dma_wait3A_88 = arith.constant 0 : i32
        %dma_wait3A_89 = arith.constant 0 : i32
        %dma_wait3A_90 = tpu.memref_slice %arg4[%dma_wait3A_88, %dma_wait3A_89] : memref<10000x256xf32, #tpu.memory_space<hbm>> -> memref<10000x256xf32, #tpu.memory_space<hbm>>
        tpu.wait_indirect_dma semaphore(%arg14 : memref<!tpu.dma_semaphore, #tpu.memory_space<semaphore_mem>>) src(%dma_wait3A_90 : memref<10000x256xf32, #tpu.memory_space<hbm>>) dst(%arg9 : memref<40x256xf32, #tpu.memory_space<vmem>>)
        %dma_wait3A_91 = arith.constant 0 : i32
        %dma_wait3A_92 = tpu.memref_slice %arg8[%add3A_62, %dma_wait3A_91] : memref<125x40xi32, #tpu.memory_space<vmem>> -> memref<1x40xi32, #tpu.memory_space<vmem>>
        %dma_wait3A_93 = tpu.memref_squeeze %dma_wait3A_92 : memref<1x40xi32, #tpu.memory_space<vmem>> -> memref<40xi32, #tpu.memory_space<vmem>>
        %dma_wait3A_94 = arith.constant 0 : i32
        %dma_wait3A_95 = arith.constant 0 : i32
        %dma_wait3A_96 = tpu.memref_slice %arg5[%dma_wait3A_94, %dma_wait3A_95] : memref<10000x256xf32, #tpu.memory_space<hbm>> -> memref<10000x256xf32, #tpu.memory_space<hbm>>
        tpu.wait_indirect_dma semaphore(%arg14 : memref<!tpu.dma_semaphore, #tpu.memory_space<semaphore_mem>>) src(%dma_wait3A_96 : memref<10000x256xf32, #tpu.memory_space<hbm>>) dst(%arg11 : memref<40x256xf32, #tpu.memory_space<vmem>>)
        %scan3A_97 = arith.constant 0 : i32
        %scan3A_98 = arith.constant 0 : i32
        %scan3A_99 = arith.constant 40 : i32
        %scan3A_100 = arith.addi %scan3A_98, %scan3A_99 : i32
        %scan3A_101 = arith.constant 1 : i32
        scf.for %scan3A_110 = %scan3A_98 to %scan3A_100 step %scan3A_101  : i32 {
          %get3A = arith.index_cast %scan3A_110 : i32 to index
          %get3A_111 = arith.constant 0 : index
          %get3A_112 = tpu.vector_load %arg9[%get3A, %get3A_111] {strides = array<i32>} : memref<40x256xf32, #tpu.memory_space<vmem>>, vector<1x16xf32>,
          %get3A_113 = vector.shape_cast %get3A_112 : vector<1x16xf32> to vector<16xf32>
          %get3A_114 = arith.index_cast %scan3A_110 : i32 to index
          %get3A_115 = arith.constant 0 : index
          %get3A_116 = tpu.vector_load %arg11[%get3A_114, %get3A_115] {strides = array<i32>} : memref<40x256xf32, #tpu.memory_space<vmem>>, vector<1x16xf32>,
          %get3A_117 = vector.shape_cast %get3A_116 : vector<1x16xf32> to vector<16xf32>
          %add3A_118 = arith.addf %get3A_113, %get3A_117 : vector<16xf32>
          %swap3A = arith.index_cast %scan3A_110 : i32 to index
          %swap3A_119 = arith.constant 0 : index
          %swap3A_120 = tpu.vector_load %arg9[%swap3A, %swap3A_119] {strides = array<i32>} : memref<40x256xf32, #tpu.memory_space<vmem>>, vector<1x16xf32>,
          %swap3A_121 = vector.shape_cast %swap3A_120 : vector<1x16xf32> to vector<16xf32>
          %swap3A_122 = vector.shape_cast %add3A_118 : vector<16xf32> to vector<1x16xf32>
          tpu.vector_store %arg9[%swap3A, %swap3A_119], %swap3A_122 {strides = array<i32>} : memref<40x256xf32, #tpu.memory_space<vmem>>, vector<1x16xf32>,
          %get3A_123 = arith.index_cast %scan3A_110 : i32 to index
          %get3A_124 = arith.constant 16 : index
          %get3A_125 = tpu.vector_load %arg9[%get3A_123, %get3A_124] {strides = array<i32>} : memref<40x256xf32, #tpu.memory_space<vmem>>, vector<1x16xf32>,
          %get3A_126 = vector.shape_cast %get3A_125 : vector<1x16xf32> to vector<16xf32>
          %get3A_127 = arith.index_cast %scan3A_110 : i32 to index
          %get3A_128 = arith.constant 16 : index
          %get3A_129 = tpu.vector_load %arg11[%get3A_127, %get3A_128] {strides = array<i32>} : memref<40x256xf32, #tpu.memory_space<vmem>>, vector<1x16xf32>,
          %get3A_130 = vector.shape_cast %get3A_129 : vector<1x16xf32> to vector<16xf32>
          %add3A_131 = arith.addf %get3A_126, %get3A_130 : vector<16xf32>
          %swap3A_132 = arith.index_cast %scan3A_110 : i32 to index
          %swap3A_133 = arith.constant 16 : index
          %swap3A_134 = tpu.vector_load %arg9[%swap3A_132, %swap3A_133] {strides = array<i32>} : memref<40x256xf32, #tpu.memory_space<vmem>>, vector<1x16xf32>,
          %swap3A_135 = vector.shape_cast %swap3A_134 : vector<1x16xf32> to vector<16xf32>
          %swap3A_136 = vector.shape_cast %add3A_131 : vector<16xf32> to vector<1x16xf32>
          tpu.vector_store %arg9[%swap3A_132, %swap3A_133], %swap3A_136 {strides = array<i32>} : memref<40x256xf32, #tpu.memory_space<vmem>>, vector<1x16xf32>,
          %get3A_137 = arith.index_cast %scan3A_110 : i32 to index
          %get3A_138 = arith.constant 32 : index
          %get3A_139 = tpu.vector_load %arg9[%get3A_137, %get3A_138] {strides = array<i32>} : memref<40x256xf32, #tpu.memory_space<vmem>>, vector<1x16xf32>,
          %get3A_140 = vector.shape_cast %get3A_139 : vector<1x16xf32> to vector<16xf32>
          %get3A_141 = arith.index_cast %scan3A_110 : i32 to index
          %get3A_142 = arith.constant 32 : index
          %get3A_143 = tpu.vector_load %arg11[%get3A_141, %get3A_142] {strides = array<i32>} : memref<40x256xf32, #tpu.memory_space<vmem>>, vector<1x16xf32>,
          %get3A_144 = vector.shape_cast %get3A_143 : vector<1x16xf32> to vector<16xf32>
          %add3A_145 = arith.addf %get3A_140, %get3A_144 : vector<16xf32>
          %swap3A_146 = arith.index_cast %scan3A_110 : i32 to index
          %swap3A_147 = arith.constant 32 : index
          %swap3A_148 = tpu.vector_load %arg9[%swap3A_146, %swap3A_147] {strides = array<i32>} : memref<40x256xf32, #tpu.memory_space<vmem>>, vector<1x16xf32>,
          %swap3A_149 = vector.shape_cast %swap3A_148 : vector<1x16xf32> to vector<16xf32>
          %swap3A_150 = vector.shape_cast %add3A_145 : vector<16xf32> to vector<1x16xf32>
          tpu.vector_store %arg9[%swap3A_146, %swap3A_147], %swap3A_150 {strides = array<i32>} : memref<40x256xf32, #tpu.memory_space<vmem>>, vector<1x16xf32>,
          %get3A_151 = arith.index_cast %scan3A_110 : i32 to index
          %get3A_152 = arith.constant 48 : index
          %get3A_153 = tpu.vector_load %arg9[%get3A_151, %get3A_152] {strides = array<i32>} : memref<40x256xf32, #tpu.memory_space<vmem>>, vector<1x16xf32>,
          %get3A_154 = vector.shape_cast %get3A_153 : vector<1x16xf32> to vector<16xf32>
          %get3A_155 = arith.index_cast %scan3A_110 : i32 to index
          %get3A_156 = arith.constant 48 : index
          %get3A_157 = tpu.vector_load %arg11[%get3A_155, %get3A_156] {strides = array<i32>} : memref<40x256xf32, #tpu.memory_space<vmem>>, vector<1x16xf32>,
          %get3A_158 = vector.shape_cast %get3A_157 : vector<1x16xf32> to vector<16xf32>
          %add3A_159 = arith.addf %get3A_154, %get3A_158 : vector<16xf32>
          %swap3A_160 = arith.index_cast %scan3A_110 : i32 to index
          %swap3A_161 = arith.constant 48 : index
          %swap3A_162 = tpu.vector_load %arg9[%swap3A_160, %swap3A_161] {strides = array<i32>} : memref<40x256xf32, #tpu.memory_space<vmem>>, vector<1x16xf32>,
          %swap3A_163 = vector.shape_cast %swap3A_162 : vector<1x16xf32> to vector<16xf32>
          %swap3A_164 = vector.shape_cast %add3A_159 : vector<16xf32> to vector<1x16xf32>
          tpu.vector_store %arg9[%swap3A_160, %swap3A_161], %swap3A_164 {strides = array<i32>} : memref<40x256xf32, #tpu.memory_space<vmem>>, vector<1x16xf32>,
          %get3A_165 = arith.index_cast %scan3A_110 : i32 to index
          %get3A_166 = arith.constant 64 : index
          %get3A_167 = tpu.vector_load %arg9[%get3A_165, %get3A_166] {strides = array<i32>} : memref<40x256xf32, #tpu.memory_space<vmem>>, vector<1x16xf32>,
          %get3A_168 = vector.shape_cast %get3A_167 : vector<1x16xf32> to vector<16xf32>
          %get3A_169 = arith.index_cast %scan3A_110 : i32 to index
          %get3A_170 = arith.constant 64 : index
          %get3A_171 = tpu.vector_load %arg11[%get3A_169, %get3A_170] {strides = array<i32>} : memref<40x256xf32, #tpu.memory_space<vmem>>, vector<1x16xf32>,
          %get3A_172 = vector.shape_cast %get3A_171 : vector<1x16xf32> to vector<16xf32>
          %add3A_173 = arith.addf %get3A_168, %get3A_172 : vector<16xf32>
          %swap3A_174 = arith.index_cast %scan3A_110 : i32 to index
          %swap3A_175 = arith.constant 64 : index
          %swap3A_176 = tpu.vector_load %arg9[%swap3A_174, %swap3A_175] {strides = array<i32>} : memref<40x256xf32, #tpu.memory_space<vmem>>, vector<1x16xf32>,
          %swap3A_177 = vector.shape_cast %swap3A_176 : vector<1x16xf32> to vector<16xf32>
          %swap3A_178 = vector.shape_cast %add3A_173 : vector<16xf32> to vector<1x16xf32>
          tpu.vector_store %arg9[%swap3A_174, %swap3A_175], %swap3A_178 {strides = array<i32>} : memref<40x256xf32, #tpu.memory_space<vmem>>, vector<1x16xf32>,
          %get3A_179 = arith.index_cast %scan3A_110 : i32 to index
          %get3A_180 = arith.constant 80 : index
          %get3A_181 = tpu.vector_load %arg9[%get3A_179, %get3A_180] {strides = array<i32>} : memref<40x256xf32, #tpu.memory_space<vmem>>, vector<1x16xf32>,
          %get3A_182 = vector.shape_cast %get3A_181 : vector<1x16xf32> to vector<16xf32>
          %get3A_183 = arith.index_cast %scan3A_110 : i32 to index
          %get3A_184 = arith.constant 80 : index
          %get3A_185 = tpu.vector_load %arg11[%get3A_183, %get3A_184] {strides = array<i32>} : memref<40x256xf32, #tpu.memory_space<vmem>>, vector<1x16xf32>,
          %get3A_186 = vector.shape_cast %get3A_185 : vector<1x16xf32> to vector<16xf32>
          %add3A_187 = arith.addf %get3A_182, %get3A_186 : vector<16xf32>
          %swap3A_188 = arith.index_cast %scan3A_110 : i32 to index
          %swap3A_189 = arith.constant 80 : index
          %swap3A_190 = tpu.vector_load %arg9[%swap3A_188, %swap3A_189] {strides = array<i32>} : memref<40x256xf32, #tpu.memory_space<vmem>>, vector<1x16xf32>,
          %swap3A_191 = vector.shape_cast %swap3A_190 : vector<1x16xf32> to vector<16xf32>
          %swap3A_192 = vector.shape_cast %add3A_187 : vector<16xf32> to vector<1x16xf32>
          tpu.vector_store %arg9[%swap3A_188, %swap3A_189], %swap3A_192 {strides = array<i32>} : memref<40x256xf32, #tpu.memory_space<vmem>>, vector<1x16xf32>,
          %get3A_193 = arith.index_cast %scan3A_110 : i32 to index
          %get3A_194 = arith.constant 96 : index
          %get3A_195 = tpu.vector_load %arg9[%get3A_193, %get3A_194] {strides = array<i32>} : memref<40x256xf32, #tpu.memory_space<vmem>>, vector<1x16xf32>,
          %get3A_196 = vector.shape_cast %get3A_195 : vector<1x16xf32> to vector<16xf32>
          %get3A_197 = arith.index_cast %scan3A_110 : i32 to index
          %get3A_198 = arith.constant 96 : index
          %get3A_199 = tpu.vector_load %arg11[%get3A_197, %get3A_198] {strides = array<i32>} : memref<40x256xf32, #tpu.memory_space<vmem>>, vector<1x16xf32>,
          %get3A_200 = vector.shape_cast %get3A_199 : vector<1x16xf32> to vector<16xf32>
          %add3A_201 = arith.addf %get3A_196, %get3A_200 : vector<16xf32>
          %swap3A_202 = arith.index_cast %scan3A_110 : i32 to index
          %swap3A_203 = arith.constant 96 : index
          %swap3A_204 = tpu.vector_load %arg9[%swap3A_202, %swap3A_203] {strides = array<i32>} : memref<40x256xf32, #tpu.memory_space<vmem>>, vector<1x16xf32>,
          %swap3A_205 = vector.shape_cast %swap3A_204 : vector<1x16xf32> to vector<16xf32>
          %swap3A_206 = vector.shape_cast %add3A_201 : vector<16xf32> to vector<1x16xf32>
          tpu.vector_store %arg9[%swap3A_202, %swap3A_203], %swap3A_206 {strides = array<i32>} : memref<40x256xf32, #tpu.memory_space<vmem>>, vector<1x16xf32>,
          %get3A_207 = arith.index_cast %scan3A_110 : i32 to index
          %get3A_208 = arith.constant 112 : index
          %get3A_209 = tpu.vector_load %arg9[%get3A_207, %get3A_208] {strides = array<i32>} : memref<40x256xf32, #tpu.memory_space<vmem>>, vector<1x16xf32>,
          %get3A_210 = vector.shape_cast %get3A_209 : vector<1x16xf32> to vector<16xf32>
          %get3A_211 = arith.index_cast %scan3A_110 : i32 to index
          %get3A_212 = arith.constant 112 : index
          %get3A_213 = tpu.vector_load %arg11[%get3A_211, %get3A_212] {strides = array<i32>} : memref<40x256xf32, #tpu.memory_space<vmem>>, vector<1x16xf32>,
          %get3A_214 = vector.shape_cast %get3A_213 : vector<1x16xf32> to vector<16xf32>
          %add3A_215 = arith.addf %get3A_210, %get3A_214 : vector<16xf32>
          %swap3A_216 = arith.index_cast %scan3A_110 : i32 to index
          %swap3A_217 = arith.constant 112 : index
          %swap3A_218 = tpu.vector_load %arg9[%swap3A_216, %swap3A_217] {strides = array<i32>} : memref<40x256xf32, #tpu.memory_space<vmem>>, vector<1x16xf32>,
          %swap3A_219 = vector.shape_cast %swap3A_218 : vector<1x16xf32> to vector<16xf32>
          %swap3A_220 = vector.shape_cast %add3A_215 : vector<16xf32> to vector<1x16xf32>
          tpu.vector_store %arg9[%swap3A_216, %swap3A_217], %swap3A_220 {strides = array<i32>} : memref<40x256xf32, #tpu.memory_space<vmem>>, vector<1x16xf32>,
          %get3A_221 = arith.index_cast %scan3A_110 : i32 to index
          %get3A_222 = arith.constant 128 : index
          %get3A_223 = tpu.vector_load %arg9[%get3A_221, %get3A_222] {strides = array<i32>} : memref<40x256xf32, #tpu.memory_space<vmem>>, vector<1x16xf32>,
          %get3A_224 = vector.shape_cast %get3A_223 : vector<1x16xf32> to vector<16xf32>
          %get3A_225 = arith.index_cast %scan3A_110 : i32 to index
          %get3A_226 = arith.constant 128 : index
          %get3A_227 = tpu.vector_load %arg11[%get3A_225, %get3A_226] {strides = array<i32>} : memref<40x256xf32, #tpu.memory_space<vmem>>, vector<1x16xf32>,
          %get3A_228 = vector.shape_cast %get3A_227 : vector<1x16xf32> to vector<16xf32>
          %add3A_229 = arith.addf %get3A_224, %get3A_228 : vector<16xf32>
          %swap3A_230 = arith.index_cast %scan3A_110 : i32 to index
          %swap3A_231 = arith.constant 128 : index
          %swap3A_232 = tpu.vector_load %arg9[%swap3A_230, %swap3A_231] {strides = array<i32>} : memref<40x256xf32, #tpu.memory_space<vmem>>, vector<1x16xf32>,
          %swap3A_233 = vector.shape_cast %swap3A_232 : vector<1x16xf32> to vector<16xf32>
          %swap3A_234 = vector.shape_cast %add3A_229 : vector<16xf32> to vector<1x16xf32>
          tpu.vector_store %arg9[%swap3A_230, %swap3A_231], %swap3A_234 {strides = array<i32>} : memref<40x256xf32, #tpu.memory_space<vmem>>, vector<1x16xf32>,
          %get3A_235 = arith.index_cast %scan3A_110 : i32 to index
          %get3A_236 = arith.constant 144 : index
          %get3A_237 = tpu.vector_load %arg9[%get3A_235, %get3A_236] {strides = array<i32>} : memref<40x256xf32, #tpu.memory_space<vmem>>, vector<1x16xf32>,
          %get3A_238 = vector.shape_cast %get3A_237 : vector<1x16xf32> to vector<16xf32>
          %get3A_239 = arith.index_cast %scan3A_110 : i32 to index
          %get3A_240 = arith.constant 144 : index
          %get3A_241 = tpu.vector_load %arg11[%get3A_239, %get3A_240] {strides = array<i32>} : memref<40x256xf32, #tpu.memory_space<vmem>>, vector<1x16xf32>,
          %get3A_242 = vector.shape_cast %get3A_241 : vector<1x16xf32> to vector<16xf32>
          %add3A_243 = arith.addf %get3A_238, %get3A_242 : vector<16xf32>
          %swap3A_244 = arith.index_cast %scan3A_110 : i32 to index
          %swap3A_245 = arith.constant 144 : index
          %swap3A_246 = tpu.vector_load %arg9[%swap3A_244, %swap3A_245] {strides = array<i32>} : memref<40x256xf32, #tpu.memory_space<vmem>>, vector<1x16xf32>,
          %swap3A_247 = vector.shape_cast %swap3A_246 : vector<1x16xf32> to vector<16xf32>
          %swap3A_248 = vector.shape_cast %add3A_243 : vector<16xf32> to vector<1x16xf32>
          tpu.vector_store %arg9[%swap3A_244, %swap3A_245], %swap3A_248 {strides = array<i32>} : memref<40x256xf32, #tpu.memory_space<vmem>>, vector<1x16xf32>,
          %get3A_249 = arith.index_cast %scan3A_110 : i32 to index
          %get3A_250 = arith.constant 160 : index
          %get3A_251 = tpu.vector_load %arg9[%get3A_249, %get3A_250] {strides = array<i32>} : memref<40x256xf32, #tpu.memory_space<vmem>>, vector<1x16xf32>,
          %get3A_252 = vector.shape_cast %get3A_251 : vector<1x16xf32> to vector<16xf32>
          %get3A_253 = arith.index_cast %scan3A_110 : i32 to index
          %get3A_254 = arith.constant 160 : index
          %get3A_255 = tpu.vector_load %arg11[%get3A_253, %get3A_254] {strides = array<i32>} : memref<40x256xf32, #tpu.memory_space<vmem>>, vector<1x16xf32>,
          %get3A_256 = vector.shape_cast %get3A_255 : vector<1x16xf32> to vector<16xf32>
          %add3A_257 = arith.addf %get3A_252, %get3A_256 : vector<16xf32>
          %swap3A_258 = arith.index_cast %scan3A_110 : i32 to index
          %swap3A_259 = arith.constant 160 : index
          %swap3A_260 = tpu.vector_load %arg9[%swap3A_258, %swap3A_259] {strides = array<i32>} : memref<40x256xf32, #tpu.memory_space<vmem>>, vector<1x16xf32>,
          %swap3A_261 = vector.shape_cast %swap3A_260 : vector<1x16xf32> to vector<16xf32>
          %swap3A_262 = vector.shape_cast %add3A_257 : vector<16xf32> to vector<1x16xf32>
          tpu.vector_store %arg9[%swap3A_258, %swap3A_259], %swap3A_262 {strides = array<i32>} : memref<40x256xf32, #tpu.memory_space<vmem>>, vector<1x16xf32>,
          %get3A_263 = arith.index_cast %scan3A_110 : i32 to index
          %get3A_264 = arith.constant 176 : index
          %get3A_265 = tpu.vector_load %arg9[%get3A_263, %get3A_264] {strides = array<i32>} : memref<40x256xf32, #tpu.memory_space<vmem>>, vector<1x16xf32>,
          %get3A_266 = vector.shape_cast %get3A_265 : vector<1x16xf32> to vector<16xf32>
          %get3A_267 = arith.index_cast %scan3A_110 : i32 to index
          %get3A_268 = arith.constant 176 : index
          %get3A_269 = tpu.vector_load %arg11[%get3A_267, %get3A_268] {strides = array<i32>} : memref<40x256xf32, #tpu.memory_space<vmem>>, vector<1x16xf32>,
          %get3A_270 = vector.shape_cast %get3A_269 : vector<1x16xf32> to vector<16xf32>
          %add3A_271 = arith.addf %get3A_266, %get3A_270 : vector<16xf32>
          %swap3A_272 = arith.index_cast %scan3A_110 : i32 to index
          %swap3A_273 = arith.constant 176 : index
          %swap3A_274 = tpu.vector_load %arg9[%swap3A_272, %swap3A_273] {strides = array<i32>} : memref<40x256xf32, #tpu.memory_space<vmem>>, vector<1x16xf32>,
          %swap3A_275 = vector.shape_cast %swap3A_274 : vector<1x16xf32> to vector<16xf32>
          %swap3A_276 = vector.shape_cast %add3A_271 : vector<16xf32> to vector<1x16xf32>
          tpu.vector_store %arg9[%swap3A_272, %swap3A_273], %swap3A_276 {strides = array<i32>} : memref<40x256xf32, #tpu.memory_space<vmem>>, vector<1x16xf32>,
          %get3A_277 = arith.index_cast %scan3A_110 : i32 to index
          %get3A_278 = arith.constant 192 : index
          %get3A_279 = tpu.vector_load %arg9[%get3A_277, %get3A_278] {strides = array<i32>} : memref<40x256xf32, #tpu.memory_space<vmem>>, vector<1x16xf32>,
          %get3A_280 = vector.shape_cast %get3A_279 : vector<1x16xf32> to vector<16xf32>
          %get3A_281 = arith.index_cast %scan3A_110 : i32 to index
          %get3A_282 = arith.constant 192 : index
          %get3A_283 = tpu.vector_load %arg11[%get3A_281, %get3A_282] {strides = array<i32>} : memref<40x256xf32, #tpu.memory_space<vmem>>, vector<1x16xf32>,
          %get3A_284 = vector.shape_cast %get3A_283 : vector<1x16xf32> to vector<16xf32>
          %add3A_285 = arith.addf %get3A_280, %get3A_284 : vector<16xf32>
          %swap3A_286 = arith.index_cast %scan3A_110 : i32 to index
          %swap3A_287 = arith.constant 192 : index
          %swap3A_288 = tpu.vector_load %arg9[%swap3A_286, %swap3A_287] {strides = array<i32>} : memref<40x256xf32, #tpu.memory_space<vmem>>, vector<1x16xf32>,
          %swap3A_289 = vector.shape_cast %swap3A_288 : vector<1x16xf32> to vector<16xf32>
          %swap3A_290 = vector.shape_cast %add3A_285 : vector<16xf32> to vector<1x16xf32>
          tpu.vector_store %arg9[%swap3A_286, %swap3A_287], %swap3A_290 {strides = array<i32>} : memref<40x256xf32, #tpu.memory_space<vmem>>, vector<1x16xf32>,
          %get3A_291 = arith.index_cast %scan3A_110 : i32 to index
          %get3A_292 = arith.constant 208 : index
          %get3A_293 = tpu.vector_load %arg9[%get3A_291, %get3A_292] {strides = array<i32>} : memref<40x256xf32, #tpu.memory_space<vmem>>, vector<1x16xf32>,
          %get3A_294 = vector.shape_cast %get3A_293 : vector<1x16xf32> to vector<16xf32>
          %get3A_295 = arith.index_cast %scan3A_110 : i32 to index
          %get3A_296 = arith.constant 208 : index
          %get3A_297 = tpu.vector_load %arg11[%get3A_295, %get3A_296] {strides = array<i32>} : memref<40x256xf32, #tpu.memory_space<vmem>>, vector<1x16xf32>,
          %get3A_298 = vector.shape_cast %get3A_297 : vector<1x16xf32> to vector<16xf32>
          %add3A_299 = arith.addf %get3A_294, %get3A_298 : vector<16xf32>
          %swap3A_300 = arith.index_cast %scan3A_110 : i32 to index
          %swap3A_301 = arith.constant 208 : index
          %swap3A_302 = tpu.vector_load %arg9[%swap3A_300, %swap3A_301] {strides = array<i32>} : memref<40x256xf32, #tpu.memory_space<vmem>>, vector<1x16xf32>,
          %swap3A_303 = vector.shape_cast %swap3A_302 : vector<1x16xf32> to vector<16xf32>
          %swap3A_304 = vector.shape_cast %add3A_299 : vector<16xf32> to vector<1x16xf32>
          tpu.vector_store %arg9[%swap3A_300, %swap3A_301], %swap3A_304 {strides = array<i32>} : memref<40x256xf32, #tpu.memory_space<vmem>>, vector<1x16xf32>,
          %get3A_305 = arith.index_cast %scan3A_110 : i32 to index
          %get3A_306 = arith.constant 224 : index
          %get3A_307 = tpu.vector_load %arg9[%get3A_305, %get3A_306] {strides = array<i32>} : memref<40x256xf32, #tpu.memory_space<vmem>>, vector<1x16xf32>,
          %get3A_308 = vector.shape_cast %get3A_307 : vector<1x16xf32> to vector<16xf32>
          %get3A_309 = arith.index_cast %scan3A_110 : i32 to index
          %get3A_310 = arith.constant 224 : index
          %get3A_311 = tpu.vector_load %arg11[%get3A_309, %get3A_310] {strides = array<i32>} : memref<40x256xf32, #tpu.memory_space<vmem>>, vector<1x16xf32>,
          %get3A_312 = vector.shape_cast %get3A_311 : vector<1x16xf32> to vector<16xf32>
          %add3A_313 = arith.addf %get3A_308, %get3A_312 : vector<16xf32>
          %swap3A_314 = arith.index_cast %scan3A_110 : i32 to index
          %swap3A_315 = arith.constant 224 : index
          %swap3A_316 = tpu.vector_load %arg9[%swap3A_314, %swap3A_315] {strides = array<i32>} : memref<40x256xf32, #tpu.memory_space<vmem>>, vector<1x16xf32>,
          %swap3A_317 = vector.shape_cast %swap3A_316 : vector<1x16xf32> to vector<16xf32>
          %swap3A_318 = vector.shape_cast %add3A_313 : vector<16xf32> to vector<1x16xf32>
          tpu.vector_store %arg9[%swap3A_314, %swap3A_315], %swap3A_318 {strides = array<i32>} : memref<40x256xf32, #tpu.memory_space<vmem>>, vector<1x16xf32>,
          %get3A_319 = arith.index_cast %scan3A_110 : i32 to index
          %get3A_320 = arith.constant 240 : index
          %get3A_321 = tpu.vector_load %arg9[%get3A_319, %get3A_320] {strides = array<i32>} : memref<40x256xf32, #tpu.memory_space<vmem>>, vector<1x16xf32>,
          %get3A_322 = vector.shape_cast %get3A_321 : vector<1x16xf32> to vector<16xf32>
          %get3A_323 = arith.index_cast %scan3A_110 : i32 to index
          %get3A_324 = arith.constant 240 : index
          %get3A_325 = tpu.vector_load %arg11[%get3A_323, %get3A_324] {strides = array<i32>} : memref<40x256xf32, #tpu.memory_space<vmem>>, vector<1x16xf32>,
          %get3A_326 = vector.shape_cast %get3A_325 : vector<1x16xf32> to vector<16xf32>
          %add3A_327 = arith.addf %get3A_322, %get3A_326 : vector<16xf32>
          %swap3A_328 = arith.index_cast %scan3A_110 : i32 to index
          %swap3A_329 = arith.constant 240 : index
          %swap3A_330 = tpu.vector_load %arg9[%swap3A_328, %swap3A_329] {strides = array<i32>} : memref<40x256xf32, #tpu.memory_space<vmem>>, vector<1x16xf32>,
          %swap3A_331 = vector.shape_cast %swap3A_330 : vector<1x16xf32> to vector<16xf32>
          %swap3A_332 = vector.shape_cast %add3A_327 : vector<16xf32> to vector<1x16xf32>
          tpu.vector_store %arg9[%swap3A_328, %swap3A_329], %swap3A_332 {strides = array<i32>} : memref<40x256xf32, #tpu.memory_space<vmem>>, vector<1x16xf32>,
        }
        %scan3A_102 = arith.constant 40 : i32
        %mul3A_103 = arith.constant 40 : i32
        %mul3A_104 = arith.muli %add3A_62, %mul3A_103 : i32
        %add3A_105 = arith.addi %mul3A_2, %mul3A_104 : i32
        %dma_start3A_106 = arith.constant 0 : i32
        %dma_start3A_107 = tpu.memref_slice %arg6[%add3A_105, %dma_start3A_106] : memref<160000x256xf32, #tpu.memory_space<hbm>> -> memref<40x256xf32, #tpu.memory_space<hbm>>
        %dma_start3A_108 = arith.constant 0 : i32
        %dma_start3A_109 = tpu.memref_slice %arg6[%add3A_105, %dma_start3A_108] : memref<160000x256xf32, #tpu.memory_space<hbm>> -> memref<40x256xf32, #tpu.memory_space<hbm>>
        tpu.enqueue_dma source(%arg9 : memref<40x256xf32, #tpu.memory_space<vmem>>) target(%dma_start3A_109 : memref<40x256xf32, #tpu.memory_space<hbm>>) target_semaphore(%arg16 : memref<!tpu.dma_semaphore, #tpu.memory_space<semaphore_mem>>)
      } else {
      }
      %mul3A_65 = arith.constant 2 : i32
      %mul3A_66 = arith.muli %scan3A_58, %mul3A_65 : i32
      %add3A_67 = arith.constant 1 : i32
      %add3A_68 = arith.addi %mul3A_66, %add3A_67 : i32
      %lt3A_69 = arith.constant 125 : i32
      %lt3A_70 = arith.cmpi slt, %add3A_68, %lt3A_69 : i32
      %convert_element_type3A_71 = arith.extui %lt3A_70 : i1 to i32
      %cond3A_72 = arith.constant 0 : i32
      %cond3A_73 = arith.cmpi ne, %convert_element_type3A_71, %cond3A_72 : i32
      scf.if %cond3A_73 {
        %ge3A = arith.constant 1 : i32
        %ge3A_74 = arith.cmpi sge, %add3A_68, %ge3A : i32
        %convert_element_type3A_75 = arith.extui %ge3A_74 : i1 to i32
        %cond3A_76 = arith.constant 0 : i32
        %cond3A_77 = arith.cmpi ne, %convert_element_type3A_75, %cond3A_76 : i32
        scf.if %cond3A_77 {
          %sub3A = arith.constant 1 : i32
          %sub3A_110 = arith.subi %add3A_68, %sub3A : i32
          %mul3A_111 = arith.constant 40 : i32
          %mul3A_112 = arith.muli %sub3A_110, %mul3A_111 : i32
          %add3A_113 = arith.addi %mul3A_2, %mul3A_112 : i32
          %dma_wait3A_114 = arith.constant 0 : i32
          %dma_wait3A_115 = tpu.memref_slice %arg6[%add3A_113, %dma_wait3A_114] : memref<160000x256xf32, #tpu.memory_space<hbm>> -> memref<40x256xf32, #tpu.memory_space<hbm>>
          %dma_wait3A_116 = arith.constant 0 : i32
          %dma_wait3A_117 = tpu.memref_slice %arg6[%add3A_113, %dma_wait3A_116] : memref<160000x256xf32, #tpu.memory_space<hbm>> -> memref<40x256xf32, #tpu.memory_space<hbm>>
          tpu.wait_dma2 semaphore(%arg16 : memref<!tpu.dma_semaphore, #tpu.memory_space<semaphore_mem>>) src(%arg9 : memref<40x256xf32, #tpu.memory_space<vmem>>) dst(%dma_wait3A_117 : memref<40x256xf32, #tpu.memory_space<hbm>>)
        } else {
        }
        %add3A_78 = arith.constant 1 : i32
        %add3A_79 = arith.addi %add3A_68, %add3A_78 : i32
        %lt3A_80 = arith.constant 125 : i32
        %lt3A_81 = arith.cmpi slt, %add3A_79, %lt3A_80 : i32
        %convert_element_type3A_82 = arith.extui %lt3A_81 : i1 to i32
        %cond3A_83 = arith.constant 0 : i32
        %cond3A_84 = arith.cmpi ne, %convert_element_type3A_82, %cond3A_83 : i32
        scf.if %cond3A_84 {
          %add3A_110 = arith.constant 1 : i32
          %add3A_111 = arith.addi %add3A_68, %add3A_110 : i32
          %dma_start3A_112 = arith.constant 0 : i32
          %dma_start3A_113 = tpu.memref_slice %arg7[%add3A_111, %dma_start3A_112] : memref<125x40xi32, #tpu.memory_space<vmem>> -> memref<1x40xi32, #tpu.memory_space<vmem>>
          %dma_start3A_114 = tpu.memref_squeeze %dma_start3A_113 : memref<1x40xi32, #tpu.memory_space<vmem>> -> memref<40xi32, #tpu.memory_space<vmem>>
          %dma_start3A_115 = arith.constant 0 : i32
          %dma_start3A_116 = arith.constant 0 : i32
          %dma_start3A_117 = tpu.memref_slice %arg4[%dma_start3A_115, %dma_start3A_116] : memref<10000x256xf32, #tpu.memory_space<hbm>> -> memref<10000x256xf32, #tpu.memory_space<hbm>>
          tpu.enqueue_indirect_dma source(%dma_start3A_117 : memref<10000x256xf32, #tpu.memory_space<hbm>>) target(%arg9 : memref<40x256xf32, #tpu.memory_space<vmem>>) offsets(%dma_start3A_114 : memref<40xi32, #tpu.memory_space<vmem>>) semaphore(%arg14 : memref<!tpu.dma_semaphore, #tpu.memory_space<semaphore_mem>>)
          %dma_start3A_118 = arith.constant 0 : i32
          %dma_start3A_119 = tpu.memref_slice %arg8[%add3A_111, %dma_start3A_118] : memref<125x40xi32, #tpu.memory_space<vmem>> -> memref<1x40xi32, #tpu.memory_space<vmem>>
          %dma_start3A_120 = tpu.memref_squeeze %dma_start3A_119 : memref<1x40xi32, #tpu.memory_space<vmem>> -> memref<40xi32, #tpu.memory_space<vmem>>
          %dma_start3A_121 = arith.constant 0 : i32
          %dma_start3A_122 = arith.constant 0 : i32
          %dma_start3A_123 = tpu.memref_slice %arg5[%dma_start3A_121, %dma_start3A_122] : memref<10000x256xf32, #tpu.memory_space<hbm>> -> memref<10000x256xf32, #tpu.memory_space<hbm>>
          tpu.enqueue_indirect_dma source(%dma_start3A_123 : memref<10000x256xf32, #tpu.memory_space<hbm>>) target(%arg11 : memref<40x256xf32, #tpu.memory_space<vmem>>) offsets(%dma_start3A_120 : memref<40xi32, #tpu.memory_space<vmem>>) semaphore(%arg14 : memref<!tpu.dma_semaphore, #tpu.memory_space<semaphore_mem>>)
        } else {
        }
        %dma_wait3A_85 = arith.constant 0 : i32
        %dma_wait3A_86 = tpu.memref_slice %arg7[%add3A_68, %dma_wait3A_85] : memref<125x40xi32, #tpu.memory_space<vmem>> -> memref<1x40xi32, #tpu.memory_space<vmem>>
        %dma_wait3A_87 = tpu.memref_squeeze %dma_wait3A_86 : memref<1x40xi32, #tpu.memory_space<vmem>> -> memref<40xi32, #tpu.memory_space<vmem>>
        %dma_wait3A_88 = arith.constant 0 : i32
        %dma_wait3A_89 = arith.constant 0 : i32
        %dma_wait3A_90 = tpu.memref_slice %arg4[%dma_wait3A_88, %dma_wait3A_89] : memref<10000x256xf32, #tpu.memory_space<hbm>> -> memref<10000x256xf32, #tpu.memory_space<hbm>>
        tpu.wait_indirect_dma semaphore(%arg15 : memref<!tpu.dma_semaphore, #tpu.memory_space<semaphore_mem>>) src(%dma_wait3A_90 : memref<10000x256xf32, #tpu.memory_space<hbm>>) dst(%arg10 : memref<40x256xf32, #tpu.memory_space<vmem>>)
        %dma_wait3A_91 = arith.constant 0 : i32
        %dma_wait3A_92 = tpu.memref_slice %arg8[%add3A_68, %dma_wait3A_91] : memref<125x40xi32, #tpu.memory_space<vmem>> -> memref<1x40xi32, #tpu.memory_space<vmem>>
        %dma_wait3A_93 = tpu.memref_squeeze %dma_wait3A_92 : memref<1x40xi32, #tpu.memory_space<vmem>> -> memref<40xi32, #tpu.memory_space<vmem>>
        %dma_wait3A_94 = arith.constant 0 : i32
        %dma_wait3A_95 = arith.constant 0 : i32
        %dma_wait3A_96 = tpu.memref_slice %arg5[%dma_wait3A_94, %dma_wait3A_95] : memref<10000x256xf32, #tpu.memory_space<hbm>> -> memref<10000x256xf32, #tpu.memory_space<hbm>>
        tpu.wait_indirect_dma semaphore(%arg15 : memref<!tpu.dma_semaphore, #tpu.memory_space<semaphore_mem>>) src(%dma_wait3A_96 : memref<10000x256xf32, #tpu.memory_space<hbm>>) dst(%arg12 : memref<40x256xf32, #tpu.memory_space<vmem>>)
        %scan3A_97 = arith.constant 0 : i32
        %scan3A_98 = arith.constant 0 : i32
        %scan3A_99 = arith.constant 40 : i32
        %scan3A_100 = arith.addi %scan3A_98, %scan3A_99 : i32
        %scan3A_101 = arith.constant 1 : i32
        scf.for %scan3A_110 = %scan3A_98 to %scan3A_100 step %scan3A_101  : i32 {
          %get3A = arith.index_cast %scan3A_110 : i32 to index
          %get3A_111 = arith.constant 0 : index
          %get3A_112 = tpu.vector_load %arg10[%get3A, %get3A_111] {strides = array<i32>} : memref<40x256xf32, #tpu.memory_space<vmem>>, vector<1x16xf32>,
          %get3A_113 = vector.shape_cast %get3A_112 : vector<1x16xf32> to vector<16xf32>
          %get3A_114 = arith.index_cast %scan3A_110 : i32 to index
          %get3A_115 = arith.constant 0 : index
          %get3A_116 = tpu.vector_load %arg12[%get3A_114, %get3A_115] {strides = array<i32>} : memref<40x256xf32, #tpu.memory_space<vmem>>, vector<1x16xf32>,
          %get3A_117 = vector.shape_cast %get3A_116 : vector<1x16xf32> to vector<16xf32>
          %add3A_118 = arith.addf %get3A_113, %get3A_117 : vector<16xf32>
          %swap3A = arith.index_cast %scan3A_110 : i32 to index
          %swap3A_119 = arith.constant 0 : index
          %swap3A_120 = tpu.vector_load %arg10[%swap3A, %swap3A_119] {strides = array<i32>} : memref<40x256xf32, #tpu.memory_space<vmem>>, vector<1x16xf32>,
          %swap3A_121 = vector.shape_cast %swap3A_120 : vector<1x16xf32> to vector<16xf32>
          %swap3A_122 = vector.shape_cast %add3A_118 : vector<16xf32> to vector<1x16xf32>
          tpu.vector_store %arg10[%swap3A, %swap3A_119], %swap3A_122 {strides = array<i32>} : memref<40x256xf32, #tpu.memory_space<vmem>>, vector<1x16xf32>,
          %get3A_123 = arith.index_cast %scan3A_110 : i32 to index
          %get3A_124 = arith.constant 16 : index
          %get3A_125 = tpu.vector_load %arg10[%get3A_123, %get3A_124] {strides = array<i32>} : memref<40x256xf32, #tpu.memory_space<vmem>>, vector<1x16xf32>,
          %get3A_126 = vector.shape_cast %get3A_125 : vector<1x16xf32> to vector<16xf32>
          %get3A_127 = arith.index_cast %scan3A_110 : i32 to index
          %get3A_128 = arith.constant 16 : index
          %get3A_129 = tpu.vector_load %arg12[%get3A_127, %get3A_128] {strides = array<i32>} : memref<40x256xf32, #tpu.memory_space<vmem>>, vector<1x16xf32>,
          %get3A_130 = vector.shape_cast %get3A_129 : vector<1x16xf32> to vector<16xf32>
          %add3A_131 = arith.addf %get3A_126, %get3A_130 : vector<16xf32>
          %swap3A_132 = arith.index_cast %scan3A_110 : i32 to index
          %swap3A_133 = arith.constant 16 : index
          %swap3A_134 = tpu.vector_load %arg10[%swap3A_132, %swap3A_133] {strides = array<i32>} : memref<40x256xf32, #tpu.memory_space<vmem>>, vector<1x16xf32>,
          %swap3A_135 = vector.shape_cast %swap3A_134 : vector<1x16xf32> to vector<16xf32>
          %swap3A_136 = vector.shape_cast %add3A_131 : vector<16xf32> to vector<1x16xf32>
          tpu.vector_store %arg10[%swap3A_132, %swap3A_133], %swap3A_136 {strides = array<i32>} : memref<40x256xf32, #tpu.memory_space<vmem>>, vector<1x16xf32>,
          %get3A_137 = arith.index_cast %scan3A_110 : i32 to index
          %get3A_138 = arith.constant 32 : index
          %get3A_139 = tpu.vector_load %arg10[%get3A_137, %get3A_138] {strides = array<i32>} : memref<40x256xf32, #tpu.memory_space<vmem>>, vector<1x16xf32>,
          %get3A_140 = vector.shape_cast %get3A_139 : vector<1x16xf32> to vector<16xf32>
          %get3A_141 = arith.index_cast %scan3A_110 : i32 to index
          %get3A_142 = arith.constant 32 : index
          %get3A_143 = tpu.vector_load %arg12[%get3A_141, %get3A_142] {strides = array<i32>} : memref<40x256xf32, #tpu.memory_space<vmem>>, vector<1x16xf32>,
          %get3A_144 = vector.shape_cast %get3A_143 : vector<1x16xf32> to vector<16xf32>
          %add3A_145 = arith.addf %get3A_140, %get3A_144 : vector<16xf32>
          %swap3A_146 = arith.index_cast %scan3A_110 : i32 to index
          %swap3A_147 = arith.constant 32 : index
          %swap3A_148 = tpu.vector_load %arg10[%swap3A_146, %swap3A_147] {strides = array<i32>} : memref<40x256xf32, #tpu.memory_space<vmem>>, vector<1x16xf32>,
          %swap3A_149 = vector.shape_cast %swap3A_148 : vector<1x16xf32> to vector<16xf32>
          %swap3A_150 = vector.shape_cast %add3A_145 : vector<16xf32> to vector<1x16xf32>
          tpu.vector_store %arg10[%swap3A_146, %swap3A_147], %swap3A_150 {strides = array<i32>} : memref<40x256xf32, #tpu.memory_space<vmem>>, vector<1x16xf32>,
          %get3A_151 = arith.index_cast %scan3A_110 : i32 to index
          %get3A_152 = arith.constant 48 : index
          %get3A_153 = tpu.vector_load %arg10[%get3A_151, %get3A_152] {strides = array<i32>} : memref<40x256xf32, #tpu.memory_space<vmem>>, vector<1x16xf32>,
          %get3A_154 = vector.shape_cast %get3A_153 : vector<1x16xf32> to vector<16xf32>
          %get3A_155 = arith.index_cast %scan3A_110 : i32 to index
          %get3A_156 = arith.constant 48 : index
          %get3A_157 = tpu.vector_load %arg12[%get3A_155, %get3A_156] {strides = array<i32>} : memref<40x256xf32, #tpu.memory_space<vmem>>, vector<1x16xf32>,
          %get3A_158 = vector.shape_cast %get3A_157 : vector<1x16xf32> to vector<16xf32>
          %add3A_159 = arith.addf %get3A_154, %get3A_158 : vector<16xf32>
          %swap3A_160 = arith.index_cast %scan3A_110 : i32 to index
          %swap3A_161 = arith.constant 48 : index
          %swap3A_162 = tpu.vector_load %arg10[%swap3A_160, %swap3A_161] {strides = array<i32>} : memref<40x256xf32, #tpu.memory_space<vmem>>, vector<1x16xf32>,
          %swap3A_163 = vector.shape_cast %swap3A_162 : vector<1x16xf32> to vector<16xf32>
          %swap3A_164 = vector.shape_cast %add3A_159 : vector<16xf32> to vector<1x16xf32>
          tpu.vector_store %arg10[%swap3A_160, %swap3A_161], %swap3A_164 {strides = array<i32>} : memref<40x256xf32, #tpu.memory_space<vmem>>, vector<1x16xf32>,
          %get3A_165 = arith.index_cast %scan3A_110 : i32 to index
          %get3A_166 = arith.constant 64 : index
          %get3A_167 = tpu.vector_load %arg10[%get3A_165, %get3A_166] {strides = array<i32>} : memref<40x256xf32, #tpu.memory_space<vmem>>, vector<1x16xf32>,
          %get3A_168 = vector.shape_cast %get3A_167 : vector<1x16xf32> to vector<16xf32>
          %get3A_169 = arith.index_cast %scan3A_110 : i32 to index
          %get3A_170 = arith.constant 64 : index
          %get3A_171 = tpu.vector_load %arg12[%get3A_169, %get3A_170] {strides = array<i32>} : memref<40x256xf32, #tpu.memory_space<vmem>>, vector<1x16xf32>,
          %get3A_172 = vector.shape_cast %get3A_171 : vector<1x16xf32> to vector<16xf32>
          %add3A_173 = arith.addf %get3A_168, %get3A_172 : vector<16xf32>
          %swap3A_174 = arith.index_cast %scan3A_110 : i32 to index
          %swap3A_175 = arith.constant 64 : index
          %swap3A_176 = tpu.vector_load %arg10[%swap3A_174, %swap3A_175] {strides = array<i32>} : memref<40x256xf32, #tpu.memory_space<vmem>>, vector<1x16xf32>,
          %swap3A_177 = vector.shape_cast %swap3A_176 : vector<1x16xf32> to vector<16xf32>
          %swap3A_178 = vector.shape_cast %add3A_173 : vector<16xf32> to vector<1x16xf32>
          tpu.vector_store %arg10[%swap3A_174, %swap3A_175], %swap3A_178 {strides = array<i32>} : memref<40x256xf32, #tpu.memory_space<vmem>>, vector<1x16xf32>,
          %get3A_179 = arith.index_cast %scan3A_110 : i32 to index
          %get3A_180 = arith.constant 80 : index
          %get3A_181 = tpu.vector_load %arg10[%get3A_179, %get3A_180] {strides = array<i32>} : memref<40x256xf32, #tpu.memory_space<vmem>>, vector<1x16xf32>,
          %get3A_182 = vector.shape_cast %get3A_181 : vector<1x16xf32> to vector<16xf32>
          %get3A_183 = arith.index_cast %scan3A_110 : i32 to index
          %get3A_184 = arith.constant 80 : index
          %get3A_185 = tpu.vector_load %arg12[%get3A_183, %get3A_184] {strides = array<i32>} : memref<40x256xf32, #tpu.memory_space<vmem>>, vector<1x16xf32>,
          %get3A_186 = vector.shape_cast %get3A_185 : vector<1x16xf32> to vector<16xf32>
          %add3A_187 = arith.addf %get3A_182, %get3A_186 : vector<16xf32>
          %swap3A_188 = arith.index_cast %scan3A_110 : i32 to index
          %swap3A_189 = arith.constant 80 : index
          %swap3A_190 = tpu.vector_load %arg10[%swap3A_188, %swap3A_189] {strides = array<i32>} : memref<40x256xf32, #tpu.memory_space<vmem>>, vector<1x16xf32>,
          %swap3A_191 = vector.shape_cast %swap3A_190 : vector<1x16xf32> to vector<16xf32>
          %swap3A_192 = vector.shape_cast %add3A_187 : vector<16xf32> to vector<1x16xf32>
          tpu.vector_store %arg10[%swap3A_188, %swap3A_189], %swap3A_192 {strides = array<i32>} : memref<40x256xf32, #tpu.memory_space<vmem>>, vector<1x16xf32>,
          %get3A_193 = arith.index_cast %scan3A_110 : i32 to index
          %get3A_194 = arith.constant 96 : index
          %get3A_195 = tpu.vector_load %arg10[%get3A_193, %get3A_194] {strides = array<i32>} : memref<40x256xf32, #tpu.memory_space<vmem>>, vector<1x16xf32>,
          %get3A_196 = vector.shape_cast %get3A_195 : vector<1x16xf32> to vector<16xf32>
          %get3A_197 = arith.index_cast %scan3A_110 : i32 to index
          %get3A_198 = arith.constant 96 : index
          %get3A_199 = tpu.vector_load %arg12[%get3A_197, %get3A_198] {strides = array<i32>} : memref<40x256xf32, #tpu.memory_space<vmem>>, vector<1x16xf32>,
          %get3A_200 = vector.shape_cast %get3A_199 : vector<1x16xf32> to vector<16xf32>
          %add3A_201 = arith.addf %get3A_196, %get3A_200 : vector<16xf32>
          %swap3A_202 = arith.index_cast %scan3A_110 : i32 to index
          %swap3A_203 = arith.constant 96 : index
          %swap3A_204 = tpu.vector_load %arg10[%swap3A_202, %swap3A_203] {strides = array<i32>} : memref<40x256xf32, #tpu.memory_space<vmem>>, vector<1x16xf32>,
          %swap3A_205 = vector.shape_cast %swap3A_204 : vector<1x16xf32> to vector<16xf32>
          %swap3A_206 = vector.shape_cast %add3A_201 : vector<16xf32> to vector<1x16xf32>
          tpu.vector_store %arg10[%swap3A_202, %swap3A_203], %swap3A_206 {strides = array<i32>} : memref<40x256xf32, #tpu.memory_space<vmem>>, vector<1x16xf32>,
          %get3A_207 = arith.index_cast %scan3A_110 : i32 to index
          %get3A_208 = arith.constant 112 : index
          %get3A_209 = tpu.vector_load %arg10[%get3A_207, %get3A_208] {strides = array<i32>} : memref<40x256xf32, #tpu.memory_space<vmem>>, vector<1x16xf32>,
          %get3A_210 = vector.shape_cast %get3A_209 : vector<1x16xf32> to vector<16xf32>
          %get3A_211 = arith.index_cast %scan3A_110 : i32 to index
          %get3A_212 = arith.constant 112 : index
          %get3A_213 = tpu.vector_load %arg12[%get3A_211, %get3A_212] {strides = array<i32>} : memref<40x256xf32, #tpu.memory_space<vmem>>, vector<1x16xf32>,
          %get3A_214 = vector.shape_cast %get3A_213 : vector<1x16xf32> to vector<16xf32>
          %add3A_215 = arith.addf %get3A_210, %get3A_214 : vector<16xf32>
          %swap3A_216 = arith.index_cast %scan3A_110 : i32 to index
          %swap3A_217 = arith.constant 112 : index
          %swap3A_218 = tpu.vector_load %arg10[%swap3A_216, %swap3A_217] {strides = array<i32>} : memref<40x256xf32, #tpu.memory_space<vmem>>, vector<1x16xf32>,
          %swap3A_219 = vector.shape_cast %swap3A_218 : vector<1x16xf32> to vector<16xf32>
          %swap3A_220 = vector.shape_cast %add3A_215 : vector<16xf32> to vector<1x16xf32>
          tpu.vector_store %arg10[%swap3A_216, %swap3A_217], %swap3A_220 {strides = array<i32>} : memref<40x256xf32, #tpu.memory_space<vmem>>, vector<1x16xf32>,
          %get3A_221 = arith.index_cast %scan3A_110 : i32 to index
          %get3A_222 = arith.constant 128 : index
          %get3A_223 = tpu.vector_load %arg10[%get3A_221, %get3A_222] {strides = array<i32>} : memref<40x256xf32, #tpu.memory_space<vmem>>, vector<1x16xf32>,
          %get3A_224 = vector.shape_cast %get3A_223 : vector<1x16xf32> to vector<16xf32>
          %get3A_225 = arith.index_cast %scan3A_110 : i32 to index
          %get3A_226 = arith.constant 128 : index
          %get3A_227 = tpu.vector_load %arg12[%get3A_225, %get3A_226] {strides = array<i32>} : memref<40x256xf32, #tpu.memory_space<vmem>>, vector<1x16xf32>,
          %get3A_228 = vector.shape_cast %get3A_227 : vector<1x16xf32> to vector<16xf32>
          %add3A_229 = arith.addf %get3A_224, %get3A_228 : vector<16xf32>
          %swap3A_230 = arith.index_cast %scan3A_110 : i32 to index
          %swap3A_231 = arith.constant 128 : index
          %swap3A_232 = tpu.vector_load %arg10[%swap3A_230, %swap3A_231] {strides = array<i32>} : memref<40x256xf32, #tpu.memory_space<vmem>>, vector<1x16xf32>,
          %swap3A_233 = vector.shape_cast %swap3A_232 : vector<1x16xf32> to vector<16xf32>
          %swap3A_234 = vector.shape_cast %add3A_229 : vector<16xf32> to vector<1x16xf32>
          tpu.vector_store %arg10[%swap3A_230, %swap3A_231], %swap3A_234 {strides = array<i32>} : memref<40x256xf32, #tpu.memory_space<vmem>>, vector<1x16xf32>,
          %get3A_235 = arith.index_cast %scan3A_110 : i32 to index
          %get3A_236 = arith.constant 144 : index
          %get3A_237 = tpu.vector_load %arg10[%get3A_235, %get3A_236] {strides = array<i32>} : memref<40x256xf32, #tpu.memory_space<vmem>>, vector<1x16xf32>,
          %get3A_238 = vector.shape_cast %get3A_237 : vector<1x16xf32> to vector<16xf32>
          %get3A_239 = arith.index_cast %scan3A_110 : i32 to index
          %get3A_240 = arith.constant 144 : index
          %get3A_241 = tpu.vector_load %arg12[%get3A_239, %get3A_240] {strides = array<i32>} : memref<40x256xf32, #tpu.memory_space<vmem>>, vector<1x16xf32>,
          %get3A_242 = vector.shape_cast %get3A_241 : vector<1x16xf32> to vector<16xf32>
          %add3A_243 = arith.addf %get3A_238, %get3A_242 : vector<16xf32>
          %swap3A_244 = arith.index_cast %scan3A_110 : i32 to index
          %swap3A_245 = arith.constant 144 : index
          %swap3A_246 = tpu.vector_load %arg10[%swap3A_244, %swap3A_245] {strides = array<i32>} : memref<40x256xf32, #tpu.memory_space<vmem>>, vector<1x16xf32>,
          %swap3A_247 = vector.shape_cast %swap3A_246 : vector<1x16xf32> to vector<16xf32>
          %swap3A_248 = vector.shape_cast %add3A_243 : vector<16xf32> to vector<1x16xf32>
          tpu.vector_store %arg10[%swap3A_244, %swap3A_245], %swap3A_248 {strides = array<i32>} : memref<40x256xf32, #tpu.memory_space<vmem>>, vector<1x16xf32>,
          %get3A_249 = arith.index_cast %scan3A_110 : i32 to index
          %get3A_250 = arith.constant 160 : index
          %get3A_251 = tpu.vector_load %arg10[%get3A_249, %get3A_250] {strides = array<i32>} : memref<40x256xf32, #tpu.memory_space<vmem>>, vector<1x16xf32>,
          %get3A_252 = vector.shape_cast %get3A_251 : vector<1x16xf32> to vector<16xf32>
          %get3A_253 = arith.index_cast %scan3A_110 : i32 to index
          %get3A_254 = arith.constant 160 : index
          %get3A_255 = tpu.vector_load %arg12[%get3A_253, %get3A_254] {strides = array<i32>} : memref<40x256xf32, #tpu.memory_space<vmem>>, vector<1x16xf32>,
          %get3A_256 = vector.shape_cast %get3A_255 : vector<1x16xf32> to vector<16xf32>
          %add3A_257 = arith.addf %get3A_252, %get3A_256 : vector<16xf32>
          %swap3A_258 = arith.index_cast %scan3A_110 : i32 to index
          %swap3A_259 = arith.constant 160 : index
          %swap3A_260 = tpu.vector_load %arg10[%swap3A_258, %swap3A_259] {strides = array<i32>} : memref<40x256xf32, #tpu.memory_space<vmem>>, vector<1x16xf32>,
          %swap3A_261 = vector.shape_cast %swap3A_260 : vector<1x16xf32> to vector<16xf32>
          %swap3A_262 = vector.shape_cast %add3A_257 : vector<16xf32> to vector<1x16xf32>
          tpu.vector_store %arg10[%swap3A_258, %swap3A_259], %swap3A_262 {strides = array<i32>} : memref<40x256xf32, #tpu.memory_space<vmem>>, vector<1x16xf32>,
          %get3A_263 = arith.index_cast %scan3A_110 : i32 to index
          %get3A_264 = arith.constant 176 : index
          %get3A_265 = tpu.vector_load %arg10[%get3A_263, %get3A_264] {strides = array<i32>} : memref<40x256xf32, #tpu.memory_space<vmem>>, vector<1x16xf32>,
          %get3A_266 = vector.shape_cast %get3A_265 : vector<1x16xf32> to vector<16xf32>
          %get3A_267 = arith.index_cast %scan3A_110 : i32 to index
          %get3A_268 = arith.constant 176 : index
          %get3A_269 = tpu.vector_load %arg12[%get3A_267, %get3A_268] {strides = array<i32>} : memref<40x256xf32, #tpu.memory_space<vmem>>, vector<1x16xf32>,
          %get3A_270 = vector.shape_cast %get3A_269 : vector<1x16xf32> to vector<16xf32>
          %add3A_271 = arith.addf %get3A_266, %get3A_270 : vector<16xf32>
          %swap3A_272 = arith.index_cast %scan3A_110 : i32 to index
          %swap3A_273 = arith.constant 176 : index
          %swap3A_274 = tpu.vector_load %arg10[%swap3A_272, %swap3A_273] {strides = array<i32>} : memref<40x256xf32, #tpu.memory_space<vmem>>, vector<1x16xf32>,
          %swap3A_275 = vector.shape_cast %swap3A_274 : vector<1x16xf32> to vector<16xf32>
          %swap3A_276 = vector.shape_cast %add3A_271 : vector<16xf32> to vector<1x16xf32>
          tpu.vector_store %arg10[%swap3A_272, %swap3A_273], %swap3A_276 {strides = array<i32>} : memref<40x256xf32, #tpu.memory_space<vmem>>, vector<1x16xf32>,
          %get3A_277 = arith.index_cast %scan3A_110 : i32 to index
          %get3A_278 = arith.constant 192 : index
          %get3A_279 = tpu.vector_load %arg10[%get3A_277, %get3A_278] {strides = array<i32>} : memref<40x256xf32, #tpu.memory_space<vmem>>, vector<1x16xf32>,
          %get3A_280 = vector.shape_cast %get3A_279 : vector<1x16xf32> to vector<16xf32>
          %get3A_281 = arith.index_cast %scan3A_110 : i32 to index
          %get3A_282 = arith.constant 192 : index
          %get3A_283 = tpu.vector_load %arg12[%get3A_281, %get3A_282] {strides = array<i32>} : memref<40x256xf32, #tpu.memory_space<vmem>>, vector<1x16xf32>,
          %get3A_284 = vector.shape_cast %get3A_283 : vector<1x16xf32> to vector<16xf32>
          %add3A_285 = arith.addf %get3A_280, %get3A_284 : vector<16xf32>
          %swap3A_286 = arith.index_cast %scan3A_110 : i32 to index
          %swap3A_287 = arith.constant 192 : index
          %swap3A_288 = tpu.vector_load %arg10[%swap3A_286, %swap3A_287] {strides = array<i32>} : memref<40x256xf32, #tpu.memory_space<vmem>>, vector<1x16xf32>,
          %swap3A_289 = vector.shape_cast %swap3A_288 : vector<1x16xf32> to vector<16xf32>
          %swap3A_290 = vector.shape_cast %add3A_285 : vector<16xf32> to vector<1x16xf32>
          tpu.vector_store %arg10[%swap3A_286, %swap3A_287], %swap3A_290 {strides = array<i32>} : memref<40x256xf32, #tpu.memory_space<vmem>>, vector<1x16xf32>,
          %get3A_291 = arith.index_cast %scan3A_110 : i32 to index
          %get3A_292 = arith.constant 208 : index
          %get3A_293 = tpu.vector_load %arg10[%get3A_291, %get3A_292] {strides = array<i32>} : memref<40x256xf32, #tpu.memory_space<vmem>>, vector<1x16xf32>,
          %get3A_294 = vector.shape_cast %get3A_293 : vector<1x16xf32> to vector<16xf32>
          %get3A_295 = arith.index_cast %scan3A_110 : i32 to index
          %get3A_296 = arith.constant 208 : index
          %get3A_297 = tpu.vector_load %arg12[%get3A_295, %get3A_296] {strides = array<i32>} : memref<40x256xf32, #tpu.memory_space<vmem>>, vector<1x16xf32>,
          %get3A_298 = vector.shape_cast %get3A_297 : vector<1x16xf32> to vector<16xf32>
          %add3A_299 = arith.addf %get3A_294, %get3A_298 : vector<16xf32>
          %swap3A_300 = arith.index_cast %scan3A_110 : i32 to index
          %swap3A_301 = arith.constant 208 : index
          %swap3A_302 = tpu.vector_load %arg10[%swap3A_300, %swap3A_301] {strides = array<i32>} : memref<40x256xf32, #tpu.memory_space<vmem>>, vector<1x16xf32>,
          %swap3A_303 = vector.shape_cast %swap3A_302 : vector<1x16xf32> to vector<16xf32>
          %swap3A_304 = vector.shape_cast %add3A_299 : vector<16xf32> to vector<1x16xf32>
          tpu.vector_store %arg10[%swap3A_300, %swap3A_301], %swap3A_304 {strides = array<i32>} : memref<40x256xf32, #tpu.memory_space<vmem>>, vector<1x16xf32>,
          %get3A_305 = arith.index_cast %scan3A_110 : i32 to index
          %get3A_306 = arith.constant 224 : index
          %get3A_307 = tpu.vector_load %arg10[%get3A_305, %get3A_306] {strides = array<i32>} : memref<40x256xf32, #tpu.memory_space<vmem>>, vector<1x16xf32>,
          %get3A_308 = vector.shape_cast %get3A_307 : vector<1x16xf32> to vector<16xf32>
          %get3A_309 = arith.index_cast %scan3A_110 : i32 to index
          %get3A_310 = arith.constant 224 : index
          %get3A_311 = tpu.vector_load %arg12[%get3A_309, %get3A_310] {strides = array<i32>} : memref<40x256xf32, #tpu.memory_space<vmem>>, vector<1x16xf32>,
          %get3A_312 = vector.shape_cast %get3A_311 : vector<1x16xf32> to vector<16xf32>
          %add3A_313 = arith.addf %get3A_308, %get3A_312 : vector<16xf32>
          %swap3A_314 = arith.index_cast %scan3A_110 : i32 to index
          %swap3A_315 = arith.constant 224 : index
          %swap3A_316 = tpu.vector_load %arg10[%swap3A_314, %swap3A_315] {strides = array<i32>} : memref<40x256xf32, #tpu.memory_space<vmem>>, vector<1x16xf32>,
          %swap3A_317 = vector.shape_cast %swap3A_316 : vector<1x16xf32> to vector<16xf32>
          %swap3A_318 = vector.shape_cast %add3A_313 : vector<16xf32> to vector<1x16xf32>
          tpu.vector_store %arg10[%swap3A_314, %swap3A_315], %swap3A_318 {strides = array<i32>} : memref<40x256xf32, #tpu.memory_space<vmem>>, vector<1x16xf32>,
          %get3A_319 = arith.index_cast %scan3A_110 : i32 to index
          %get3A_320 = arith.constant 240 : index
          %get3A_321 = tpu.vector_load %arg10[%get3A_319, %get3A_320] {strides = array<i32>} : memref<40x256xf32, #tpu.memory_space<vmem>>, vector<1x16xf32>,
          %get3A_322 = vector.shape_cast %get3A_321 : vector<1x16xf32> to vector<16xf32>
          %get3A_323 = arith.index_cast %scan3A_110 : i32 to index
          %get3A_324 = arith.constant 240 : index
          %get3A_325 = tpu.vector_load %arg12[%get3A_323, %get3A_324] {strides = array<i32>} : memref<40x256xf32, #tpu.memory_space<vmem>>, vector<1x16xf32>,
          %get3A_326 = vector.shape_cast %get3A_325 : vector<1x16xf32> to vector<16xf32>
          %add3A_327 = arith.addf %get3A_322, %get3A_326 : vector<16xf32>
          %swap3A_328 = arith.index_cast %scan3A_110 : i32 to index
          %swap3A_329 = arith.constant 240 : index
          %swap3A_330 = tpu.vector_load %arg10[%swap3A_328, %swap3A_329] {strides = array<i32>} : memref<40x256xf32, #tpu.memory_space<vmem>>, vector<1x16xf32>,
          %swap3A_331 = vector.shape_cast %swap3A_330 : vector<1x16xf32> to vector<16xf32>
          %swap3A_332 = vector.shape_cast %add3A_327 : vector<16xf32> to vector<1x16xf32>
          tpu.vector_store %arg10[%swap3A_328, %swap3A_329], %swap3A_332 {strides = array<i32>} : memref<40x256xf32, #tpu.memory_space<vmem>>, vector<1x16xf32>,
        }
        %scan3A_102 = arith.constant 40 : i32
        %mul3A_103 = arith.constant 40 : i32
        %mul3A_104 = arith.muli %add3A_68, %mul3A_103 : i32
        %add3A_105 = arith.addi %mul3A_2, %mul3A_104 : i32
        %dma_start3A_106 = arith.constant 0 : i32
        %dma_start3A_107 = tpu.memref_slice %arg6[%add3A_105, %dma_start3A_106] : memref<160000x256xf32, #tpu.memory_space<hbm>> -> memref<40x256xf32, #tpu.memory_space<hbm>>
        %dma_start3A_108 = arith.constant 0 : i32
        %dma_start3A_109 = tpu.memref_slice %arg6[%add3A_105, %dma_start3A_108] : memref<160000x256xf32, #tpu.memory_space<hbm>> -> memref<40x256xf32, #tpu.memory_space<hbm>>
        tpu.enqueue_dma source(%arg10 : memref<40x256xf32, #tpu.memory_space<vmem>>) target(%dma_start3A_109 : memref<40x256xf32, #tpu.memory_space<hbm>>) target_semaphore(%arg17 : memref<!tpu.dma_semaphore, #tpu.memory_space<semaphore_mem>>)
      } else {
      }
    }
    %scan3A_51 = arith.constant 63 : i32
    %add3A_52 = arith.constant 4960 : i32
    %add3A_53 = arith.addi %mul3A_2, %add3A_52 : i32
    %dma_wait3A_54 = arith.constant 0 : i32
    %dma_wait3A_55 = tpu.memref_slice %arg6[%add3A_53, %dma_wait3A_54] : memref<160000x256xf32, #tpu.memory_space<hbm>> -> memref<40x256xf32, #tpu.memory_space<hbm>>
    %dma_wait3A_56 = arith.constant 0 : i32
    %dma_wait3A_57 = tpu.memref_slice %arg6[%add3A_53, %dma_wait3A_56] : memref<160000x256xf32, #tpu.memory_space<hbm>> -> memref<40x256xf32, #tpu.memory_space<hbm>>
    tpu.wait_dma2 semaphore(%arg16 : memref<!tpu.dma_semaphore, #tpu.memory_space<semaphore_mem>>) src(%arg9 : memref<40x256xf32, #tpu.memory_space<vmem>>) dst(%dma_wait3A_57 : memref<40x256xf32, #tpu.memory_space<hbm>>)
    return
  }
}

#map = affine_map<(d0, d1) -> (0, 0, 0)>
#map1 = affine_map<(d0, d1) -> (0, 0)>
module attributes {stable_mosaic.version = 14 : i64} {
  func.func @_sc_seg_body(%arg0: i32, %arg1: i32, %arg2: memref<16x125x80xi32, #tpu.memory_space<hbm>>, %arg3: memref<16x125x80xi32, #tpu.memory_space<hbm>>, %arg4: memref<2x160000x128xf32, #tpu.memory_space<hbm>>, %arg5: memref<20000x128xf32, #tpu.memory_space<hbm>>, %arg6: memref<632x128xf32, #tpu.memory_space<hbm>>, %arg7: memref<4x10112x128xf32, #tpu.memory_space<hbm>>, %arg8: memref<80xi32, #tpu.memory_space<vmem>>, %arg9: memref<80xi32, #tpu.memory_space<vmem>>, %arg10: memref<80xi32, #tpu.memory_space<vmem>>, %arg11: memref<80xi32, #tpu.memory_space<vmem>>, %arg12: memref<80xi32, #tpu.memory_space<vmem>>, %arg13: memref<80xi32, #tpu.memory_space<vmem>>, %arg14: memref<80xi32, #tpu.memory_space<vmem>>, %arg15: memref<80xi32, #tpu.memory_space<vmem>>, %arg16: memref<80x128xf32, #tpu.memory_space<vmem>>, %arg17: memref<80x128xf32, #tpu.memory_space<vmem>>, %arg18: memref<80x128xf32, #tpu.memory_space<vmem>>, %arg19: memref<80x128xf32, #tpu.memory_space<vmem>>, %arg20: memref<10112x128xf32, #tpu.memory_space<vmem_shared>>, %arg21: memref<!tpu.dma_semaphore, #tpu.memory_space<semaphore_mem>>, %arg22: memref<!tpu.dma_semaphore, #tpu.memory_space<semaphore_mem>>, %arg23: memref<!tpu.dma_semaphore, #tpu.memory_space<semaphore_mem>>, %arg24: memref<!tpu.dma_semaphore, #tpu.memory_space<semaphore_mem>>, %arg25: memref<!tpu.dma_semaphore, #tpu.memory_space<semaphore_mem>>, %arg26: memref<!tpu.dma_semaphore, #tpu.memory_space<semaphore_mem>>, %arg27: memref<!tpu.dma_semaphore, #tpu.memory_space<semaphore_mem>>, %arg28: memref<!tpu.dma_semaphore, #tpu.memory_space<semaphore_mem>>) attributes {dimension_semantics = [#tpu.dimension_semantics<core_parallel>, #tpu.dimension_semantics<subcore_parallel>], iteration_bounds = array<i64: 2, 16>, scalar_prefetch = 0 : i64, scratch_operands = 21 : i64, tpu.core_type = #tpu.core_type<sc_vector_subcore>, window_params = [{transform_indices = #map}, {transform_indices = #map}, {transform_indices = #map}, {transform_indices = #map1}, {transform_indices = #map1}, {transform_indices = #map}]} {
    %mul3A = arith.constant 632 : i32
    %mul3A_0 = arith.muli %arg1, %mul3A : i32
    %mul3A_1 = arith.constant 10000 : i32
    %mul3A_2 = arith.muli %arg0, %mul3A_1 : i32
    "tpu.region"() ({
      %run_scoped3A = tpu.sem_alloc : memref<!tpu.dma_semaphore, #tpu.memory_space<semaphore_mem>>
      %dma_start3A_223 = arith.constant 0 : i32
      %dma_start3A_224 = tpu.memref_slice %arg20[%mul3A_0, %dma_start3A_223] : memref<10112x128xf32, #tpu.memory_space<vmem_shared>> -> memref<632x128xf32, #tpu.memory_space<vmem_shared>>
      tpu.enqueue_dma source(%arg6 : memref<632x128xf32, #tpu.memory_space<hbm>>) target(%dma_start3A_224 : memref<632x128xf32, #tpu.memory_space<vmem_shared>>) target_semaphore(%run_scoped3A : memref<!tpu.dma_semaphore, #tpu.memory_space<semaphore_mem>>)
      %dma_wait3A_225 = arith.constant 0 : i32
      %dma_wait3A_226 = tpu.memref_slice %arg20[%mul3A_0, %dma_wait3A_225] : memref<10112x128xf32, #tpu.memory_space<vmem_shared>> -> memref<632x128xf32, #tpu.memory_space<vmem_shared>>
      tpu.wait_dma2 semaphore(%run_scoped3A : memref<!tpu.dma_semaphore, #tpu.memory_space<semaphore_mem>>) src(%arg6 : memref<632x128xf32, #tpu.memory_space<hbm>>) dst(%dma_wait3A_226 : memref<632x128xf32, #tpu.memory_space<vmem_shared>>)
      tpu.yield
    }) : () -> ()
    %barrier3A = arith.constant 0 : index
    tpu.barrier barrier_id(%barrier3A)
    %dma_start3A = arith.constant 0 : i32
    %dma_start3A_3 = arith.constant 0 : i32
    %dma_start3A_4 = tpu.memref_slice %arg3[%arg1, %dma_start3A, %dma_start3A_3] : memref<16x125x80xi32, #tpu.memory_space<hbm>> -> memref<1x1x80xi32, #tpu.memory_space<hbm>>
    %dma_start3A_5 = tpu.memref_squeeze %dma_start3A_4 : memref<1x1x80xi32, #tpu.memory_space<hbm>> -> memref<80xi32, #tpu.memory_space<hbm>>
    %dma_start3A_6 = arith.constant 0 : i32
    %dma_start3A_7 = tpu.memref_slice %arg3[%arg1, %dma_start3A, %dma_start3A_6] : memref<16x125x80xi32, #tpu.memory_space<hbm>> -> memref<1x1x80xi32, #tpu.memory_space<hbm>>
    %dma_start3A_8 = tpu.memref_squeeze %dma_start3A_7 : memref<1x1x80xi32, #tpu.memory_space<hbm>> -> memref<80xi32, #tpu.memory_space<hbm>>
    tpu.enqueue_dma source(%dma_start3A_8 : memref<80xi32, #tpu.memory_space<hbm>>) target(%arg10 : memref<80xi32, #tpu.memory_space<vmem>>) target_semaphore(%arg21 : memref<!tpu.dma_semaphore, #tpu.memory_space<semaphore_mem>>)
    %dma_start3A_9 = arith.constant 0 : i32
    %dma_start3A_10 = arith.constant 0 : i32
    %dma_start3A_11 = tpu.memref_slice %arg2[%arg1, %dma_start3A_9, %dma_start3A_10] : memref<16x125x80xi32, #tpu.memory_space<hbm>> -> memref<1x1x80xi32, #tpu.memory_space<hbm>>
    %dma_start3A_12 = tpu.memref_squeeze %dma_start3A_11 : memref<1x1x80xi32, #tpu.memory_space<hbm>> -> memref<80xi32, #tpu.memory_space<hbm>>
    %dma_start3A_13 = arith.constant 0 : i32
    %dma_start3A_14 = tpu.memref_slice %arg2[%arg1, %dma_start3A_9, %dma_start3A_13] : memref<16x125x80xi32, #tpu.memory_space<hbm>> -> memref<1x1x80xi32, #tpu.memory_space<hbm>>
    %dma_start3A_15 = tpu.memref_squeeze %dma_start3A_14 : memref<1x1x80xi32, #tpu.memory_space<hbm>> -> memref<80xi32, #tpu.memory_space<hbm>>
    tpu.enqueue_dma source(%dma_start3A_15 : memref<80xi32, #tpu.memory_space<hbm>>) target(%arg8 : memref<80xi32, #tpu.memory_space<vmem>>) target_semaphore(%arg21 : memref<!tpu.dma_semaphore, #tpu.memory_space<semaphore_mem>>)
    %dma_start3A_16 = arith.constant 1 : i32
    %dma_start3A_17 = arith.constant 0 : i32
    %dma_start3A_18 = tpu.memref_slice %arg3[%arg1, %dma_start3A_16, %dma_start3A_17] : memref<16x125x80xi32, #tpu.memory_space<hbm>> -> memref<1x1x80xi32, #tpu.memory_space<hbm>>
    %dma_start3A_19 = tpu.memref_squeeze %dma_start3A_18 : memref<1x1x80xi32, #tpu.memory_space<hbm>> -> memref<80xi32, #tpu.memory_space<hbm>>
    %dma_start3A_20 = arith.constant 0 : i32
    %dma_start3A_21 = tpu.memref_slice %arg3[%arg1, %dma_start3A_16, %dma_start3A_20] : memref<16x125x80xi32, #tpu.memory_space<hbm>> -> memref<1x1x80xi32, #tpu.memory_space<hbm>>
    %dma_start3A_22 = tpu.memref_squeeze %dma_start3A_21 : memref<1x1x80xi32, #tpu.memory_space<hbm>> -> memref<80xi32, #tpu.memory_space<hbm>>
    tpu.enqueue_dma source(%dma_start3A_22 : memref<80xi32, #tpu.memory_space<hbm>>) target(%arg11 : memref<80xi32, #tpu.memory_space<vmem>>) target_semaphore(%arg22 : memref<!tpu.dma_semaphore, #tpu.memory_space<semaphore_mem>>)
    %dma_start3A_23 = arith.constant 1 : i32
    %dma_start3A_24 = arith.constant 0 : i32
    %dma_start3A_25 = tpu.memref_slice %arg2[%arg1, %dma_start3A_23, %dma_start3A_24] : memref<16x125x80xi32, #tpu.memory_space<hbm>> -> memref<1x1x80xi32, #tpu.memory_space<hbm>>
    %dma_start3A_26 = tpu.memref_squeeze %dma_start3A_25 : memref<1x1x80xi32, #tpu.memory_space<hbm>> -> memref<80xi32, #tpu.memory_space<hbm>>
    %dma_start3A_27 = arith.constant 0 : i32
    %dma_start3A_28 = tpu.memref_slice %arg2[%arg1, %dma_start3A_23, %dma_start3A_27] : memref<16x125x80xi32, #tpu.memory_space<hbm>> -> memref<1x1x80xi32, #tpu.memory_space<hbm>>
    %dma_start3A_29 = tpu.memref_squeeze %dma_start3A_28 : memref<1x1x80xi32, #tpu.memory_space<hbm>> -> memref<80xi32, #tpu.memory_space<hbm>>
    tpu.enqueue_dma source(%dma_start3A_29 : memref<80xi32, #tpu.memory_space<hbm>>) target(%arg9 : memref<80xi32, #tpu.memory_space<vmem>>) target_semaphore(%arg22 : memref<!tpu.dma_semaphore, #tpu.memory_space<semaphore_mem>>)
    %dma_wait3A = arith.constant 0 : i32
    %dma_wait3A_30 = arith.constant 0 : i32
    %dma_wait3A_31 = tpu.memref_slice %arg3[%arg1, %dma_wait3A, %dma_wait3A_30] : memref<16x125x80xi32, #tpu.memory_space<hbm>> -> memref<1x1x80xi32, #tpu.memory_space<hbm>>
    %dma_wait3A_32 = tpu.memref_squeeze %dma_wait3A_31 : memref<1x1x80xi32, #tpu.memory_space<hbm>> -> memref<80xi32, #tpu.memory_space<hbm>>
    %dma_wait3A_33 = arith.constant 0 : i32
    %dma_wait3A_34 = tpu.memref_slice %arg3[%arg1, %dma_wait3A, %dma_wait3A_33] : memref<16x125x80xi32, #tpu.memory_space<hbm>> -> memref<1x1x80xi32, #tpu.memory_space<hbm>>
    %dma_wait3A_35 = tpu.memref_squeeze %dma_wait3A_34 : memref<1x1x80xi32, #tpu.memory_space<hbm>> -> memref<80xi32, #tpu.memory_space<hbm>>
    tpu.wait_dma2 semaphore(%arg21 : memref<!tpu.dma_semaphore, #tpu.memory_space<semaphore_mem>>) src(%dma_wait3A_35 : memref<80xi32, #tpu.memory_space<hbm>>) dst(%arg10 : memref<80xi32, #tpu.memory_space<vmem>>)
    %dma_wait3A_36 = arith.constant 0 : i32
    %dma_wait3A_37 = arith.constant 0 : i32
    %dma_wait3A_38 = tpu.memref_slice %arg2[%arg1, %dma_wait3A_36, %dma_wait3A_37] : memref<16x125x80xi32, #tpu.memory_space<hbm>> -> memref<1x1x80xi32, #tpu.memory_space<hbm>>
    %dma_wait3A_39 = tpu.memref_squeeze %dma_wait3A_38 : memref<1x1x80xi32, #tpu.memory_space<hbm>> -> memref<80xi32, #tpu.memory_space<hbm>>
    %dma_wait3A_40 = arith.constant 0 : i32
    %dma_wait3A_41 = tpu.memref_slice %arg2[%arg1, %dma_wait3A_36, %dma_wait3A_40] : memref<16x125x80xi32, #tpu.memory_space<hbm>> -> memref<1x1x80xi32, #tpu.memory_space<hbm>>
    %dma_wait3A_42 = tpu.memref_squeeze %dma_wait3A_41 : memref<1x1x80xi32, #tpu.memory_space<hbm>> -> memref<80xi32, #tpu.memory_space<hbm>>
    tpu.wait_dma2 semaphore(%arg21 : memref<!tpu.dma_semaphore, #tpu.memory_space<semaphore_mem>>) src(%dma_wait3A_42 : memref<80xi32, #tpu.memory_space<hbm>>) dst(%arg8 : memref<80xi32, #tpu.memory_space<vmem>>)
    %get3A = arith.constant 0 : index
    %get3A_43 = tpu.vector_load %arg10[%get3A] {strides = array<i32>} : memref<80xi32, #tpu.memory_space<vmem>>, vector<16xi32>,
    %get3A_44 = vector.shape_cast %get3A_43 : vector<16xi32> to vector<16xi32>
    %swap3A = arith.constant 0 : index
    %swap3A_45 = tpu.vector_load %arg14[%swap3A] {strides = array<i32>} : memref<80xi32, #tpu.memory_space<vmem>>, vector<16xi32>,
    %swap3A_46 = vector.shape_cast %swap3A_45 : vector<16xi32> to vector<16xi32>
    %swap3A_47 = vector.shape_cast %get3A_44 : vector<16xi32> to vector<16xi32>
    tpu.vector_store %arg14[%swap3A], %swap3A_47 {strides = array<i32>} : memref<80xi32, #tpu.memory_space<vmem>>, vector<16xi32>,
    %get3A_48 = arith.constant 0 : index
    %get3A_49 = tpu.vector_load %arg8[%get3A_48] {strides = array<i32>} : memref<80xi32, #tpu.memory_space<vmem>>, vector<16xi32>,
    %get3A_50 = vector.shape_cast %get3A_49 : vector<16xi32> to vector<16xi32>
    %add3A = vector.broadcast %mul3A_2 : i32 to vector<16xi32>
    %add3A_51 = arith.addi %get3A_50, %add3A : vector<16xi32>
    %swap3A_52 = arith.constant 0 : index
    %swap3A_53 = tpu.vector_load %arg12[%swap3A_52] {strides = array<i32>} : memref<80xi32, #tpu.memory_space<vmem>>, vector<16xi32>,
    %swap3A_54 = vector.shape_cast %swap3A_53 : vector<16xi32> to vector<16xi32>
    %swap3A_55 = vector.shape_cast %add3A_51 : vector<16xi32> to vector<16xi32>
    tpu.vector_store %arg12[%swap3A_52], %swap3A_55 {strides = array<i32>} : memref<80xi32, #tpu.memory_space<vmem>>, vector<16xi32>,
    %get3A_56 = arith.constant 16 : index
    %get3A_57 = tpu.vector_load %arg10[%get3A_56] {strides = array<i32>} : memref<80xi32, #tpu.memory_space<vmem>>, vector<16xi32>,
    %get3A_58 = vector.shape_cast %get3A_57 : vector<16xi32> to vector<16xi32>
    %swap3A_59 = arith.constant 16 : index
    %swap3A_60 = tpu.vector_load %arg14[%swap3A_59] {strides = array<i32>} : memref<80xi32, #tpu.memory_space<vmem>>, vector<16xi32>,
    %swap3A_61 = vector.shape_cast %swap3A_60 : vector<16xi32> to vector<16xi32>
    %swap3A_62 = vector.shape_cast %get3A_58 : vector<16xi32> to vector<16xi32>
    tpu.vector_store %arg14[%swap3A_59], %swap3A_62 {strides = array<i32>} : memref<80xi32, #tpu.memory_space<vmem>>, vector<16xi32>,
    %get3A_63 = arith.constant 16 : index
    %get3A_64 = tpu.vector_load %arg8[%get3A_63] {strides = array<i32>} : memref<80xi32, #tpu.memory_space<vmem>>, vector<16xi32>,
    %get3A_65 = vector.shape_cast %get3A_64 : vector<16xi32> to vector<16xi32>
    %add3A_66 = vector.broadcast %mul3A_2 : i32 to vector<16xi32>
    %add3A_67 = arith.addi %get3A_65, %add3A_66 : vector<16xi32>
    %swap3A_68 = arith.constant 16 : index
    %swap3A_69 = tpu.vector_load %arg12[%swap3A_68] {strides = array<i32>} : memref<80xi32, #tpu.memory_space<vmem>>, vector<16xi32>,
    %swap3A_70 = vector.shape_cast %swap3A_69 : vector<16xi32> to vector<16xi32>
    %swap3A_71 = vector.shape_cast %add3A_67 : vector<16xi32> to vector<16xi32>
    tpu.vector_store %arg12[%swap3A_68], %swap3A_71 {strides = array<i32>} : memref<80xi32, #tpu.memory_space<vmem>>, vector<16xi32>,
    %get3A_72 = arith.constant 32 : index
    %get3A_73 = tpu.vector_load %arg10[%get3A_72] {strides = array<i32>} : memref<80xi32, #tpu.memory_space<vmem>>, vector<16xi32>,
    %get3A_74 = vector.shape_cast %get3A_73 : vector<16xi32> to vector<16xi32>
    %swap3A_75 = arith.constant 32 : index
    %swap3A_76 = tpu.vector_load %arg14[%swap3A_75] {strides = array<i32>} : memref<80xi32, #tpu.memory_space<vmem>>, vector<16xi32>,
    %swap3A_77 = vector.shape_cast %swap3A_76 : vector<16xi32> to vector<16xi32>
    %swap3A_78 = vector.shape_cast %get3A_74 : vector<16xi32> to vector<16xi32>
    tpu.vector_store %arg14[%swap3A_75], %swap3A_78 {strides = array<i32>} : memref<80xi32, #tpu.memory_space<vmem>>, vector<16xi32>,
    %get3A_79 = arith.constant 32 : index
    %get3A_80 = tpu.vector_load %arg8[%get3A_79] {strides = array<i32>} : memref<80xi32, #tpu.memory_space<vmem>>, vector<16xi32>,
    %get3A_81 = vector.shape_cast %get3A_80 : vector<16xi32> to vector<16xi32>
    %add3A_82 = vector.broadcast %mul3A_2 : i32 to vector<16xi32>
    %add3A_83 = arith.addi %get3A_81, %add3A_82 : vector<16xi32>
    %swap3A_84 = arith.constant 32 : index
    %swap3A_85 = tpu.vector_load %arg12[%swap3A_84] {strides = array<i32>} : memref<80xi32, #tpu.memory_space<vmem>>, vector<16xi32>,
    %swap3A_86 = vector.shape_cast %swap3A_85 : vector<16xi32> to vector<16xi32>
    %swap3A_87 = vector.shape_cast %add3A_83 : vector<16xi32> to vector<16xi32>
    tpu.vector_store %arg12[%swap3A_84], %swap3A_87 {strides = array<i32>} : memref<80xi32, #tpu.memory_space<vmem>>, vector<16xi32>,
    %get3A_88 = arith.constant 48 : index
    %get3A_89 = tpu.vector_load %arg10[%get3A_88] {strides = array<i32>} : memref<80xi32, #tpu.memory_space<vmem>>, vector<16xi32>,
    %get3A_90 = vector.shape_cast %get3A_89 : vector<16xi32> to vector<16xi32>
    %swap3A_91 = arith.constant 48 : index
    %swap3A_92 = tpu.vector_load %arg14[%swap3A_91] {strides = array<i32>} : memref<80xi32, #tpu.memory_space<vmem>>, vector<16xi32>,
    %swap3A_93 = vector.shape_cast %swap3A_92 : vector<16xi32> to vector<16xi32>
    %swap3A_94 = vector.shape_cast %get3A_90 : vector<16xi32> to vector<16xi32>
    tpu.vector_store %arg14[%swap3A_91], %swap3A_94 {strides = array<i32>} : memref<80xi32, #tpu.memory_space<vmem>>, vector<16xi32>,
    %get3A_95 = arith.constant 48 : index
    %get3A_96 = tpu.vector_load %arg8[%get3A_95] {strides = array<i32>} : memref<80xi32, #tpu.memory_space<vmem>>, vector<16xi32>,
    %get3A_97 = vector.shape_cast %get3A_96 : vector<16xi32> to vector<16xi32>
    %add3A_98 = vector.broadcast %mul3A_2 : i32 to vector<16xi32>
    %add3A_99 = arith.addi %get3A_97, %add3A_98 : vector<16xi32>
    %swap3A_100 = arith.constant 48 : index
    %swap3A_101 = tpu.vector_load %arg12[%swap3A_100] {strides = array<i32>} : memref<80xi32, #tpu.memory_space<vmem>>, vector<16xi32>,
    %swap3A_102 = vector.shape_cast %swap3A_101 : vector<16xi32> to vector<16xi32>
    %swap3A_103 = vector.shape_cast %add3A_99 : vector<16xi32> to vector<16xi32>
    tpu.vector_store %arg12[%swap3A_100], %swap3A_103 {strides = array<i32>} : memref<80xi32, #tpu.memory_space<vmem>>, vector<16xi32>,
    %get3A_104 = arith.constant 64 : index
    %get3A_105 = tpu.vector_load %arg10[%get3A_104] {strides = array<i32>} : memref<80xi32, #tpu.memory_space<vmem>>, vector<16xi32>,
    %get3A_106 = vector.shape_cast %get3A_105 : vector<16xi32> to vector<16xi32>
    %swap3A_107 = arith.constant 64 : index
    %swap3A_108 = tpu.vector_load %arg14[%swap3A_107] {strides = array<i32>} : memref<80xi32, #tpu.memory_space<vmem>>, vector<16xi32>,
    %swap3A_109 = vector.shape_cast %swap3A_108 : vector<16xi32> to vector<16xi32>
    %swap3A_110 = vector.shape_cast %get3A_106 : vector<16xi32> to vector<16xi32>
    tpu.vector_store %arg14[%swap3A_107], %swap3A_110 {strides = array<i32>} : memref<80xi32, #tpu.memory_space<vmem>>, vector<16xi32>,
    %get3A_111 = arith.constant 64 : index
    %get3A_112 = tpu.vector_load %arg8[%get3A_111] {strides = array<i32>} : memref<80xi32, #tpu.memory_space<vmem>>, vector<16xi32>,
    %get3A_113 = vector.shape_cast %get3A_112 : vector<16xi32> to vector<16xi32>
    %add3A_114 = vector.broadcast %mul3A_2 : i32 to vector<16xi32>
    %add3A_115 = arith.addi %get3A_113, %add3A_114 : vector<16xi32>
    %swap3A_116 = arith.constant 64 : index
    %swap3A_117 = tpu.vector_load %arg12[%swap3A_116] {strides = array<i32>} : memref<80xi32, #tpu.memory_space<vmem>>, vector<16xi32>,
    %swap3A_118 = vector.shape_cast %swap3A_117 : vector<16xi32> to vector<16xi32>
    %swap3A_119 = vector.shape_cast %add3A_115 : vector<16xi32> to vector<16xi32>
    tpu.vector_store %arg12[%swap3A_116], %swap3A_119 {strides = array<i32>} : memref<80xi32, #tpu.memory_space<vmem>>, vector<16xi32>,
    %dma_start3A_120 = arith.constant 0 : i32
    %dma_start3A_121 = arith.constant 0 : i32
    %dma_start3A_122 = tpu.memref_slice %arg5[%dma_start3A_120, %dma_start3A_121] : memref<20000x128xf32, #tpu.memory_space<hbm>> -> memref<20000x128xf32, #tpu.memory_space<hbm>>
    tpu.enqueue_indirect_dma source(%dma_start3A_122 : memref<20000x128xf32, #tpu.memory_space<hbm>>) target(%arg18 : memref<80x128xf32, #tpu.memory_space<vmem>>) offsets(%arg12 : memref<80xi32, #tpu.memory_space<vmem>>) semaphore(%arg23 : memref<!tpu.dma_semaphore, #tpu.memory_space<semaphore_mem>>)
    %mul3A_123 = arith.constant 10000 : i32
    %mul3A_124 = arith.muli %arg1, %mul3A_123 : i32
    %add3A_125 = arith.constant 0 : i32
    %add3A_126 = arith.addi %mul3A_124, %add3A_125 : i32
    %dma_start3A_127 = arith.constant 0 : i32
    %dma_start3A_128 = tpu.memref_slice %arg4[%arg0, %add3A_126, %dma_start3A_127] : memref<2x160000x128xf32, #tpu.memory_space<hbm>> -> memref<1x80x128xf32, #tpu.memory_space<hbm>>
    %dma_start3A_129 = tpu.memref_squeeze %dma_start3A_128 : memref<1x80x128xf32, #tpu.memory_space<hbm>> -> memref<80x128xf32, #tpu.memory_space<hbm>>
    %dma_start3A_130 = arith.constant 0 : i32
    %dma_start3A_131 = tpu.memref_slice %arg4[%arg0, %add3A_126, %dma_start3A_130] : memref<2x160000x128xf32, #tpu.memory_space<hbm>> -> memref<1x80x128xf32, #tpu.memory_space<hbm>>
    %dma_start3A_132 = tpu.memref_squeeze %dma_start3A_131 : memref<1x80x128xf32, #tpu.memory_space<hbm>> -> memref<80x128xf32, #tpu.memory_space<hbm>>
    tpu.enqueue_dma source(%dma_start3A_132 : memref<80x128xf32, #tpu.memory_space<hbm>>) target(%arg16 : memref<80x128xf32, #tpu.memory_space<vmem>>) target_semaphore(%arg25 : memref<!tpu.dma_semaphore, #tpu.memory_space<semaphore_mem>>)
    %scan3A = arith.constant 0 : i32
    %scan3A_133 = arith.constant 0 : i32
    %scan3A_134 = arith.constant 63 : i32
    %scan3A_135 = arith.addi %scan3A_133, %scan3A_134 : i32
    %scan3A_136 = arith.constant 1 : i32
    scf.for %scan3A_223 = %scan3A_133 to %scan3A_135 step %scan3A_136  : i32 {
      %mul3A_224 = arith.constant 2 : i32
      %mul3A_225 = arith.muli %scan3A_223, %mul3A_224 : i32
      %add3A_226 = arith.constant 0 : i32
      %add3A_227 = arith.addi %mul3A_225, %add3A_226 : i32
      %lt3A = arith.constant 125 : i32
      %lt3A_228 = arith.cmpi slt, %add3A_227, %lt3A : i32
      %convert_element_type3A = arith.extui %lt3A_228 : i1 to i32
      %cond3A = arith.constant 0 : i32
      %cond3A_229 = arith.cmpi ne, %convert_element_type3A, %cond3A : i32
      scf.if %cond3A_229 {
        %ge3A = arith.constant 1 : i32
        %ge3A_239 = arith.cmpi sge, %add3A_227, %ge3A : i32
        %convert_element_type3A_240 = arith.extui %ge3A_239 : i1 to i32
        %cond3A_241 = arith.constant 0 : i32
        %cond3A_242 = arith.cmpi ne, %convert_element_type3A_240, %cond3A_241 : i32
        scf.if %cond3A_242 {
          %dma_wait3A_280 = arith.constant 0 : i32
          %dma_wait3A_281 = arith.constant 0 : i32
          %dma_wait3A_282 = tpu.memref_slice %arg20[%dma_wait3A_280, %dma_wait3A_281] : memref<10112x128xf32, #tpu.memory_space<vmem_shared>> -> memref<10112x128xf32, #tpu.memory_space<vmem_shared>>
          tpu.wait_indirect_dma semaphore(%arg28 : memref<!tpu.dma_semaphore, #tpu.memory_space<semaphore_mem>>) src(%arg19 : memref<80x128xf32, #tpu.memory_space<vmem>>) dst(%dma_wait3A_282 : memref<10112x128xf32, #tpu.memory_space<vmem_shared>>)
        } else {
        }
        %add3A_243 = arith.constant 1 : i32
        %add3A_244 = arith.addi %add3A_227, %add3A_243 : i32
        %lt3A_245 = arith.constant 125 : i32
        %lt3A_246 = arith.cmpi slt, %add3A_244, %lt3A_245 : i32
        %convert_element_type3A_247 = arith.extui %lt3A_246 : i1 to i32
        %cond3A_248 = arith.constant 0 : i32
        %cond3A_249 = arith.cmpi ne, %convert_element_type3A_247, %cond3A_248 : i32
        scf.if %cond3A_249 {
          %add3A_280 = arith.constant 1 : i32
          %add3A_281 = arith.addi %add3A_227, %add3A_280 : i32
          %dma_wait3A_282 = arith.constant 0 : i32
          %dma_wait3A_283 = tpu.memref_slice %arg3[%arg1, %add3A_281, %dma_wait3A_282] : memref<16x125x80xi32, #tpu.memory_space<hbm>> -> memref<1x1x80xi32, #tpu.memory_space<hbm>>
          %dma_wait3A_284 = tpu.memref_squeeze %dma_wait3A_283 : memref<1x1x80xi32, #tpu.memory_space<hbm>> -> memref<80xi32, #tpu.memory_space<hbm>>
          %dma_wait3A_285 = arith.constant 0 : i32
          %dma_wait3A_286 = tpu.memref_slice %arg3[%arg1, %add3A_281, %dma_wait3A_285] : memref<16x125x80xi32, #tpu.memory_space<hbm>> -> memref<1x1x80xi32, #tpu.memory_space<hbm>>
          %dma_wait3A_287 = tpu.memref_squeeze %dma_wait3A_286 : memref<1x1x80xi32, #tpu.memory_space<hbm>> -> memref<80xi32, #tpu.memory_space<hbm>>
          tpu.wait_dma2 semaphore(%arg22 : memref<!tpu.dma_semaphore, #tpu.memory_space<semaphore_mem>>) src(%dma_wait3A_287 : memref<80xi32, #tpu.memory_space<hbm>>) dst(%arg11 : memref<80xi32, #tpu.memory_space<vmem>>)
          %dma_wait3A_288 = arith.constant 0 : i32
          %dma_wait3A_289 = tpu.memref_slice %arg2[%arg1, %add3A_281, %dma_wait3A_288] : memref<16x125x80xi32, #tpu.memory_space<hbm>> -> memref<1x1x80xi32, #tpu.memory_space<hbm>>
          %dma_wait3A_290 = tpu.memref_squeeze %dma_wait3A_289 : memref<1x1x80xi32, #tpu.memory_space<hbm>> -> memref<80xi32, #tpu.memory_space<hbm>>
          %dma_wait3A_291 = arith.constant 0 : i32
          %dma_wait3A_292 = tpu.memref_slice %arg2[%arg1, %add3A_281, %dma_wait3A_291] : memref<16x125x80xi32, #tpu.memory_space<hbm>> -> memref<1x1x80xi32, #tpu.memory_space<hbm>>
          %dma_wait3A_293 = tpu.memref_squeeze %dma_wait3A_292 : memref<1x1x80xi32, #tpu.memory_space<hbm>> -> memref<80xi32, #tpu.memory_space<hbm>>
          tpu.wait_dma2 semaphore(%arg22 : memref<!tpu.dma_semaphore, #tpu.memory_space<semaphore_mem>>) src(%dma_wait3A_293 : memref<80xi32, #tpu.memory_space<hbm>>) dst(%arg9 : memref<80xi32, #tpu.memory_space<vmem>>)
          %get3A_294 = arith.constant 0 : index
          %get3A_295 = tpu.vector_load %arg11[%get3A_294] {strides = array<i32>} : memref<80xi32, #tpu.memory_space<vmem>>, vector<16xi32>,
          %get3A_296 = vector.shape_cast %get3A_295 : vector<16xi32> to vector<16xi32>
          %swap3A_297 = arith.constant 0 : index
          %swap3A_298 = tpu.vector_load %arg15[%swap3A_297] {strides = array<i32>} : memref<80xi32, #tpu.memory_space<vmem>>, vector<16xi32>,
          %swap3A_299 = vector.shape_cast %swap3A_298 : vector<16xi32> to vector<16xi32>
          %swap3A_300 = vector.shape_cast %get3A_296 : vector<16xi32> to vector<16xi32>
          tpu.vector_store %arg15[%swap3A_297], %swap3A_300 {strides = array<i32>} : memref<80xi32, #tpu.memory_space<vmem>>, vector<16xi32>,
          %get3A_301 = arith.constant 0 : index
          %get3A_302 = tpu.vector_load %arg9[%get3A_301] {strides = array<i32>} : memref<80xi32, #tpu.memory_space<vmem>>, vector<16xi32>,
          %get3A_303 = vector.shape_cast %get3A_302 : vector<16xi32> to vector<16xi32>
          %add3A_304 = vector.broadcast %mul3A_2 : i32 to vector<16xi32>
          %add3A_305 = arith.addi %get3A_303, %add3A_304 : vector<16xi32>
          %swap3A_306 = arith.constant 0 : index
          %swap3A_307 = tpu.vector_load %arg13[%swap3A_306] {strides = array<i32>} : memref<80xi32, #tpu.memory_space<vmem>>, vector<16xi32>,
          %swap3A_308 = vector.shape_cast %swap3A_307 : vector<16xi32> to vector<16xi32>
          %swap3A_309 = vector.shape_cast %add3A_305 : vector<16xi32> to vector<16xi32>
          tpu.vector_store %arg13[%swap3A_306], %swap3A_309 {strides = array<i32>} : memref<80xi32, #tpu.memory_space<vmem>>, vector<16xi32>,
          %get3A_310 = arith.constant 16 : index
          %get3A_311 = tpu.vector_load %arg11[%get3A_310] {strides = array<i32>} : memref<80xi32, #tpu.memory_space<vmem>>, vector<16xi32>,
          %get3A_312 = vector.shape_cast %get3A_311 : vector<16xi32> to vector<16xi32>
          %swap3A_313 = arith.constant 16 : index
          %swap3A_314 = tpu.vector_load %arg15[%swap3A_313] {strides = array<i32>} : memref<80xi32, #tpu.memory_space<vmem>>, vector<16xi32>,
          %swap3A_315 = vector.shape_cast %swap3A_314 : vector<16xi32> to vector<16xi32>
          %swap3A_316 = vector.shape_cast %get3A_312 : vector<16xi32> to vector<16xi32>
          tpu.vector_store %arg15[%swap3A_313], %swap3A_316 {strides = array<i32>} : memref<80xi32, #tpu.memory_space<vmem>>, vector<16xi32>,
          %get3A_317 = arith.constant 16 : index
          %get3A_318 = tpu.vector_load %arg9[%get3A_317] {strides = array<i32>} : memref<80xi32, #tpu.memory_space<vmem>>, vector<16xi32>,
          %get3A_319 = vector.shape_cast %get3A_318 : vector<16xi32> to vector<16xi32>
          %add3A_320 = vector.broadcast %mul3A_2 : i32 to vector<16xi32>
          %add3A_321 = arith.addi %get3A_319, %add3A_320 : vector<16xi32>
          %swap3A_322 = arith.constant 16 : index
          %swap3A_323 = tpu.vector_load %arg13[%swap3A_322] {strides = array<i32>} : memref<80xi32, #tpu.memory_space<vmem>>, vector<16xi32>,
          %swap3A_324 = vector.shape_cast %swap3A_323 : vector<16xi32> to vector<16xi32>
          %swap3A_325 = vector.shape_cast %add3A_321 : vector<16xi32> to vector<16xi32>
          tpu.vector_store %arg13[%swap3A_322], %swap3A_325 {strides = array<i32>} : memref<80xi32, #tpu.memory_space<vmem>>, vector<16xi32>,
          %get3A_326 = arith.constant 32 : index
          %get3A_327 = tpu.vector_load %arg11[%get3A_326] {strides = array<i32>} : memref<80xi32, #tpu.memory_space<vmem>>, vector<16xi32>,
          %get3A_328 = vector.shape_cast %get3A_327 : vector<16xi32> to vector<16xi32>
          %swap3A_329 = arith.constant 32 : index
          %swap3A_330 = tpu.vector_load %arg15[%swap3A_329] {strides = array<i32>} : memref<80xi32, #tpu.memory_space<vmem>>, vector<16xi32>,
          %swap3A_331 = vector.shape_cast %swap3A_330 : vector<16xi32> to vector<16xi32>
          %swap3A_332 = vector.shape_cast %get3A_328 : vector<16xi32> to vector<16xi32>
          tpu.vector_store %arg15[%swap3A_329], %swap3A_332 {strides = array<i32>} : memref<80xi32, #tpu.memory_space<vmem>>, vector<16xi32>,
          %get3A_333 = arith.constant 32 : index
          %get3A_334 = tpu.vector_load %arg9[%get3A_333] {strides = array<i32>} : memref<80xi32, #tpu.memory_space<vmem>>, vector<16xi32>,
          %get3A_335 = vector.shape_cast %get3A_334 : vector<16xi32> to vector<16xi32>
          %add3A_336 = vector.broadcast %mul3A_2 : i32 to vector<16xi32>
          %add3A_337 = arith.addi %get3A_335, %add3A_336 : vector<16xi32>
          %swap3A_338 = arith.constant 32 : index
          %swap3A_339 = tpu.vector_load %arg13[%swap3A_338] {strides = array<i32>} : memref<80xi32, #tpu.memory_space<vmem>>, vector<16xi32>,
          %swap3A_340 = vector.shape_cast %swap3A_339 : vector<16xi32> to vector<16xi32>
          %swap3A_341 = vector.shape_cast %add3A_337 : vector<16xi32> to vector<16xi32>
          tpu.vector_store %arg13[%swap3A_338], %swap3A_341 {strides = array<i32>} : memref<80xi32, #tpu.memory_space<vmem>>, vector<16xi32>,
          %get3A_342 = arith.constant 48 : index
          %get3A_343 = tpu.vector_load %arg11[%get3A_342] {strides = array<i32>} : memref<80xi32, #tpu.memory_space<vmem>>, vector<16xi32>,
          %get3A_344 = vector.shape_cast %get3A_343 : vector<16xi32> to vector<16xi32>
          %swap3A_345 = arith.constant 48 : index
          %swap3A_346 = tpu.vector_load %arg15[%swap3A_345] {strides = array<i32>} : memref<80xi32, #tpu.memory_space<vmem>>, vector<16xi32>,
          %swap3A_347 = vector.shape_cast %swap3A_346 : vector<16xi32> to vector<16xi32>
          %swap3A_348 = vector.shape_cast %get3A_344 : vector<16xi32> to vector<16xi32>
          tpu.vector_store %arg15[%swap3A_345], %swap3A_348 {strides = array<i32>} : memref<80xi32, #tpu.memory_space<vmem>>, vector<16xi32>,
          %get3A_349 = arith.constant 48 : index
          %get3A_350 = tpu.vector_load %arg9[%get3A_349] {strides = array<i32>} : memref<80xi32, #tpu.memory_space<vmem>>, vector<16xi32>,
          %get3A_351 = vector.shape_cast %get3A_350 : vector<16xi32> to vector<16xi32>
          %add3A_352 = vector.broadcast %mul3A_2 : i32 to vector<16xi32>
          %add3A_353 = arith.addi %get3A_351, %add3A_352 : vector<16xi32>
          %swap3A_354 = arith.constant 48 : index
          %swap3A_355 = tpu.vector_load %arg13[%swap3A_354] {strides = array<i32>} : memref<80xi32, #tpu.memory_space<vmem>>, vector<16xi32>,
          %swap3A_356 = vector.shape_cast %swap3A_355 : vector<16xi32> to vector<16xi32>
          %swap3A_357 = vector.shape_cast %add3A_353 : vector<16xi32> to vector<16xi32>
          tpu.vector_store %arg13[%swap3A_354], %swap3A_357 {strides = array<i32>} : memref<80xi32, #tpu.memory_space<vmem>>, vector<16xi32>,
          %get3A_358 = arith.constant 64 : index
          %get3A_359 = tpu.vector_load %arg11[%get3A_358] {strides = array<i32>} : memref<80xi32, #tpu.memory_space<vmem>>, vector<16xi32>,
          %get3A_360 = vector.shape_cast %get3A_359 : vector<16xi32> to vector<16xi32>
          %swap3A_361 = arith.constant 64 : index
          %swap3A_362 = tpu.vector_load %arg15[%swap3A_361] {strides = array<i32>} : memref<80xi32, #tpu.memory_space<vmem>>, vector<16xi32>,
          %swap3A_363 = vector.shape_cast %swap3A_362 : vector<16xi32> to vector<16xi32>
          %swap3A_364 = vector.shape_cast %get3A_360 : vector<16xi32> to vector<16xi32>
          tpu.vector_store %arg15[%swap3A_361], %swap3A_364 {strides = array<i32>} : memref<80xi32, #tpu.memory_space<vmem>>, vector<16xi32>,
          %get3A_365 = arith.constant 64 : index
          %get3A_366 = tpu.vector_load %arg9[%get3A_365] {strides = array<i32>} : memref<80xi32, #tpu.memory_space<vmem>>, vector<16xi32>,
          %get3A_367 = vector.shape_cast %get3A_366 : vector<16xi32> to vector<16xi32>
          %add3A_368 = vector.broadcast %mul3A_2 : i32 to vector<16xi32>
          %add3A_369 = arith.addi %get3A_367, %add3A_368 : vector<16xi32>
          %swap3A_370 = arith.constant 64 : index
          %swap3A_371 = tpu.vector_load %arg13[%swap3A_370] {strides = array<i32>} : memref<80xi32, #tpu.memory_space<vmem>>, vector<16xi32>,
          %swap3A_372 = vector.shape_cast %swap3A_371 : vector<16xi32> to vector<16xi32>
          %swap3A_373 = vector.shape_cast %add3A_369 : vector<16xi32> to vector<16xi32>
          tpu.vector_store %arg13[%swap3A_370], %swap3A_373 {strides = array<i32>} : memref<80xi32, #tpu.memory_space<vmem>>, vector<16xi32>,
          %dma_start3A_374 = arith.constant 0 : i32
          %dma_start3A_375 = arith.constant 0 : i32
          %dma_start3A_376 = tpu.memref_slice %arg5[%dma_start3A_374, %dma_start3A_375] : memref<20000x128xf32, #tpu.memory_space<hbm>> -> memref<20000x128xf32, #tpu.memory_space<hbm>>
          tpu.enqueue_indirect_dma source(%dma_start3A_376 : memref<20000x128xf32, #tpu.memory_space<hbm>>) target(%arg19 : memref<80x128xf32, #tpu.memory_space<vmem>>) offsets(%arg13 : memref<80xi32, #tpu.memory_space<vmem>>) semaphore(%arg24 : memref<!tpu.dma_semaphore, #tpu.memory_space<semaphore_mem>>)
          %add3A_377 = arith.constant 1 : i32
          %add3A_378 = arith.addi %add3A_227, %add3A_377 : i32
          %mul3A_379 = arith.constant 10000 : i32
          %mul3A_380 = arith.muli %arg1, %mul3A_379 : i32
          %mul3A_381 = arith.constant 80 : i32
          %mul3A_382 = arith.muli %add3A_378, %mul3A_381 : i32
          %add3A_383 = arith.addi %mul3A_380, %mul3A_382 : i32
          %dma_start3A_384 = arith.constant 0 : i32
          %dma_start3A_385 = tpu.memref_slice %arg4[%arg0, %add3A_383, %dma_start3A_384] : memref<2x160000x128xf32, #tpu.memory_space<hbm>> -> memref<1x80x128xf32, #tpu.memory_space<hbm>>
          %dma_start3A_386 = tpu.memref_squeeze %dma_start3A_385 : memref<1x80x128xf32, #tpu.memory_space<hbm>> -> memref<80x128xf32, #tpu.memory_space<hbm>>
          %dma_start3A_387 = arith.constant 0 : i32
          %dma_start3A_388 = tpu.memref_slice %arg4[%arg0, %add3A_383, %dma_start3A_387] : memref<2x160000x128xf32, #tpu.memory_space<hbm>> -> memref<1x80x128xf32, #tpu.memory_space<hbm>>
          %dma_start3A_389 = tpu.memref_squeeze %dma_start3A_388 : memref<1x80x128xf32, #tpu.memory_space<hbm>> -> memref<80x128xf32, #tpu.memory_space<hbm>>
          tpu.enqueue_dma source(%dma_start3A_389 : memref<80x128xf32, #tpu.memory_space<hbm>>) target(%arg17 : memref<80x128xf32, #tpu.memory_space<vmem>>) target_semaphore(%arg26 : memref<!tpu.dma_semaphore, #tpu.memory_space<semaphore_mem>>)
        } else {
        }
        %add3A_250 = arith.constant 2 : i32
        %add3A_251 = arith.addi %add3A_227, %add3A_250 : i32
        %lt3A_252 = arith.constant 125 : i32
        %lt3A_253 = arith.cmpi slt, %add3A_251, %lt3A_252 : i32
        %convert_element_type3A_254 = arith.extui %lt3A_253 : i1 to i32
        %cond3A_255 = arith.constant 0 : i32
        %cond3A_256 = arith.cmpi ne, %convert_element_type3A_254, %cond3A_255 : i32
        scf.if %cond3A_256 {
          %add3A_280 = arith.constant 2 : i32
          %add3A_281 = arith.addi %add3A_227, %add3A_280 : i32
          %dma_start3A_282 = arith.constant 0 : i32
          %dma_start3A_283 = tpu.memref_slice %arg3[%arg1, %add3A_281, %dma_start3A_282] : memref<16x125x80xi32, #tpu.memory_space<hbm>> -> memref<1x1x80xi32, #tpu.memory_space<hbm>>
          %dma_start3A_284 = tpu.memref_squeeze %dma_start3A_283 : memref<1x1x80xi32, #tpu.memory_space<hbm>> -> memref<80xi32, #tpu.memory_space<hbm>>
          %dma_start3A_285 = arith.constant 0 : i32
          %dma_start3A_286 = tpu.memref_slice %arg3[%arg1, %add3A_281, %dma_start3A_285] : memref<16x125x80xi32, #tpu.memory_space<hbm>> -> memref<1x1x80xi32, #tpu.memory_space<hbm>>
          %dma_start3A_287 = tpu.memref_squeeze %dma_start3A_286 : memref<1x1x80xi32, #tpu.memory_space<hbm>> -> memref<80xi32, #tpu.memory_space<hbm>>
          tpu.enqueue_dma source(%dma_start3A_287 : memref<80xi32, #tpu.memory_space<hbm>>) target(%arg10 : memref<80xi32, #tpu.memory_space<vmem>>) target_semaphore(%arg21 : memref<!tpu.dma_semaphore, #tpu.memory_space<semaphore_mem>>)
          %dma_start3A_288 = arith.constant 0 : i32
          %dma_start3A_289 = tpu.memref_slice %arg2[%arg1, %add3A_281, %dma_start3A_288] : memref<16x125x80xi32, #tpu.memory_space<hbm>> -> memref<1x1x80xi32, #tpu.memory_space<hbm>>
          %dma_start3A_290 = tpu.memref_squeeze %dma_start3A_289 : memref<1x1x80xi32, #tpu.memory_space<hbm>> -> memref<80xi32, #tpu.memory_space<hbm>>
          %dma_start3A_291 = arith.constant 0 : i32
          %dma_start3A_292 = tpu.memref_slice %arg2[%arg1, %add3A_281, %dma_start3A_291] : memref<16x125x80xi32, #tpu.memory_space<hbm>> -> memref<1x1x80xi32, #tpu.memory_space<hbm>>
          %dma_start3A_293 = tpu.memref_squeeze %dma_start3A_292 : memref<1x1x80xi32, #tpu.memory_space<hbm>> -> memref<80xi32, #tpu.memory_space<hbm>>
          tpu.enqueue_dma source(%dma_start3A_293 : memref<80xi32, #tpu.memory_space<hbm>>) target(%arg8 : memref<80xi32, #tpu.memory_space<vmem>>) target_semaphore(%arg21 : memref<!tpu.dma_semaphore, #tpu.memory_space<semaphore_mem>>)
        } else {
        }
        %mul3A_257 = arith.constant 10000 : i32
        %mul3A_258 = arith.muli %arg1, %mul3A_257 : i32
        %mul3A_259 = arith.constant 80 : i32
        %mul3A_260 = arith.muli %add3A_227, %mul3A_259 : i32
        %add3A_261 = arith.addi %mul3A_258, %mul3A_260 : i32
        %dma_wait3A_262 = arith.constant 0 : i32
        %dma_wait3A_263 = tpu.memref_slice %arg4[%arg0, %add3A_261, %dma_wait3A_262] : memref<2x160000x128xf32, #tpu.memory_space<hbm>> -> memref<1x80x128xf32, #tpu.memory_space<hbm>>
        %dma_wait3A_264 = tpu.memref_squeeze %dma_wait3A_263 : memref<1x80x128xf32, #tpu.memory_space<hbm>> -> memref<80x128xf32, #tpu.memory_space<hbm>>
        %dma_wait3A_265 = arith.constant 0 : i32
        %dma_wait3A_266 = tpu.memref_slice %arg4[%arg0, %add3A_261, %dma_wait3A_265] : memref<2x160000x128xf32, #tpu.memory_space<hbm>> -> memref<1x80x128xf32, #tpu.memory_space<hbm>>
        %dma_wait3A_267 = tpu.memref_squeeze %dma_wait3A_266 : memref<1x80x128xf32, #tpu.memory_space<hbm>> -> memref<80x128xf32, #tpu.memory_space<hbm>>
        tpu.wait_dma2 semaphore(%arg25 : memref<!tpu.dma_semaphore, #tpu.memory_space<semaphore_mem>>) src(%dma_wait3A_267 : memref<80x128xf32, #tpu.memory_space<hbm>>) dst(%arg16 : memref<80x128xf32, #tpu.memory_space<vmem>>)
        %dma_wait3A_268 = arith.constant 0 : i32
        %dma_wait3A_269 = arith.constant 0 : i32
        %dma_wait3A_270 = tpu.memref_slice %arg5[%dma_wait3A_268, %dma_wait3A_269] : memref<20000x128xf32, #tpu.memory_space<hbm>> -> memref<20000x128xf32, #tpu.memory_space<hbm>>
        tpu.wait_indirect_dma semaphore(%arg23 : memref<!tpu.dma_semaphore, #tpu.memory_space<semaphore_mem>>) src(%dma_wait3A_270 : memref<20000x128xf32, #tpu.memory_space<hbm>>) dst(%arg18 : memref<80x128xf32, #tpu.memory_space<vmem>>)
        %scan3A_271 = arith.constant 0 : i32
        %scan3A_272 = arith.constant 0 : i32
        %scan3A_273 = arith.constant 80 : i32
        %scan3A_274 = arith.addi %scan3A_272, %scan3A_273 : i32
        %scan3A_275 = arith.constant 1 : i32
        scf.for %scan3A_280 = %scan3A_272 to %scan3A_274 step %scan3A_275  : i32 {
          %get3A_281 = arith.index_cast %scan3A_280 : i32 to index
          %get3A_282 = arith.constant 0 : index
          %get3A_283 = tpu.vector_load %arg18[%get3A_281, %get3A_282] {strides = array<i32>} : memref<80x128xf32, #tpu.memory_space<vmem>>, vector<1x16xf32>,
          %get3A_284 = vector.shape_cast %get3A_283 : vector<1x16xf32> to vector<16xf32>
          %get3A_285 = arith.index_cast %scan3A_280 : i32 to index
          %get3A_286 = arith.constant 0 : index
          %get3A_287 = tpu.vector_load %arg16[%get3A_285, %get3A_286] {strides = array<i32>} : memref<80x128xf32, #tpu.memory_space<vmem>>, vector<1x16xf32>,
          %get3A_288 = vector.shape_cast %get3A_287 : vector<1x16xf32> to vector<16xf32>
          %mul3A_289 = arith.mulf %get3A_284, %get3A_288 : vector<16xf32>
          %swap3A_290 = arith.index_cast %scan3A_280 : i32 to index
          %swap3A_291 = arith.constant 0 : index
          %swap3A_292 = tpu.vector_load %arg18[%swap3A_290, %swap3A_291] {strides = array<i32>} : memref<80x128xf32, #tpu.memory_space<vmem>>, vector<1x16xf32>,
          %swap3A_293 = vector.shape_cast %swap3A_292 : vector<1x16xf32> to vector<16xf32>
          %swap3A_294 = vector.shape_cast %mul3A_289 : vector<16xf32> to vector<1x16xf32>
          tpu.vector_store %arg18[%swap3A_290, %swap3A_291], %swap3A_294 {strides = array<i32>} : memref<80x128xf32, #tpu.memory_space<vmem>>, vector<1x16xf32>,
          %get3A_295 = arith.index_cast %scan3A_280 : i32 to index
          %get3A_296 = arith.constant 16 : index
          %get3A_297 = tpu.vector_load %arg18[%get3A_295, %get3A_296] {strides = array<i32>} : memref<80x128xf32, #tpu.memory_space<vmem>>, vector<1x16xf32>,
          %get3A_298 = vector.shape_cast %get3A_297 : vector<1x16xf32> to vector<16xf32>
          %get3A_299 = arith.index_cast %scan3A_280 : i32 to index
          %get3A_300 = arith.constant 16 : index
          %get3A_301 = tpu.vector_load %arg16[%get3A_299, %get3A_300] {strides = array<i32>} : memref<80x128xf32, #tpu.memory_space<vmem>>, vector<1x16xf32>,
          %get3A_302 = vector.shape_cast %get3A_301 : vector<1x16xf32> to vector<16xf32>
          %mul3A_303 = arith.mulf %get3A_298, %get3A_302 : vector<16xf32>
          %swap3A_304 = arith.index_cast %scan3A_280 : i32 to index
          %swap3A_305 = arith.constant 16 : index
          %swap3A_306 = tpu.vector_load %arg18[%swap3A_304, %swap3A_305] {strides = array<i32>} : memref<80x128xf32, #tpu.memory_space<vmem>>, vector<1x16xf32>,
          %swap3A_307 = vector.shape_cast %swap3A_306 : vector<1x16xf32> to vector<16xf32>
          %swap3A_308 = vector.shape_cast %mul3A_303 : vector<16xf32> to vector<1x16xf32>
          tpu.vector_store %arg18[%swap3A_304, %swap3A_305], %swap3A_308 {strides = array<i32>} : memref<80x128xf32, #tpu.memory_space<vmem>>, vector<1x16xf32>,
          %get3A_309 = arith.index_cast %scan3A_280 : i32 to index
          %get3A_310 = arith.constant 32 : index
          %get3A_311 = tpu.vector_load %arg18[%get3A_309, %get3A_310] {strides = array<i32>} : memref<80x128xf32, #tpu.memory_space<vmem>>, vector<1x16xf32>,
          %get3A_312 = vector.shape_cast %get3A_311 : vector<1x16xf32> to vector<16xf32>
          %get3A_313 = arith.index_cast %scan3A_280 : i32 to index
          %get3A_314 = arith.constant 32 : index
          %get3A_315 = tpu.vector_load %arg16[%get3A_313, %get3A_314] {strides = array<i32>} : memref<80x128xf32, #tpu.memory_space<vmem>>, vector<1x16xf32>,
          %get3A_316 = vector.shape_cast %get3A_315 : vector<1x16xf32> to vector<16xf32>
          %mul3A_317 = arith.mulf %get3A_312, %get3A_316 : vector<16xf32>
          %swap3A_318 = arith.index_cast %scan3A_280 : i32 to index
          %swap3A_319 = arith.constant 32 : index
          %swap3A_320 = tpu.vector_load %arg18[%swap3A_318, %swap3A_319] {strides = array<i32>} : memref<80x128xf32, #tpu.memory_space<vmem>>, vector<1x16xf32>,
          %swap3A_321 = vector.shape_cast %swap3A_320 : vector<1x16xf32> to vector<16xf32>
          %swap3A_322 = vector.shape_cast %mul3A_317 : vector<16xf32> to vector<1x16xf32>
          tpu.vector_store %arg18[%swap3A_318, %swap3A_319], %swap3A_322 {strides = array<i32>} : memref<80x128xf32, #tpu.memory_space<vmem>>, vector<1x16xf32>,
          %get3A_323 = arith.index_cast %scan3A_280 : i32 to index
          %get3A_324 = arith.constant 48 : index
          %get3A_325 = tpu.vector_load %arg18[%get3A_323, %get3A_324] {strides = array<i32>} : memref<80x128xf32, #tpu.memory_space<vmem>>, vector<1x16xf32>,
          %get3A_326 = vector.shape_cast %get3A_325 : vector<1x16xf32> to vector<16xf32>
          %get3A_327 = arith.index_cast %scan3A_280 : i32 to index
          %get3A_328 = arith.constant 48 : index
          %get3A_329 = tpu.vector_load %arg16[%get3A_327, %get3A_328] {strides = array<i32>} : memref<80x128xf32, #tpu.memory_space<vmem>>, vector<1x16xf32>,
          %get3A_330 = vector.shape_cast %get3A_329 : vector<1x16xf32> to vector<16xf32>
          %mul3A_331 = arith.mulf %get3A_326, %get3A_330 : vector<16xf32>
          %swap3A_332 = arith.index_cast %scan3A_280 : i32 to index
          %swap3A_333 = arith.constant 48 : index
          %swap3A_334 = tpu.vector_load %arg18[%swap3A_332, %swap3A_333] {strides = array<i32>} : memref<80x128xf32, #tpu.memory_space<vmem>>, vector<1x16xf32>,
          %swap3A_335 = vector.shape_cast %swap3A_334 : vector<1x16xf32> to vector<16xf32>
          %swap3A_336 = vector.shape_cast %mul3A_331 : vector<16xf32> to vector<1x16xf32>
          tpu.vector_store %arg18[%swap3A_332, %swap3A_333], %swap3A_336 {strides = array<i32>} : memref<80x128xf32, #tpu.memory_space<vmem>>, vector<1x16xf32>,
          %get3A_337 = arith.index_cast %scan3A_280 : i32 to index
          %get3A_338 = arith.constant 64 : index
          %get3A_339 = tpu.vector_load %arg18[%get3A_337, %get3A_338] {strides = array<i32>} : memref<80x128xf32, #tpu.memory_space<vmem>>, vector<1x16xf32>,
          %get3A_340 = vector.shape_cast %get3A_339 : vector<1x16xf32> to vector<16xf32>
          %get3A_341 = arith.index_cast %scan3A_280 : i32 to index
          %get3A_342 = arith.constant 64 : index
          %get3A_343 = tpu.vector_load %arg16[%get3A_341, %get3A_342] {strides = array<i32>} : memref<80x128xf32, #tpu.memory_space<vmem>>, vector<1x16xf32>,
          %get3A_344 = vector.shape_cast %get3A_343 : vector<1x16xf32> to vector<16xf32>
          %mul3A_345 = arith.mulf %get3A_340, %get3A_344 : vector<16xf32>
          %swap3A_346 = arith.index_cast %scan3A_280 : i32 to index
          %swap3A_347 = arith.constant 64 : index
          %swap3A_348 = tpu.vector_load %arg18[%swap3A_346, %swap3A_347] {strides = array<i32>} : memref<80x128xf32, #tpu.memory_space<vmem>>, vector<1x16xf32>,
          %swap3A_349 = vector.shape_cast %swap3A_348 : vector<1x16xf32> to vector<16xf32>
          %swap3A_350 = vector.shape_cast %mul3A_345 : vector<16xf32> to vector<1x16xf32>
          tpu.vector_store %arg18[%swap3A_346, %swap3A_347], %swap3A_350 {strides = array<i32>} : memref<80x128xf32, #tpu.memory_space<vmem>>, vector<1x16xf32>,
          %get3A_351 = arith.index_cast %scan3A_280 : i32 to index
          %get3A_352 = arith.constant 80 : index
          %get3A_353 = tpu.vector_load %arg18[%get3A_351, %get3A_352] {strides = array<i32>} : memref<80x128xf32, #tpu.memory_space<vmem>>, vector<1x16xf32>,
          %get3A_354 = vector.shape_cast %get3A_353 : vector<1x16xf32> to vector<16xf32>
          %get3A_355 = arith.index_cast %scan3A_280 : i32 to index
          %get3A_356 = arith.constant 80 : index
          %get3A_357 = tpu.vector_load %arg16[%get3A_355, %get3A_356] {strides = array<i32>} : memref<80x128xf32, #tpu.memory_space<vmem>>, vector<1x16xf32>,
          %get3A_358 = vector.shape_cast %get3A_357 : vector<1x16xf32> to vector<16xf32>
          %mul3A_359 = arith.mulf %get3A_354, %get3A_358 : vector<16xf32>
          %swap3A_360 = arith.index_cast %scan3A_280 : i32 to index
          %swap3A_361 = arith.constant 80 : index
          %swap3A_362 = tpu.vector_load %arg18[%swap3A_360, %swap3A_361] {strides = array<i32>} : memref<80x128xf32, #tpu.memory_space<vmem>>, vector<1x16xf32>,
          %swap3A_363 = vector.shape_cast %swap3A_362 : vector<1x16xf32> to vector<16xf32>
          %swap3A_364 = vector.shape_cast %mul3A_359 : vector<16xf32> to vector<1x16xf32>
          tpu.vector_store %arg18[%swap3A_360, %swap3A_361], %swap3A_364 {strides = array<i32>} : memref<80x128xf32, #tpu.memory_space<vmem>>, vector<1x16xf32>,
          %get3A_365 = arith.index_cast %scan3A_280 : i32 to index
          %get3A_366 = arith.constant 96 : index
          %get3A_367 = tpu.vector_load %arg18[%get3A_365, %get3A_366] {strides = array<i32>} : memref<80x128xf32, #tpu.memory_space<vmem>>, vector<1x16xf32>,
          %get3A_368 = vector.shape_cast %get3A_367 : vector<1x16xf32> to vector<16xf32>
          %get3A_369 = arith.index_cast %scan3A_280 : i32 to index
          %get3A_370 = arith.constant 96 : index
          %get3A_371 = tpu.vector_load %arg16[%get3A_369, %get3A_370] {strides = array<i32>} : memref<80x128xf32, #tpu.memory_space<vmem>>, vector<1x16xf32>,
          %get3A_372 = vector.shape_cast %get3A_371 : vector<1x16xf32> to vector<16xf32>
          %mul3A_373 = arith.mulf %get3A_368, %get3A_372 : vector<16xf32>
          %swap3A_374 = arith.index_cast %scan3A_280 : i32 to index
          %swap3A_375 = arith.constant 96 : index
          %swap3A_376 = tpu.vector_load %arg18[%swap3A_374, %swap3A_375] {strides = array<i32>} : memref<80x128xf32, #tpu.memory_space<vmem>>, vector<1x16xf32>,
          %swap3A_377 = vector.shape_cast %swap3A_376 : vector<1x16xf32> to vector<16xf32>
          %swap3A_378 = vector.shape_cast %mul3A_373 : vector<16xf32> to vector<1x16xf32>
          tpu.vector_store %arg18[%swap3A_374, %swap3A_375], %swap3A_378 {strides = array<i32>} : memref<80x128xf32, #tpu.memory_space<vmem>>, vector<1x16xf32>,
          %get3A_379 = arith.index_cast %scan3A_280 : i32 to index
          %get3A_380 = arith.constant 112 : index
          %get3A_381 = tpu.vector_load %arg18[%get3A_379, %get3A_380] {strides = array<i32>} : memref<80x128xf32, #tpu.memory_space<vmem>>, vector<1x16xf32>,
          %get3A_382 = vector.shape_cast %get3A_381 : vector<1x16xf32> to vector<16xf32>
          %get3A_383 = arith.index_cast %scan3A_280 : i32 to index
          %get3A_384 = arith.constant 112 : index
          %get3A_385 = tpu.vector_load %arg16[%get3A_383, %get3A_384] {strides = array<i32>} : memref<80x128xf32, #tpu.memory_space<vmem>>, vector<1x16xf32>,
          %get3A_386 = vector.shape_cast %get3A_385 : vector<1x16xf32> to vector<16xf32>
          %mul3A_387 = arith.mulf %get3A_382, %get3A_386 : vector<16xf32>
          %swap3A_388 = arith.index_cast %scan3A_280 : i32 to index
          %swap3A_389 = arith.constant 112 : index
          %swap3A_390 = tpu.vector_load %arg18[%swap3A_388, %swap3A_389] {strides = array<i32>} : memref<80x128xf32, #tpu.memory_space<vmem>>, vector<1x16xf32>,
          %swap3A_391 = vector.shape_cast %swap3A_390 : vector<1x16xf32> to vector<16xf32>
          %swap3A_392 = vector.shape_cast %mul3A_387 : vector<16xf32> to vector<1x16xf32>
          tpu.vector_store %arg18[%swap3A_388, %swap3A_389], %swap3A_392 {strides = array<i32>} : memref<80x128xf32, #tpu.memory_space<vmem>>, vector<1x16xf32>,
        }
        %scan3A_276 = arith.constant 80 : i32
        %dma_start3A_277 = arith.constant 0 : i32
        %dma_start3A_278 = arith.constant 0 : i32
        %dma_start3A_279 = tpu.memref_slice %arg20[%dma_start3A_277, %dma_start3A_278] : memref<10112x128xf32, #tpu.memory_space<vmem_shared>> -> memref<10112x128xf32, #tpu.memory_space<vmem_shared>>
        tpu.enqueue_indirect_dma source(%arg18 : memref<80x128xf32, #tpu.memory_space<vmem>>) target(%dma_start3A_279 : memref<10112x128xf32, #tpu.memory_space<vmem_shared>>) offsets(%arg14 : memref<80xi32, #tpu.memory_space<vmem>>) semaphore(%arg27 : memref<!tpu.dma_semaphore, #tpu.memory_space<semaphore_mem>>) {add = true}
      } else {
      }
      %mul3A_230 = arith.constant 2 : i32
      %mul3A_231 = arith.muli %scan3A_223, %mul3A_230 : i32
      %add3A_232 = arith.constant 1 : i32
      %add3A_233 = arith.addi %mul3A_231, %add3A_232 : i32
      %lt3A_234 = arith.constant 125 : i32
      %lt3A_235 = arith.cmpi slt, %add3A_233, %lt3A_234 : i32
      %convert_element_type3A_236 = arith.extui %lt3A_235 : i1 to i32
      %cond3A_237 = arith.constant 0 : i32
      %cond3A_238 = arith.cmpi ne, %convert_element_type3A_236, %cond3A_237 : i32
      scf.if %cond3A_238 {
        %ge3A = arith.constant 1 : i32
        %ge3A_239 = arith.cmpi sge, %add3A_233, %ge3A : i32
        %convert_element_type3A_240 = arith.extui %ge3A_239 : i1 to i32
        %cond3A_241 = arith.constant 0 : i32
        %cond3A_242 = arith.cmpi ne, %convert_element_type3A_240, %cond3A_241 : i32
        scf.if %cond3A_242 {
          %dma_wait3A_280 = arith.constant 0 : i32
          %dma_wait3A_281 = arith.constant 0 : i32
          %dma_wait3A_282 = tpu.memref_slice %arg20[%dma_wait3A_280, %dma_wait3A_281] : memref<10112x128xf32, #tpu.memory_space<vmem_shared>> -> memref<10112x128xf32, #tpu.memory_space<vmem_shared>>
          tpu.wait_indirect_dma semaphore(%arg27 : memref<!tpu.dma_semaphore, #tpu.memory_space<semaphore_mem>>) src(%arg18 : memref<80x128xf32, #tpu.memory_space<vmem>>) dst(%dma_wait3A_282 : memref<10112x128xf32, #tpu.memory_space<vmem_shared>>)
        } else {
        }
        %add3A_243 = arith.constant 1 : i32
        %add3A_244 = arith.addi %add3A_233, %add3A_243 : i32
        %lt3A_245 = arith.constant 125 : i32
        %lt3A_246 = arith.cmpi slt, %add3A_244, %lt3A_245 : i32
        %convert_element_type3A_247 = arith.extui %lt3A_246 : i1 to i32
        %cond3A_248 = arith.constant 0 : i32
        %cond3A_249 = arith.cmpi ne, %convert_element_type3A_247, %cond3A_248 : i32
        scf.if %cond3A_249 {
          %add3A_280 = arith.constant 1 : i32
          %add3A_281 = arith.addi %add3A_233, %add3A_280 : i32
          %dma_wait3A_282 = arith.constant 0 : i32
          %dma_wait3A_283 = tpu.memref_slice %arg3[%arg1, %add3A_281, %dma_wait3A_282] : memref<16x125x80xi32, #tpu.memory_space<hbm>> -> memref<1x1x80xi32, #tpu.memory_space<hbm>>
          %dma_wait3A_284 = tpu.memref_squeeze %dma_wait3A_283 : memref<1x1x80xi32, #tpu.memory_space<hbm>> -> memref<80xi32, #tpu.memory_space<hbm>>
          %dma_wait3A_285 = arith.constant 0 : i32
          %dma_wait3A_286 = tpu.memref_slice %arg3[%arg1, %add3A_281, %dma_wait3A_285] : memref<16x125x80xi32, #tpu.memory_space<hbm>> -> memref<1x1x80xi32, #tpu.memory_space<hbm>>
          %dma_wait3A_287 = tpu.memref_squeeze %dma_wait3A_286 : memref<1x1x80xi32, #tpu.memory_space<hbm>> -> memref<80xi32, #tpu.memory_space<hbm>>
          tpu.wait_dma2 semaphore(%arg21 : memref<!tpu.dma_semaphore, #tpu.memory_space<semaphore_mem>>) src(%dma_wait3A_287 : memref<80xi32, #tpu.memory_space<hbm>>) dst(%arg10 : memref<80xi32, #tpu.memory_space<vmem>>)
          %dma_wait3A_288 = arith.constant 0 : i32
          %dma_wait3A_289 = tpu.memref_slice %arg2[%arg1, %add3A_281, %dma_wait3A_288] : memref<16x125x80xi32, #tpu.memory_space<hbm>> -> memref<1x1x80xi32, #tpu.memory_space<hbm>>
          %dma_wait3A_290 = tpu.memref_squeeze %dma_wait3A_289 : memref<1x1x80xi32, #tpu.memory_space<hbm>> -> memref<80xi32, #tpu.memory_space<hbm>>
          %dma_wait3A_291 = arith.constant 0 : i32
          %dma_wait3A_292 = tpu.memref_slice %arg2[%arg1, %add3A_281, %dma_wait3A_291] : memref<16x125x80xi32, #tpu.memory_space<hbm>> -> memref<1x1x80xi32, #tpu.memory_space<hbm>>
          %dma_wait3A_293 = tpu.memref_squeeze %dma_wait3A_292 : memref<1x1x80xi32, #tpu.memory_space<hbm>> -> memref<80xi32, #tpu.memory_space<hbm>>
          tpu.wait_dma2 semaphore(%arg21 : memref<!tpu.dma_semaphore, #tpu.memory_space<semaphore_mem>>) src(%dma_wait3A_293 : memref<80xi32, #tpu.memory_space<hbm>>) dst(%arg8 : memref<80xi32, #tpu.memory_space<vmem>>)
          %get3A_294 = arith.constant 0 : index
          %get3A_295 = tpu.vector_load %arg10[%get3A_294] {strides = array<i32>} : memref<80xi32, #tpu.memory_space<vmem>>, vector<16xi32>,
          %get3A_296 = vector.shape_cast %get3A_295 : vector<16xi32> to vector<16xi32>
          %swap3A_297 = arith.constant 0 : index
          %swap3A_298 = tpu.vector_load %arg14[%swap3A_297] {strides = array<i32>} : memref<80xi32, #tpu.memory_space<vmem>>, vector<16xi32>,
          %swap3A_299 = vector.shape_cast %swap3A_298 : vector<16xi32> to vector<16xi32>
          %swap3A_300 = vector.shape_cast %get3A_296 : vector<16xi32> to vector<16xi32>
          tpu.vector_store %arg14[%swap3A_297], %swap3A_300 {strides = array<i32>} : memref<80xi32, #tpu.memory_space<vmem>>, vector<16xi32>,
          %get3A_301 = arith.constant 0 : index
          %get3A_302 = tpu.vector_load %arg8[%get3A_301] {strides = array<i32>} : memref<80xi32, #tpu.memory_space<vmem>>, vector<16xi32>,
          %get3A_303 = vector.shape_cast %get3A_302 : vector<16xi32> to vector<16xi32>
          %add3A_304 = vector.broadcast %mul3A_2 : i32 to vector<16xi32>
          %add3A_305 = arith.addi %get3A_303, %add3A_304 : vector<16xi32>
          %swap3A_306 = arith.constant 0 : index
          %swap3A_307 = tpu.vector_load %arg12[%swap3A_306] {strides = array<i32>} : memref<80xi32, #tpu.memory_space<vmem>>, vector<16xi32>,
          %swap3A_308 = vector.shape_cast %swap3A_307 : vector<16xi32> to vector<16xi32>
          %swap3A_309 = vector.shape_cast %add3A_305 : vector<16xi32> to vector<16xi32>
          tpu.vector_store %arg12[%swap3A_306], %swap3A_309 {strides = array<i32>} : memref<80xi32, #tpu.memory_space<vmem>>, vector<16xi32>,
          %get3A_310 = arith.constant 16 : index
          %get3A_311 = tpu.vector_load %arg10[%get3A_310] {strides = array<i32>} : memref<80xi32, #tpu.memory_space<vmem>>, vector<16xi32>,
          %get3A_312 = vector.shape_cast %get3A_311 : vector<16xi32> to vector<16xi32>
          %swap3A_313 = arith.constant 16 : index
          %swap3A_314 = tpu.vector_load %arg14[%swap3A_313] {strides = array<i32>} : memref<80xi32, #tpu.memory_space<vmem>>, vector<16xi32>,
          %swap3A_315 = vector.shape_cast %swap3A_314 : vector<16xi32> to vector<16xi32>
          %swap3A_316 = vector.shape_cast %get3A_312 : vector<16xi32> to vector<16xi32>
          tpu.vector_store %arg14[%swap3A_313], %swap3A_316 {strides = array<i32>} : memref<80xi32, #tpu.memory_space<vmem>>, vector<16xi32>,
          %get3A_317 = arith.constant 16 : index
          %get3A_318 = tpu.vector_load %arg8[%get3A_317] {strides = array<i32>} : memref<80xi32, #tpu.memory_space<vmem>>, vector<16xi32>,
          %get3A_319 = vector.shape_cast %get3A_318 : vector<16xi32> to vector<16xi32>
          %add3A_320 = vector.broadcast %mul3A_2 : i32 to vector<16xi32>
          %add3A_321 = arith.addi %get3A_319, %add3A_320 : vector<16xi32>
          %swap3A_322 = arith.constant 16 : index
          %swap3A_323 = tpu.vector_load %arg12[%swap3A_322] {strides = array<i32>} : memref<80xi32, #tpu.memory_space<vmem>>, vector<16xi32>,
          %swap3A_324 = vector.shape_cast %swap3A_323 : vector<16xi32> to vector<16xi32>
          %swap3A_325 = vector.shape_cast %add3A_321 : vector<16xi32> to vector<16xi32>
          tpu.vector_store %arg12[%swap3A_322], %swap3A_325 {strides = array<i32>} : memref<80xi32, #tpu.memory_space<vmem>>, vector<16xi32>,
          %get3A_326 = arith.constant 32 : index
          %get3A_327 = tpu.vector_load %arg10[%get3A_326] {strides = array<i32>} : memref<80xi32, #tpu.memory_space<vmem>>, vector<16xi32>,
          %get3A_328 = vector.shape_cast %get3A_327 : vector<16xi32> to vector<16xi32>
          %swap3A_329 = arith.constant 32 : index
          %swap3A_330 = tpu.vector_load %arg14[%swap3A_329] {strides = array<i32>} : memref<80xi32, #tpu.memory_space<vmem>>, vector<16xi32>,
          %swap3A_331 = vector.shape_cast %swap3A_330 : vector<16xi32> to vector<16xi32>
          %swap3A_332 = vector.shape_cast %get3A_328 : vector<16xi32> to vector<16xi32>
          tpu.vector_store %arg14[%swap3A_329], %swap3A_332 {strides = array<i32>} : memref<80xi32, #tpu.memory_space<vmem>>, vector<16xi32>,
          %get3A_333 = arith.constant 32 : index
          %get3A_334 = tpu.vector_load %arg8[%get3A_333] {strides = array<i32>} : memref<80xi32, #tpu.memory_space<vmem>>, vector<16xi32>,
          %get3A_335 = vector.shape_cast %get3A_334 : vector<16xi32> to vector<16xi32>
          %add3A_336 = vector.broadcast %mul3A_2 : i32 to vector<16xi32>
          %add3A_337 = arith.addi %get3A_335, %add3A_336 : vector<16xi32>
          %swap3A_338 = arith.constant 32 : index
          %swap3A_339 = tpu.vector_load %arg12[%swap3A_338] {strides = array<i32>} : memref<80xi32, #tpu.memory_space<vmem>>, vector<16xi32>,
          %swap3A_340 = vector.shape_cast %swap3A_339 : vector<16xi32> to vector<16xi32>
          %swap3A_341 = vector.shape_cast %add3A_337 : vector<16xi32> to vector<16xi32>
          tpu.vector_store %arg12[%swap3A_338], %swap3A_341 {strides = array<i32>} : memref<80xi32, #tpu.memory_space<vmem>>, vector<16xi32>,
          %get3A_342 = arith.constant 48 : index
          %get3A_343 = tpu.vector_load %arg10[%get3A_342] {strides = array<i32>} : memref<80xi32, #tpu.memory_space<vmem>>, vector<16xi32>,
          %get3A_344 = vector.shape_cast %get3A_343 : vector<16xi32> to vector<16xi32>
          %swap3A_345 = arith.constant 48 : index
          %swap3A_346 = tpu.vector_load %arg14[%swap3A_345] {strides = array<i32>} : memref<80xi32, #tpu.memory_space<vmem>>, vector<16xi32>,
          %swap3A_347 = vector.shape_cast %swap3A_346 : vector<16xi32> to vector<16xi32>
          %swap3A_348 = vector.shape_cast %get3A_344 : vector<16xi32> to vector<16xi32>
          tpu.vector_store %arg14[%swap3A_345], %swap3A_348 {strides = array<i32>} : memref<80xi32, #tpu.memory_space<vmem>>, vector<16xi32>,
          %get3A_349 = arith.constant 48 : index
          %get3A_350 = tpu.vector_load %arg8[%get3A_349] {strides = array<i32>} : memref<80xi32, #tpu.memory_space<vmem>>, vector<16xi32>,
          %get3A_351 = vector.shape_cast %get3A_350 : vector<16xi32> to vector<16xi32>
          %add3A_352 = vector.broadcast %mul3A_2 : i32 to vector<16xi32>
          %add3A_353 = arith.addi %get3A_351, %add3A_352 : vector<16xi32>
          %swap3A_354 = arith.constant 48 : index
          %swap3A_355 = tpu.vector_load %arg12[%swap3A_354] {strides = array<i32>} : memref<80xi32, #tpu.memory_space<vmem>>, vector<16xi32>,
          %swap3A_356 = vector.shape_cast %swap3A_355 : vector<16xi32> to vector<16xi32>
          %swap3A_357 = vector.shape_cast %add3A_353 : vector<16xi32> to vector<16xi32>
          tpu.vector_store %arg12[%swap3A_354], %swap3A_357 {strides = array<i32>} : memref<80xi32, #tpu.memory_space<vmem>>, vector<16xi32>,
          %get3A_358 = arith.constant 64 : index
          %get3A_359 = tpu.vector_load %arg10[%get3A_358] {strides = array<i32>} : memref<80xi32, #tpu.memory_space<vmem>>, vector<16xi32>,
          %get3A_360 = vector.shape_cast %get3A_359 : vector<16xi32> to vector<16xi32>
          %swap3A_361 = arith.constant 64 : index
          %swap3A_362 = tpu.vector_load %arg14[%swap3A_361] {strides = array<i32>} : memref<80xi32, #tpu.memory_space<vmem>>, vector<16xi32>,
          %swap3A_363 = vector.shape_cast %swap3A_362 : vector<16xi32> to vector<16xi32>
          %swap3A_364 = vector.shape_cast %get3A_360 : vector<16xi32> to vector<16xi32>
          tpu.vector_store %arg14[%swap3A_361], %swap3A_364 {strides = array<i32>} : memref<80xi32, #tpu.memory_space<vmem>>, vector<16xi32>,
          %get3A_365 = arith.constant 64 : index
          %get3A_366 = tpu.vector_load %arg8[%get3A_365] {strides = array<i32>} : memref<80xi32, #tpu.memory_space<vmem>>, vector<16xi32>,
          %get3A_367 = vector.shape_cast %get3A_366 : vector<16xi32> to vector<16xi32>
          %add3A_368 = vector.broadcast %mul3A_2 : i32 to vector<16xi32>
          %add3A_369 = arith.addi %get3A_367, %add3A_368 : vector<16xi32>
          %swap3A_370 = arith.constant 64 : index
          %swap3A_371 = tpu.vector_load %arg12[%swap3A_370] {strides = array<i32>} : memref<80xi32, #tpu.memory_space<vmem>>, vector<16xi32>,
          %swap3A_372 = vector.shape_cast %swap3A_371 : vector<16xi32> to vector<16xi32>
          %swap3A_373 = vector.shape_cast %add3A_369 : vector<16xi32> to vector<16xi32>
          tpu.vector_store %arg12[%swap3A_370], %swap3A_373 {strides = array<i32>} : memref<80xi32, #tpu.memory_space<vmem>>, vector<16xi32>,
          %dma_start3A_374 = arith.constant 0 : i32
          %dma_start3A_375 = arith.constant 0 : i32
          %dma_start3A_376 = tpu.memref_slice %arg5[%dma_start3A_374, %dma_start3A_375] : memref<20000x128xf32, #tpu.memory_space<hbm>> -> memref<20000x128xf32, #tpu.memory_space<hbm>>
          tpu.enqueue_indirect_dma source(%dma_start3A_376 : memref<20000x128xf32, #tpu.memory_space<hbm>>) target(%arg18 : memref<80x128xf32, #tpu.memory_space<vmem>>) offsets(%arg12 : memref<80xi32, #tpu.memory_space<vmem>>) semaphore(%arg23 : memref<!tpu.dma_semaphore, #tpu.memory_space<semaphore_mem>>)
          %add3A_377 = arith.constant 1 : i32
          %add3A_378 = arith.addi %add3A_233, %add3A_377 : i32
          %mul3A_379 = arith.constant 10000 : i32
          %mul3A_380 = arith.muli %arg1, %mul3A_379 : i32
          %mul3A_381 = arith.constant 80 : i32
          %mul3A_382 = arith.muli %add3A_378, %mul3A_381 : i32
          %add3A_383 = arith.addi %mul3A_380, %mul3A_382 : i32
          %dma_start3A_384 = arith.constant 0 : i32
          %dma_start3A_385 = tpu.memref_slice %arg4[%arg0, %add3A_383, %dma_start3A_384] : memref<2x160000x128xf32, #tpu.memory_space<hbm>> -> memref<1x80x128xf32, #tpu.memory_space<hbm>>
          %dma_start3A_386 = tpu.memref_squeeze %dma_start3A_385 : memref<1x80x128xf32, #tpu.memory_space<hbm>> -> memref<80x128xf32, #tpu.memory_space<hbm>>
          %dma_start3A_387 = arith.constant 0 : i32
          %dma_start3A_388 = tpu.memref_slice %arg4[%arg0, %add3A_383, %dma_start3A_387] : memref<2x160000x128xf32, #tpu.memory_space<hbm>> -> memref<1x80x128xf32, #tpu.memory_space<hbm>>
          %dma_start3A_389 = tpu.memref_squeeze %dma_start3A_388 : memref<1x80x128xf32, #tpu.memory_space<hbm>> -> memref<80x128xf32, #tpu.memory_space<hbm>>
          tpu.enqueue_dma source(%dma_start3A_389 : memref<80x128xf32, #tpu.memory_space<hbm>>) target(%arg16 : memref<80x128xf32, #tpu.memory_space<vmem>>) target_semaphore(%arg25 : memref<!tpu.dma_semaphore, #tpu.memory_space<semaphore_mem>>)
        } else {
        }
        %add3A_250 = arith.constant 2 : i32
        %add3A_251 = arith.addi %add3A_233, %add3A_250 : i32
        %lt3A_252 = arith.constant 125 : i32
        %lt3A_253 = arith.cmpi slt, %add3A_251, %lt3A_252 : i32
        %convert_element_type3A_254 = arith.extui %lt3A_253 : i1 to i32
        %cond3A_255 = arith.constant 0 : i32
        %cond3A_256 = arith.cmpi ne, %convert_element_type3A_254, %cond3A_255 : i32
        scf.if %cond3A_256 {
          %add3A_280 = arith.constant 2 : i32
          %add3A_281 = arith.addi %add3A_233, %add3A_280 : i32
          %dma_start3A_282 = arith.constant 0 : i32
          %dma_start3A_283 = tpu.memref_slice %arg3[%arg1, %add3A_281, %dma_start3A_282] : memref<16x125x80xi32, #tpu.memory_space<hbm>> -> memref<1x1x80xi32, #tpu.memory_space<hbm>>
          %dma_start3A_284 = tpu.memref_squeeze %dma_start3A_283 : memref<1x1x80xi32, #tpu.memory_space<hbm>> -> memref<80xi32, #tpu.memory_space<hbm>>
          %dma_start3A_285 = arith.constant 0 : i32
          %dma_start3A_286 = tpu.memref_slice %arg3[%arg1, %add3A_281, %dma_start3A_285] : memref<16x125x80xi32, #tpu.memory_space<hbm>> -> memref<1x1x80xi32, #tpu.memory_space<hbm>>
          %dma_start3A_287 = tpu.memref_squeeze %dma_start3A_286 : memref<1x1x80xi32, #tpu.memory_space<hbm>> -> memref<80xi32, #tpu.memory_space<hbm>>
          tpu.enqueue_dma source(%dma_start3A_287 : memref<80xi32, #tpu.memory_space<hbm>>) target(%arg11 : memref<80xi32, #tpu.memory_space<vmem>>) target_semaphore(%arg22 : memref<!tpu.dma_semaphore, #tpu.memory_space<semaphore_mem>>)
          %dma_start3A_288 = arith.constant 0 : i32
          %dma_start3A_289 = tpu.memref_slice %arg2[%arg1, %add3A_281, %dma_start3A_288] : memref<16x125x80xi32, #tpu.memory_space<hbm>> -> memref<1x1x80xi32, #tpu.memory_space<hbm>>
          %dma_start3A_290 = tpu.memref_squeeze %dma_start3A_289 : memref<1x1x80xi32, #tpu.memory_space<hbm>> -> memref<80xi32, #tpu.memory_space<hbm>>
          %dma_start3A_291 = arith.constant 0 : i32
          %dma_start3A_292 = tpu.memref_slice %arg2[%arg1, %add3A_281, %dma_start3A_291] : memref<16x125x80xi32, #tpu.memory_space<hbm>> -> memref<1x1x80xi32, #tpu.memory_space<hbm>>
          %dma_start3A_293 = tpu.memref_squeeze %dma_start3A_292 : memref<1x1x80xi32, #tpu.memory_space<hbm>> -> memref<80xi32, #tpu.memory_space<hbm>>
          tpu.enqueue_dma source(%dma_start3A_293 : memref<80xi32, #tpu.memory_space<hbm>>) target(%arg9 : memref<80xi32, #tpu.memory_space<vmem>>) target_semaphore(%arg22 : memref<!tpu.dma_semaphore, #tpu.memory_space<semaphore_mem>>)
        } else {
        }
        %mul3A_257 = arith.constant 10000 : i32
        %mul3A_258 = arith.muli %arg1, %mul3A_257 : i32
        %mul3A_259 = arith.constant 80 : i32
        %mul3A_260 = arith.muli %add3A_233, %mul3A_259 : i32
        %add3A_261 = arith.addi %mul3A_258, %mul3A_260 : i32
        %dma_wait3A_262 = arith.constant 0 : i32
        %dma_wait3A_263 = tpu.memref_slice %arg4[%arg0, %add3A_261, %dma_wait3A_262] : memref<2x160000x128xf32, #tpu.memory_space<hbm>> -> memref<1x80x128xf32, #tpu.memory_space<hbm>>
        %dma_wait3A_264 = tpu.memref_squeeze %dma_wait3A_263 : memref<1x80x128xf32, #tpu.memory_space<hbm>> -> memref<80x128xf32, #tpu.memory_space<hbm>>
        %dma_wait3A_265 = arith.constant 0 : i32
        %dma_wait3A_266 = tpu.memref_slice %arg4[%arg0, %add3A_261, %dma_wait3A_265] : memref<2x160000x128xf32, #tpu.memory_space<hbm>> -> memref<1x80x128xf32, #tpu.memory_space<hbm>>
        %dma_wait3A_267 = tpu.memref_squeeze %dma_wait3A_266 : memref<1x80x128xf32, #tpu.memory_space<hbm>> -> memref<80x128xf32, #tpu.memory_space<hbm>>
        tpu.wait_dma2 semaphore(%arg26 : memref<!tpu.dma_semaphore, #tpu.memory_space<semaphore_mem>>) src(%dma_wait3A_267 : memref<80x128xf32, #tpu.memory_space<hbm>>) dst(%arg17 : memref<80x128xf32, #tpu.memory_space<vmem>>)
        %dma_wait3A_268 = arith.constant 0 : i32
        %dma_wait3A_269 = arith.constant 0 : i32
        %dma_wait3A_270 = tpu.memref_slice %arg5[%dma_wait3A_268, %dma_wait3A_269] : memref<20000x128xf32, #tpu.memory_space<hbm>> -> memref<20000x128xf32, #tpu.memory_space<hbm>>
        tpu.wait_indirect_dma semaphore(%arg24 : memref<!tpu.dma_semaphore, #tpu.memory_space<semaphore_mem>>) src(%dma_wait3A_270 : memref<20000x128xf32, #tpu.memory_space<hbm>>) dst(%arg19 : memref<80x128xf32, #tpu.memory_space<vmem>>)
        %scan3A_271 = arith.constant 0 : i32
        %scan3A_272 = arith.constant 0 : i32
        %scan3A_273 = arith.constant 80 : i32
        %scan3A_274 = arith.addi %scan3A_272, %scan3A_273 : i32
        %scan3A_275 = arith.constant 1 : i32
        scf.for %scan3A_280 = %scan3A_272 to %scan3A_274 step %scan3A_275  : i32 {
          %get3A_281 = arith.index_cast %scan3A_280 : i32 to index
          %get3A_282 = arith.constant 0 : index
          %get3A_283 = tpu.vector_load %arg19[%get3A_281, %get3A_282] {strides = array<i32>} : memref<80x128xf32, #tpu.memory_space<vmem>>, vector<1x16xf32>,
          %get3A_284 = vector.shape_cast %get3A_283 : vector<1x16xf32> to vector<16xf32>
          %get3A_285 = arith.index_cast %scan3A_280 : i32 to index
          %get3A_286 = arith.constant 0 : index
          %get3A_287 = tpu.vector_load %arg17[%get3A_285, %get3A_286] {strides = array<i32>} : memref<80x128xf32, #tpu.memory_space<vmem>>, vector<1x16xf32>,
          %get3A_288 = vector.shape_cast %get3A_287 : vector<1x16xf32> to vector<16xf32>
          %mul3A_289 = arith.mulf %get3A_284, %get3A_288 : vector<16xf32>
          %swap3A_290 = arith.index_cast %scan3A_280 : i32 to index
          %swap3A_291 = arith.constant 0 : index
          %swap3A_292 = tpu.vector_load %arg19[%swap3A_290, %swap3A_291] {strides = array<i32>} : memref<80x128xf32, #tpu.memory_space<vmem>>, vector<1x16xf32>,
          %swap3A_293 = vector.shape_cast %swap3A_292 : vector<1x16xf32> to vector<16xf32>
          %swap3A_294 = vector.shape_cast %mul3A_289 : vector<16xf32> to vector<1x16xf32>
          tpu.vector_store %arg19[%swap3A_290, %swap3A_291], %swap3A_294 {strides = array<i32>} : memref<80x128xf32, #tpu.memory_space<vmem>>, vector<1x16xf32>,
          %get3A_295 = arith.index_cast %scan3A_280 : i32 to index
          %get3A_296 = arith.constant 16 : index
          %get3A_297 = tpu.vector_load %arg19[%get3A_295, %get3A_296] {strides = array<i32>} : memref<80x128xf32, #tpu.memory_space<vmem>>, vector<1x16xf32>,
          %get3A_298 = vector.shape_cast %get3A_297 : vector<1x16xf32> to vector<16xf32>
          %get3A_299 = arith.index_cast %scan3A_280 : i32 to index
          %get3A_300 = arith.constant 16 : index
          %get3A_301 = tpu.vector_load %arg17[%get3A_299, %get3A_300] {strides = array<i32>} : memref<80x128xf32, #tpu.memory_space<vmem>>, vector<1x16xf32>,
          %get3A_302 = vector.shape_cast %get3A_301 : vector<1x16xf32> to vector<16xf32>
          %mul3A_303 = arith.mulf %get3A_298, %get3A_302 : vector<16xf32>
          %swap3A_304 = arith.index_cast %scan3A_280 : i32 to index
          %swap3A_305 = arith.constant 16 : index
          %swap3A_306 = tpu.vector_load %arg19[%swap3A_304, %swap3A_305] {strides = array<i32>} : memref<80x128xf32, #tpu.memory_space<vmem>>, vector<1x16xf32>,
          %swap3A_307 = vector.shape_cast %swap3A_306 : vector<1x16xf32> to vector<16xf32>
          %swap3A_308 = vector.shape_cast %mul3A_303 : vector<16xf32> to vector<1x16xf32>
          tpu.vector_store %arg19[%swap3A_304, %swap3A_305], %swap3A_308 {strides = array<i32>} : memref<80x128xf32, #tpu.memory_space<vmem>>, vector<1x16xf32>,
          %get3A_309 = arith.index_cast %scan3A_280 : i32 to index
          %get3A_310 = arith.constant 32 : index
          %get3A_311 = tpu.vector_load %arg19[%get3A_309, %get3A_310] {strides = array<i32>} : memref<80x128xf32, #tpu.memory_space<vmem>>, vector<1x16xf32>,
          %get3A_312 = vector.shape_cast %get3A_311 : vector<1x16xf32> to vector<16xf32>
          %get3A_313 = arith.index_cast %scan3A_280 : i32 to index
          %get3A_314 = arith.constant 32 : index
          %get3A_315 = tpu.vector_load %arg17[%get3A_313, %get3A_314] {strides = array<i32>} : memref<80x128xf32, #tpu.memory_space<vmem>>, vector<1x16xf32>,
          %get3A_316 = vector.shape_cast %get3A_315 : vector<1x16xf32> to vector<16xf32>
          %mul3A_317 = arith.mulf %get3A_312, %get3A_316 : vector<16xf32>
          %swap3A_318 = arith.index_cast %scan3A_280 : i32 to index
          %swap3A_319 = arith.constant 32 : index
          %swap3A_320 = tpu.vector_load %arg19[%swap3A_318, %swap3A_319] {strides = array<i32>} : memref<80x128xf32, #tpu.memory_space<vmem>>, vector<1x16xf32>,
          %swap3A_321 = vector.shape_cast %swap3A_320 : vector<1x16xf32> to vector<16xf32>
          %swap3A_322 = vector.shape_cast %mul3A_317 : vector<16xf32> to vector<1x16xf32>
          tpu.vector_store %arg19[%swap3A_318, %swap3A_319], %swap3A_322 {strides = array<i32>} : memref<80x128xf32, #tpu.memory_space<vmem>>, vector<1x16xf32>,
          %get3A_323 = arith.index_cast %scan3A_280 : i32 to index
          %get3A_324 = arith.constant 48 : index
          %get3A_325 = tpu.vector_load %arg19[%get3A_323, %get3A_324] {strides = array<i32>} : memref<80x128xf32, #tpu.memory_space<vmem>>, vector<1x16xf32>,
          %get3A_326 = vector.shape_cast %get3A_325 : vector<1x16xf32> to vector<16xf32>
          %get3A_327 = arith.index_cast %scan3A_280 : i32 to index
          %get3A_328 = arith.constant 48 : index
          %get3A_329 = tpu.vector_load %arg17[%get3A_327, %get3A_328] {strides = array<i32>} : memref<80x128xf32, #tpu.memory_space<vmem>>, vector<1x16xf32>,
          %get3A_330 = vector.shape_cast %get3A_329 : vector<1x16xf32> to vector<16xf32>
          %mul3A_331 = arith.mulf %get3A_326, %get3A_330 : vector<16xf32>
          %swap3A_332 = arith.index_cast %scan3A_280 : i32 to index
          %swap3A_333 = arith.constant 48 : index
          %swap3A_334 = tpu.vector_load %arg19[%swap3A_332, %swap3A_333] {strides = array<i32>} : memref<80x128xf32, #tpu.memory_space<vmem>>, vector<1x16xf32>,
          %swap3A_335 = vector.shape_cast %swap3A_334 : vector<1x16xf32> to vector<16xf32>
          %swap3A_336 = vector.shape_cast %mul3A_331 : vector<16xf32> to vector<1x16xf32>
          tpu.vector_store %arg19[%swap3A_332, %swap3A_333], %swap3A_336 {strides = array<i32>} : memref<80x128xf32, #tpu.memory_space<vmem>>, vector<1x16xf32>,
          %get3A_337 = arith.index_cast %scan3A_280 : i32 to index
          %get3A_338 = arith.constant 64 : index
          %get3A_339 = tpu.vector_load %arg19[%get3A_337, %get3A_338] {strides = array<i32>} : memref<80x128xf32, #tpu.memory_space<vmem>>, vector<1x16xf32>,
          %get3A_340 = vector.shape_cast %get3A_339 : vector<1x16xf32> to vector<16xf32>
          %get3A_341 = arith.index_cast %scan3A_280 : i32 to index
          %get3A_342 = arith.constant 64 : index
          %get3A_343 = tpu.vector_load %arg17[%get3A_341, %get3A_342] {strides = array<i32>} : memref<80x128xf32, #tpu.memory_space<vmem>>, vector<1x16xf32>,
          %get3A_344 = vector.shape_cast %get3A_343 : vector<1x16xf32> to vector<16xf32>
          %mul3A_345 = arith.mulf %get3A_340, %get3A_344 : vector<16xf32>
          %swap3A_346 = arith.index_cast %scan3A_280 : i32 to index
          %swap3A_347 = arith.constant 64 : index
          %swap3A_348 = tpu.vector_load %arg19[%swap3A_346, %swap3A_347] {strides = array<i32>} : memref<80x128xf32, #tpu.memory_space<vmem>>, vector<1x16xf32>,
          %swap3A_349 = vector.shape_cast %swap3A_348 : vector<1x16xf32> to vector<16xf32>
          %swap3A_350 = vector.shape_cast %mul3A_345 : vector<16xf32> to vector<1x16xf32>
          tpu.vector_store %arg19[%swap3A_346, %swap3A_347], %swap3A_350 {strides = array<i32>} : memref<80x128xf32, #tpu.memory_space<vmem>>, vector<1x16xf32>,
          %get3A_351 = arith.index_cast %scan3A_280 : i32 to index
          %get3A_352 = arith.constant 80 : index
          %get3A_353 = tpu.vector_load %arg19[%get3A_351, %get3A_352] {strides = array<i32>} : memref<80x128xf32, #tpu.memory_space<vmem>>, vector<1x16xf32>,
          %get3A_354 = vector.shape_cast %get3A_353 : vector<1x16xf32> to vector<16xf32>
          %get3A_355 = arith.index_cast %scan3A_280 : i32 to index
          %get3A_356 = arith.constant 80 : index
          %get3A_357 = tpu.vector_load %arg17[%get3A_355, %get3A_356] {strides = array<i32>} : memref<80x128xf32, #tpu.memory_space<vmem>>, vector<1x16xf32>,
          %get3A_358 = vector.shape_cast %get3A_357 : vector<1x16xf32> to vector<16xf32>
          %mul3A_359 = arith.mulf %get3A_354, %get3A_358 : vector<16xf32>
          %swap3A_360 = arith.index_cast %scan3A_280 : i32 to index
          %swap3A_361 = arith.constant 80 : index
          %swap3A_362 = tpu.vector_load %arg19[%swap3A_360, %swap3A_361] {strides = array<i32>} : memref<80x128xf32, #tpu.memory_space<vmem>>, vector<1x16xf32>,
          %swap3A_363 = vector.shape_cast %swap3A_362 : vector<1x16xf32> to vector<16xf32>
          %swap3A_364 = vector.shape_cast %mul3A_359 : vector<16xf32> to vector<1x16xf32>
          tpu.vector_store %arg19[%swap3A_360, %swap3A_361], %swap3A_364 {strides = array<i32>} : memref<80x128xf32, #tpu.memory_space<vmem>>, vector<1x16xf32>,
          %get3A_365 = arith.index_cast %scan3A_280 : i32 to index
          %get3A_366 = arith.constant 96 : index
          %get3A_367 = tpu.vector_load %arg19[%get3A_365, %get3A_366] {strides = array<i32>} : memref<80x128xf32, #tpu.memory_space<vmem>>, vector<1x16xf32>,
          %get3A_368 = vector.shape_cast %get3A_367 : vector<1x16xf32> to vector<16xf32>
          %get3A_369 = arith.index_cast %scan3A_280 : i32 to index
          %get3A_370 = arith.constant 96 : index
          %get3A_371 = tpu.vector_load %arg17[%get3A_369, %get3A_370] {strides = array<i32>} : memref<80x128xf32, #tpu.memory_space<vmem>>, vector<1x16xf32>,
          %get3A_372 = vector.shape_cast %get3A_371 : vector<1x16xf32> to vector<16xf32>
          %mul3A_373 = arith.mulf %get3A_368, %get3A_372 : vector<16xf32>
          %swap3A_374 = arith.index_cast %scan3A_280 : i32 to index
          %swap3A_375 = arith.constant 96 : index
          %swap3A_376 = tpu.vector_load %arg19[%swap3A_374, %swap3A_375] {strides = array<i32>} : memref<80x128xf32, #tpu.memory_space<vmem>>, vector<1x16xf32>,
          %swap3A_377 = vector.shape_cast %swap3A_376 : vector<1x16xf32> to vector<16xf32>
          %swap3A_378 = vector.shape_cast %mul3A_373 : vector<16xf32> to vector<1x16xf32>
          tpu.vector_store %arg19[%swap3A_374, %swap3A_375], %swap3A_378 {strides = array<i32>} : memref<80x128xf32, #tpu.memory_space<vmem>>, vector<1x16xf32>,
          %get3A_379 = arith.index_cast %scan3A_280 : i32 to index
          %get3A_380 = arith.constant 112 : index
          %get3A_381 = tpu.vector_load %arg19[%get3A_379, %get3A_380] {strides = array<i32>} : memref<80x128xf32, #tpu.memory_space<vmem>>, vector<1x16xf32>,
          %get3A_382 = vector.shape_cast %get3A_381 : vector<1x16xf32> to vector<16xf32>
          %get3A_383 = arith.index_cast %scan3A_280 : i32 to index
          %get3A_384 = arith.constant 112 : index
          %get3A_385 = tpu.vector_load %arg17[%get3A_383, %get3A_384] {strides = array<i32>} : memref<80x128xf32, #tpu.memory_space<vmem>>, vector<1x16xf32>,
          %get3A_386 = vector.shape_cast %get3A_385 : vector<1x16xf32> to vector<16xf32>
          %mul3A_387 = arith.mulf %get3A_382, %get3A_386 : vector<16xf32>
          %swap3A_388 = arith.index_cast %scan3A_280 : i32 to index
          %swap3A_389 = arith.constant 112 : index
          %swap3A_390 = tpu.vector_load %arg19[%swap3A_388, %swap3A_389] {strides = array<i32>} : memref<80x128xf32, #tpu.memory_space<vmem>>, vector<1x16xf32>,
          %swap3A_391 = vector.shape_cast %swap3A_390 : vector<1x16xf32> to vector<16xf32>
          %swap3A_392 = vector.shape_cast %mul3A_387 : vector<16xf32> to vector<1x16xf32>
          tpu.vector_store %arg19[%swap3A_388, %swap3A_389], %swap3A_392 {strides = array<i32>} : memref<80x128xf32, #tpu.memory_space<vmem>>, vector<1x16xf32>,
        }
        %scan3A_276 = arith.constant 80 : i32
        %dma_start3A_277 = arith.constant 0 : i32
        %dma_start3A_278 = arith.constant 0 : i32
        %dma_start3A_279 = tpu.memref_slice %arg20[%dma_start3A_277, %dma_start3A_278] : memref<10112x128xf32, #tpu.memory_space<vmem_shared>> -> memref<10112x128xf32, #tpu.memory_space<vmem_shared>>
        tpu.enqueue_indirect_dma source(%arg19 : memref<80x128xf32, #tpu.memory_space<vmem>>) target(%dma_start3A_279 : memref<10112x128xf32, #tpu.memory_space<vmem_shared>>) offsets(%arg15 : memref<80xi32, #tpu.memory_space<vmem>>) semaphore(%arg28 : memref<!tpu.dma_semaphore, #tpu.memory_space<semaphore_mem>>) {add = true}
      } else {
      }
    }
    %scan3A_137 = arith.constant 63 : i32
    %dma_wait3A_138 = arith.constant 0 : i32
    %dma_wait3A_139 = arith.constant 0 : i32
    %dma_wait3A_140 = tpu.memref_slice %arg20[%dma_wait3A_138, %dma_wait3A_139] : memref<10112x128xf32, #tpu.memory_space<vmem_shared>> -> memref<10112x128xf32, #tpu.memory_space<vmem_shared>>
    tpu.wait_indirect_dma semaphore(%arg27 : memref<!tpu.dma_semaphore, #tpu.memory_space<semaphore_mem>>) src(%arg18 : memref<80x128xf32, #tpu.memory_space<vmem>>) dst(%dma_wait3A_140 : memref<10112x128xf32, #tpu.memory_space<vmem_shared>>)
    %barrier3A_141 = arith.constant 0 : index
    tpu.barrier barrier_id(%barrier3A_141)
    %add3A_142 = arith.constant 0 : i32
    %add3A_143 = arith.addi %arg0, %add3A_142 : i32
    "tpu.region"() ({
      %run_scoped3A = tpu.sem_alloc : memref<!tpu.dma_semaphore, #tpu.memory_space<semaphore_mem>>
      %dma_start3A_223 = arith.constant 0 : i32
      %dma_start3A_224 = tpu.memref_slice %arg7[%add3A_143, %mul3A_0, %dma_start3A_223] : memref<4x10112x128xf32, #tpu.memory_space<hbm>> -> memref<1x632x128xf32, #tpu.memory_space<hbm>>
      %dma_start3A_225 = tpu.memref_squeeze %dma_start3A_224 : memref<1x632x128xf32, #tpu.memory_space<hbm>> -> memref<632x128xf32, #tpu.memory_space<hbm>>
      %dma_start3A_226 = arith.constant 0 : i32
      %dma_start3A_227 = tpu.memref_slice %arg20[%mul3A_0, %dma_start3A_226] : memref<10112x128xf32, #tpu.memory_space<vmem_shared>> -> memref<632x128xf32, #tpu.memory_space<vmem_shared>>
      tpu.enqueue_dma source(%dma_start3A_227 : memref<632x128xf32, #tpu.memory_space<vmem_shared>>) target(%dma_start3A_225 : memref<632x128xf32, #tpu.memory_space<hbm>>) target_semaphore(%run_scoped3A : memref<!tpu.dma_semaphore, #tpu.memory_space<semaphore_mem>>)
      %dma_wait3A_228 = arith.constant 0 : i32
      %dma_wait3A_229 = tpu.memref_slice %arg7[%add3A_143, %mul3A_0, %dma_wait3A_228] : memref<4x10112x128xf32, #tpu.memory_space<hbm>> -> memref<1x632x128xf32, #tpu.memory_space<hbm>>
      %dma_wait3A_230 = tpu.memref_squeeze %dma_wait3A_229 : memref<1x632x128xf32, #tpu.memory_space<hbm>> -> memref<632x128xf32, #tpu.memory_space<hbm>>
      %dma_wait3A_231 = arith.constant 0 : i32
      %dma_wait3A_232 = tpu.memref_slice %arg20[%mul3A_0, %dma_wait3A_231] : memref<10112x128xf32, #tpu.memory_space<vmem_shared>> -> memref<632x128xf32, #tpu.memory_space<vmem_shared>>
      tpu.wait_dma2 semaphore(%run_scoped3A : memref<!tpu.dma_semaphore, #tpu.memory_space<semaphore_mem>>) src(%dma_wait3A_232 : memref<632x128xf32, #tpu.memory_space<vmem_shared>>) dst(%dma_wait3A_230 : memref<632x128xf32, #tpu.memory_space<hbm>>)
      tpu.yield
    }) : () -> ()
    "tpu.region"() ({
      %run_scoped3A = tpu.sem_alloc : memref<!tpu.dma_semaphore, #tpu.memory_space<semaphore_mem>>
      %dma_start3A_223 = arith.constant 0 : i32
      %dma_start3A_224 = tpu.memref_slice %arg20[%mul3A_0, %dma_start3A_223] : memref<10112x128xf32, #tpu.memory_space<vmem_shared>> -> memref<632x128xf32, #tpu.memory_space<vmem_shared>>
      tpu.enqueue_dma source(%arg6 : memref<632x128xf32, #tpu.memory_space<hbm>>) target(%dma_start3A_224 : memref<632x128xf32, #tpu.memory_space<vmem_shared>>) target_semaphore(%run_scoped3A : memref<!tpu.dma_semaphore, #tpu.memory_space<semaphore_mem>>)
      %dma_wait3A_225 = arith.constant 0 : i32
      %dma_wait3A_226 = tpu.memref_slice %arg20[%mul3A_0, %dma_wait3A_225] : memref<10112x128xf32, #tpu.memory_space<vmem_shared>> -> memref<632x128xf32, #tpu.memory_space<vmem_shared>>
      tpu.wait_dma2 semaphore(%run_scoped3A : memref<!tpu.dma_semaphore, #tpu.memory_space<semaphore_mem>>) src(%arg6 : memref<632x128xf32, #tpu.memory_space<hbm>>) dst(%dma_wait3A_226 : memref<632x128xf32, #tpu.memory_space<vmem_shared>>)
      tpu.yield
    }) : () -> ()
    %barrier3A_144 = arith.constant 0 : index
    tpu.barrier barrier_id(%barrier3A_144)
    %dma_start3A_145 = arith.constant 0 : i32
    %dma_start3A_146 = arith.constant 0 : i32
    %dma_start3A_147 = tpu.memref_slice %arg3[%arg1, %dma_start3A_145, %dma_start3A_146] : memref<16x125x80xi32, #tpu.memory_space<hbm>> -> memref<1x1x80xi32, #tpu.memory_space<hbm>>
    %dma_start3A_148 = tpu.memref_squeeze %dma_start3A_147 : memref<1x1x80xi32, #tpu.memory_space<hbm>> -> memref<80xi32, #tpu.memory_space<hbm>>
    %dma_start3A_149 = arith.constant 0 : i32
    %dma_start3A_150 = tpu.memref_slice %arg3[%arg1, %dma_start3A_145, %dma_start3A_149] : memref<16x125x80xi32, #tpu.memory_space<hbm>> -> memref<1x1x80xi32, #tpu.memory_space<hbm>>
    %dma_start3A_151 = tpu.memref_squeeze %dma_start3A_150 : memref<1x1x80xi32, #tpu.memory_space<hbm>> -> memref<80xi32, #tpu.memory_space<hbm>>
    tpu.enqueue_dma source(%dma_start3A_151 : memref<80xi32, #tpu.memory_space<hbm>>) target(%arg10 : memref<80xi32, #tpu.memory_space<vmem>>) target_semaphore(%arg21 : memref<!tpu.dma_semaphore, #tpu.memory_space<semaphore_mem>>)
    %dma_start3A_152 = arith.constant 1 : i32
    %dma_start3A_153 = arith.constant 0 : i32
    %dma_start3A_154 = tpu.memref_slice %arg3[%arg1, %dma_start3A_152, %dma_start3A_153] : memref<16x125x80xi32, #tpu.memory_space<hbm>> -> memref<1x1x80xi32, #tpu.memory_space<hbm>>
    %dma_start3A_155 = tpu.memref_squeeze %dma_start3A_154 : memref<1x1x80xi32, #tpu.memory_space<hbm>> -> memref<80xi32, #tpu.memory_space<hbm>>
    %dma_start3A_156 = arith.constant 0 : i32
    %dma_start3A_157 = tpu.memref_slice %arg3[%arg1, %dma_start3A_152, %dma_start3A_156] : memref<16x125x80xi32, #tpu.memory_space<hbm>> -> memref<1x1x80xi32, #tpu.memory_space<hbm>>
    %dma_start3A_158 = tpu.memref_squeeze %dma_start3A_157 : memref<1x1x80xi32, #tpu.memory_space<hbm>> -> memref<80xi32, #tpu.memory_space<hbm>>
    tpu.enqueue_dma source(%dma_start3A_158 : memref<80xi32, #tpu.memory_space<hbm>>) target(%arg11 : memref<80xi32, #tpu.memory_space<vmem>>) target_semaphore(%arg22 : memref<!tpu.dma_semaphore, #tpu.memory_space<semaphore_mem>>)
    %dma_wait3A_159 = arith.constant 0 : i32
    %dma_wait3A_160 = arith.constant 0 : i32
    %dma_wait3A_161 = tpu.memref_slice %arg3[%arg1, %dma_wait3A_159, %dma_wait3A_160] : memref<16x125x80xi32, #tpu.memory_space<hbm>> -> memref<1x1x80xi32, #tpu.memory_space<hbm>>
    %dma_wait3A_162 = tpu.memref_squeeze %dma_wait3A_161 : memref<1x1x80xi32, #tpu.memory_space<hbm>> -> memref<80xi32, #tpu.memory_space<hbm>>
    %dma_wait3A_163 = arith.constant 0 : i32
    %dma_wait3A_164 = tpu.memref_slice %arg3[%arg1, %dma_wait3A_159, %dma_wait3A_163] : memref<16x125x80xi32, #tpu.memory_space<hbm>> -> memref<1x1x80xi32, #tpu.memory_space<hbm>>
    %dma_wait3A_165 = tpu.memref_squeeze %dma_wait3A_164 : memref<1x1x80xi32, #tpu.memory_space<hbm>> -> memref<80xi32, #tpu.memory_space<hbm>>
    tpu.wait_dma2 semaphore(%arg21 : memref<!tpu.dma_semaphore, #tpu.memory_space<semaphore_mem>>) src(%dma_wait3A_165 : memref<80xi32, #tpu.memory_space<hbm>>) dst(%arg10 : memref<80xi32, #tpu.memory_space<vmem>>)
    %get3A_166 = arith.constant 0 : index
    %get3A_167 = tpu.vector_load %arg10[%get3A_166] {strides = array<i32>} : memref<80xi32, #tpu.memory_space<vmem>>, vector<16xi32>,
    %get3A_168 = vector.shape_cast %get3A_167 : vector<16xi32> to vector<16xi32>
    %swap3A_169 = arith.constant 0 : index
    %swap3A_170 = tpu.vector_load %arg14[%swap3A_169] {strides = array<i32>} : memref<80xi32, #tpu.memory_space<vmem>>, vector<16xi32>,
    %swap3A_171 = vector.shape_cast %swap3A_170 : vector<16xi32> to vector<16xi32>
    %swap3A_172 = vector.shape_cast %get3A_168 : vector<16xi32> to vector<16xi32>
    tpu.vector_store %arg14[%swap3A_169], %swap3A_172 {strides = array<i32>} : memref<80xi32, #tpu.memory_space<vmem>>, vector<16xi32>,
    %get3A_173 = arith.constant 16 : index
    %get3A_174 = tpu.vector_load %arg10[%get3A_173] {strides = array<i32>} : memref<80xi32, #tpu.memory_space<vmem>>, vector<16xi32>,
    %get3A_175 = vector.shape_cast %get3A_174 : vector<16xi32> to vector<16xi32>
    %swap3A_176 = arith.constant 16 : index
    %swap3A_177 = tpu.vector_load %arg14[%swap3A_176] {strides = array<i32>} : memref<80xi32, #tpu.memory_space<vmem>>, vector<16xi32>,
    %swap3A_178 = vector.shape_cast %swap3A_177 : vector<16xi32> to vector<16xi32>
    %swap3A_179 = vector.shape_cast %get3A_175 : vector<16xi32> to vector<16xi32>
    tpu.vector_store %arg14[%swap3A_176], %swap3A_179 {strides = array<i32>} : memref<80xi32, #tpu.memory_space<vmem>>, vector<16xi32>,
    %get3A_180 = arith.constant 32 : index
    %get3A_181 = tpu.vector_load %arg10[%get3A_180] {strides = array<i32>} : memref<80xi32, #tpu.memory_space<vmem>>, vector<16xi32>,
    %get3A_182 = vector.shape_cast %get3A_181 : vector<16xi32> to vector<16xi32>
    %swap3A_183 = arith.constant 32 : index
    %swap3A_184 = tpu.vector_load %arg14[%swap3A_183] {strides = array<i32>} : memref<80xi32, #tpu.memory_space<vmem>>, vector<16xi32>,
    %swap3A_185 = vector.shape_cast %swap3A_184 : vector<16xi32> to vector<16xi32>
    %swap3A_186 = vector.shape_cast %get3A_182 : vector<16xi32> to vector<16xi32>
    tpu.vector_store %arg14[%swap3A_183], %swap3A_186 {strides = array<i32>} : memref<80xi32, #tpu.memory_space<vmem>>, vector<16xi32>,
    %get3A_187 = arith.constant 48 : index
    %get3A_188 = tpu.vector_load %arg10[%get3A_187] {strides = array<i32>} : memref<80xi32, #tpu.memory_space<vmem>>, vector<16xi32>,
    %get3A_189 = vector.shape_cast %get3A_188 : vector<16xi32> to vector<16xi32>
    %swap3A_190 = arith.constant 48 : index
    %swap3A_191 = tpu.vector_load %arg14[%swap3A_190] {strides = array<i32>} : memref<80xi32, #tpu.memory_space<vmem>>, vector<16xi32>,
    %swap3A_192 = vector.shape_cast %swap3A_191 : vector<16xi32> to vector<16xi32>
    %swap3A_193 = vector.shape_cast %get3A_189 : vector<16xi32> to vector<16xi32>
    tpu.vector_store %arg14[%swap3A_190], %swap3A_193 {strides = array<i32>} : memref<80xi32, #tpu.memory_space<vmem>>, vector<16xi32>,
    %get3A_194 = arith.constant 64 : index
    %get3A_195 = tpu.vector_load %arg10[%get3A_194] {strides = array<i32>} : memref<80xi32, #tpu.memory_space<vmem>>, vector<16xi32>,
    %get3A_196 = vector.shape_cast %get3A_195 : vector<16xi32> to vector<16xi32>
    %swap3A_197 = arith.constant 64 : index
    %swap3A_198 = tpu.vector_load %arg14[%swap3A_197] {strides = array<i32>} : memref<80xi32, #tpu.memory_space<vmem>>, vector<16xi32>,
    %swap3A_199 = vector.shape_cast %swap3A_198 : vector<16xi32> to vector<16xi32>
    %swap3A_200 = vector.shape_cast %get3A_196 : vector<16xi32> to vector<16xi32>
    tpu.vector_store %arg14[%swap3A_197], %swap3A_200 {strides = array<i32>} : memref<80xi32, #tpu.memory_space<vmem>>, vector<16xi32>,
    %mul3A_201 = arith.constant 10000 : i32
    %mul3A_202 = arith.muli %arg1, %mul3A_201 : i32
    %add3A_203 = arith.constant 0 : i32
    %add3A_204 = arith.addi %mul3A_202, %add3A_203 : i32
    %dma_start3A_205 = arith.constant 0 : i32
    %dma_start3A_206 = tpu.memref_slice %arg4[%arg0, %add3A_204, %dma_start3A_205] : memref<2x160000x128xf32, #tpu.memory_space<hbm>> -> memref<1x80x128xf32, #tpu.memory_space<hbm>>
    %dma_start3A_207 = tpu.memref_squeeze %dma_start3A_206 : memref<1x80x128xf32, #tpu.memory_space<hbm>> -> memref<80x128xf32, #tpu.memory_space<hbm>>
    %dma_start3A_208 = arith.constant 0 : i32
    %dma_start3A_209 = tpu.memref_slice %arg4[%arg0, %add3A_204, %dma_start3A_208] : memref<2x160000x128xf32, #tpu.memory_space<hbm>> -> memref<1x80x128xf32, #tpu.memory_space<hbm>>
    %dma_start3A_210 = tpu.memref_squeeze %dma_start3A_209 : memref<1x80x128xf32, #tpu.memory_space<hbm>> -> memref<80x128xf32, #tpu.memory_space<hbm>>
    tpu.enqueue_dma source(%dma_start3A_210 : memref<80x128xf32, #tpu.memory_space<hbm>>) target(%arg16 : memref<80x128xf32, #tpu.memory_space<vmem>>) target_semaphore(%arg25 : memref<!tpu.dma_semaphore, #tpu.memory_space<semaphore_mem>>)
    %scan3A_211 = arith.constant 0 : i32
    %scan3A_212 = arith.constant 0 : i32
    %scan3A_213 = arith.constant 63 : i32
    %scan3A_214 = arith.addi %scan3A_212, %scan3A_213 : i32
    %scan3A_215 = arith.constant 1 : i32
    scf.for %scan3A_223 = %scan3A_212 to %scan3A_214 step %scan3A_215  : i32 {
      %mul3A_224 = arith.constant 2 : i32
      %mul3A_225 = arith.muli %scan3A_223, %mul3A_224 : i32
      %add3A_226 = arith.constant 0 : i32
      %add3A_227 = arith.addi %mul3A_225, %add3A_226 : i32
      %lt3A = arith.constant 125 : i32
      %lt3A_228 = arith.cmpi slt, %add3A_227, %lt3A : i32
      %convert_element_type3A = arith.extui %lt3A_228 : i1 to i32
      %cond3A = arith.constant 0 : i32
      %cond3A_229 = arith.cmpi ne, %convert_element_type3A, %cond3A : i32
      scf.if %cond3A_229 {
        %ge3A = arith.constant 1 : i32
        %ge3A_239 = arith.cmpi sge, %add3A_227, %ge3A : i32
        %convert_element_type3A_240 = arith.extui %ge3A_239 : i1 to i32
        %cond3A_241 = arith.constant 0 : i32
        %cond3A_242 = arith.cmpi ne, %convert_element_type3A_240, %cond3A_241 : i32
        scf.if %cond3A_242 {
          %dma_wait3A_271 = arith.constant 0 : i32
          %dma_wait3A_272 = arith.constant 0 : i32
          %dma_wait3A_273 = tpu.memref_slice %arg20[%dma_wait3A_271, %dma_wait3A_272] : memref<10112x128xf32, #tpu.memory_space<vmem_shared>> -> memref<10112x128xf32, #tpu.memory_space<vmem_shared>>
          tpu.wait_indirect_dma semaphore(%arg28 : memref<!tpu.dma_semaphore, #tpu.memory_space<semaphore_mem>>) src(%arg17 : memref<80x128xf32, #tpu.memory_space<vmem>>) dst(%dma_wait3A_273 : memref<10112x128xf32, #tpu.memory_space<vmem_shared>>)
        } else {
        }
        %add3A_243 = arith.constant 1 : i32
        %add3A_244 = arith.addi %add3A_227, %add3A_243 : i32
        %lt3A_245 = arith.constant 125 : i32
        %lt3A_246 = arith.cmpi slt, %add3A_244, %lt3A_245 : i32
        %convert_element_type3A_247 = arith.extui %lt3A_246 : i1 to i32
        %cond3A_248 = arith.constant 0 : i32
        %cond3A_249 = arith.cmpi ne, %convert_element_type3A_247, %cond3A_248 : i32
        scf.if %cond3A_249 {
          %add3A_271 = arith.constant 1 : i32
          %add3A_272 = arith.addi %add3A_227, %add3A_271 : i32
          %dma_wait3A_273 = arith.constant 0 : i32
          %dma_wait3A_274 = tpu.memref_slice %arg3[%arg1, %add3A_272, %dma_wait3A_273] : memref<16x125x80xi32, #tpu.memory_space<hbm>> -> memref<1x1x80xi32, #tpu.memory_space<hbm>>
          %dma_wait3A_275 = tpu.memref_squeeze %dma_wait3A_274 : memref<1x1x80xi32, #tpu.memory_space<hbm>> -> memref<80xi32, #tpu.memory_space<hbm>>
          %dma_wait3A_276 = arith.constant 0 : i32
          %dma_wait3A_277 = tpu.memref_slice %arg3[%arg1, %add3A_272, %dma_wait3A_276] : memref<16x125x80xi32, #tpu.memory_space<hbm>> -> memref<1x1x80xi32, #tpu.memory_space<hbm>>
          %dma_wait3A_278 = tpu.memref_squeeze %dma_wait3A_277 : memref<1x1x80xi32, #tpu.memory_space<hbm>> -> memref<80xi32, #tpu.memory_space<hbm>>
          tpu.wait_dma2 semaphore(%arg22 : memref<!tpu.dma_semaphore, #tpu.memory_space<semaphore_mem>>) src(%dma_wait3A_278 : memref<80xi32, #tpu.memory_space<hbm>>) dst(%arg11 : memref<80xi32, #tpu.memory_space<vmem>>)
          %get3A_279 = arith.constant 0 : index
          %get3A_280 = tpu.vector_load %arg11[%get3A_279] {strides = array<i32>} : memref<80xi32, #tpu.memory_space<vmem>>, vector<16xi32>,
          %get3A_281 = vector.shape_cast %get3A_280 : vector<16xi32> to vector<16xi32>
          %swap3A_282 = arith.constant 0 : index
          %swap3A_283 = tpu.vector_load %arg15[%swap3A_282] {strides = array<i32>} : memref<80xi32, #tpu.memory_space<vmem>>, vector<16xi32>,
          %swap3A_284 = vector.shape_cast %swap3A_283 : vector<16xi32> to vector<16xi32>
          %swap3A_285 = vector.shape_cast %get3A_281 : vector<16xi32> to vector<16xi32>
          tpu.vector_store %arg15[%swap3A_282], %swap3A_285 {strides = array<i32>} : memref<80xi32, #tpu.memory_space<vmem>>, vector<16xi32>,
          %get3A_286 = arith.constant 16 : index
          %get3A_287 = tpu.vector_load %arg11[%get3A_286] {strides = array<i32>} : memref<80xi32, #tpu.memory_space<vmem>>, vector<16xi32>,
          %get3A_288 = vector.shape_cast %get3A_287 : vector<16xi32> to vector<16xi32>
          %swap3A_289 = arith.constant 16 : index
          %swap3A_290 = tpu.vector_load %arg15[%swap3A_289] {strides = array<i32>} : memref<80xi32, #tpu.memory_space<vmem>>, vector<16xi32>,
          %swap3A_291 = vector.shape_cast %swap3A_290 : vector<16xi32> to vector<16xi32>
          %swap3A_292 = vector.shape_cast %get3A_288 : vector<16xi32> to vector<16xi32>
          tpu.vector_store %arg15[%swap3A_289], %swap3A_292 {strides = array<i32>} : memref<80xi32, #tpu.memory_space<vmem>>, vector<16xi32>,
          %get3A_293 = arith.constant 32 : index
          %get3A_294 = tpu.vector_load %arg11[%get3A_293] {strides = array<i32>} : memref<80xi32, #tpu.memory_space<vmem>>, vector<16xi32>,
          %get3A_295 = vector.shape_cast %get3A_294 : vector<16xi32> to vector<16xi32>
          %swap3A_296 = arith.constant 32 : index
          %swap3A_297 = tpu.vector_load %arg15[%swap3A_296] {strides = array<i32>} : memref<80xi32, #tpu.memory_space<vmem>>, vector<16xi32>,
          %swap3A_298 = vector.shape_cast %swap3A_297 : vector<16xi32> to vector<16xi32>
          %swap3A_299 = vector.shape_cast %get3A_295 : vector<16xi32> to vector<16xi32>
          tpu.vector_store %arg15[%swap3A_296], %swap3A_299 {strides = array<i32>} : memref<80xi32, #tpu.memory_space<vmem>>, vector<16xi32>,
          %get3A_300 = arith.constant 48 : index
          %get3A_301 = tpu.vector_load %arg11[%get3A_300] {strides = array<i32>} : memref<80xi32, #tpu.memory_space<vmem>>, vector<16xi32>,
          %get3A_302 = vector.shape_cast %get3A_301 : vector<16xi32> to vector<16xi32>
          %swap3A_303 = arith.constant 48 : index
          %swap3A_304 = tpu.vector_load %arg15[%swap3A_303] {strides = array<i32>} : memref<80xi32, #tpu.memory_space<vmem>>, vector<16xi32>,
          %swap3A_305 = vector.shape_cast %swap3A_304 : vector<16xi32> to vector<16xi32>
          %swap3A_306 = vector.shape_cast %get3A_302 : vector<16xi32> to vector<16xi32>
          tpu.vector_store %arg15[%swap3A_303], %swap3A_306 {strides = array<i32>} : memref<80xi32, #tpu.memory_space<vmem>>, vector<16xi32>,
          %get3A_307 = arith.constant 64 : index
          %get3A_308 = tpu.vector_load %arg11[%get3A_307] {strides = array<i32>} : memref<80xi32, #tpu.memory_space<vmem>>, vector<16xi32>,
          %get3A_309 = vector.shape_cast %get3A_308 : vector<16xi32> to vector<16xi32>
          %swap3A_310 = arith.constant 64 : index
          %swap3A_311 = tpu.vector_load %arg15[%swap3A_310] {strides = array<i32>} : memref<80xi32, #tpu.memory_space<vmem>>, vector<16xi32>,
          %swap3A_312 = vector.shape_cast %swap3A_311 : vector<16xi32> to vector<16xi32>
          %swap3A_313 = vector.shape_cast %get3A_309 : vector<16xi32> to vector<16xi32>
          tpu.vector_store %arg15[%swap3A_310], %swap3A_313 {strides = array<i32>} : memref<80xi32, #tpu.memory_space<vmem>>, vector<16xi32>,
          %add3A_314 = arith.constant 1 : i32
          %add3A_315 = arith.addi %add3A_227, %add3A_314 : i32
          %mul3A_316 = arith.constant 10000 : i32
          %mul3A_317 = arith.muli %arg1, %mul3A_316 : i32
          %mul3A_318 = arith.constant 80 : i32
          %mul3A_319 = arith.muli %add3A_315, %mul3A_318 : i32
          %add3A_320 = arith.addi %mul3A_317, %mul3A_319 : i32
          %dma_start3A_321 = arith.constant 0 : i32
          %dma_start3A_322 = tpu.memref_slice %arg4[%arg0, %add3A_320, %dma_start3A_321] : memref<2x160000x128xf32, #tpu.memory_space<hbm>> -> memref<1x80x128xf32, #tpu.memory_space<hbm>>
          %dma_start3A_323 = tpu.memref_squeeze %dma_start3A_322 : memref<1x80x128xf32, #tpu.memory_space<hbm>> -> memref<80x128xf32, #tpu.memory_space<hbm>>
          %dma_start3A_324 = arith.constant 0 : i32
          %dma_start3A_325 = tpu.memref_slice %arg4[%arg0, %add3A_320, %dma_start3A_324] : memref<2x160000x128xf32, #tpu.memory_space<hbm>> -> memref<1x80x128xf32, #tpu.memory_space<hbm>>
          %dma_start3A_326 = tpu.memref_squeeze %dma_start3A_325 : memref<1x80x128xf32, #tpu.memory_space<hbm>> -> memref<80x128xf32, #tpu.memory_space<hbm>>
          tpu.enqueue_dma source(%dma_start3A_326 : memref<80x128xf32, #tpu.memory_space<hbm>>) target(%arg17 : memref<80x128xf32, #tpu.memory_space<vmem>>) target_semaphore(%arg26 : memref<!tpu.dma_semaphore, #tpu.memory_space<semaphore_mem>>)
        } else {
        }
        %add3A_250 = arith.constant 2 : i32
        %add3A_251 = arith.addi %add3A_227, %add3A_250 : i32
        %lt3A_252 = arith.constant 125 : i32
        %lt3A_253 = arith.cmpi slt, %add3A_251, %lt3A_252 : i32
        %convert_element_type3A_254 = arith.extui %lt3A_253 : i1 to i32
        %cond3A_255 = arith.constant 0 : i32
        %cond3A_256 = arith.cmpi ne, %convert_element_type3A_254, %cond3A_255 : i32
        scf.if %cond3A_256 {
          %add3A_271 = arith.constant 2 : i32
          %add3A_272 = arith.addi %add3A_227, %add3A_271 : i32
          %dma_start3A_273 = arith.constant 0 : i32
          %dma_start3A_274 = tpu.memref_slice %arg3[%arg1, %add3A_272, %dma_start3A_273] : memref<16x125x80xi32, #tpu.memory_space<hbm>> -> memref<1x1x80xi32, #tpu.memory_space<hbm>>
          %dma_start3A_275 = tpu.memref_squeeze %dma_start3A_274 : memref<1x1x80xi32, #tpu.memory_space<hbm>> -> memref<80xi32, #tpu.memory_space<hbm>>
          %dma_start3A_276 = arith.constant 0 : i32
          %dma_start3A_277 = tpu.memref_slice %arg3[%arg1, %add3A_272, %dma_start3A_276] : memref<16x125x80xi32, #tpu.memory_space<hbm>> -> memref<1x1x80xi32, #tpu.memory_space<hbm>>
          %dma_start3A_278 = tpu.memref_squeeze %dma_start3A_277 : memref<1x1x80xi32, #tpu.memory_space<hbm>> -> memref<80xi32, #tpu.memory_space<hbm>>
          tpu.enqueue_dma source(%dma_start3A_278 : memref<80xi32, #tpu.memory_space<hbm>>) target(%arg10 : memref<80xi32, #tpu.memory_space<vmem>>) target_semaphore(%arg21 : memref<!tpu.dma_semaphore, #tpu.memory_space<semaphore_mem>>)
        } else {
        }
        %mul3A_257 = arith.constant 10000 : i32
        %mul3A_258 = arith.muli %arg1, %mul3A_257 : i32
        %mul3A_259 = arith.constant 80 : i32
        %mul3A_260 = arith.muli %add3A_227, %mul3A_259 : i32
        %add3A_261 = arith.addi %mul3A_258, %mul3A_260 : i32
        %dma_wait3A_262 = arith.constant 0 : i32
        %dma_wait3A_263 = tpu.memref_slice %arg4[%arg0, %add3A_261, %dma_wait3A_262] : memref<2x160000x128xf32, #tpu.memory_space<hbm>> -> memref<1x80x128xf32, #tpu.memory_space<hbm>>
        %dma_wait3A_264 = tpu.memref_squeeze %dma_wait3A_263 : memref<1x80x128xf32, #tpu.memory_space<hbm>> -> memref<80x128xf32, #tpu.memory_space<hbm>>
        %dma_wait3A_265 = arith.constant 0 : i32
        %dma_wait3A_266 = tpu.memref_slice %arg4[%arg0, %add3A_261, %dma_wait3A_265] : memref<2x160000x128xf32, #tpu.memory_space<hbm>> -> memref<1x80x128xf32, #tpu.memory_space<hbm>>
        %dma_wait3A_267 = tpu.memref_squeeze %dma_wait3A_266 : memref<1x80x128xf32, #tpu.memory_space<hbm>> -> memref<80x128xf32, #tpu.memory_space<hbm>>
        tpu.wait_dma2 semaphore(%arg25 : memref<!tpu.dma_semaphore, #tpu.memory_space<semaphore_mem>>) src(%dma_wait3A_267 : memref<80x128xf32, #tpu.memory_space<hbm>>) dst(%arg16 : memref<80x128xf32, #tpu.memory_space<vmem>>)
        %dma_start3A_268 = arith.constant 0 : i32
        %dma_start3A_269 = arith.constant 0 : i32
        %dma_start3A_270 = tpu.memref_slice %arg20[%dma_start3A_268, %dma_start3A_269] : memref<10112x128xf32, #tpu.memory_space<vmem_shared>> -> memref<10112x128xf32, #tpu.memory_space<vmem_shared>>
        tpu.enqueue_indirect_dma source(%arg16 : memref<80x128xf32, #tpu.memory_space<vmem>>) target(%dma_start3A_270 : memref<10112x128xf32, #tpu.memory_space<vmem_shared>>) offsets(%arg14 : memref<80xi32, #tpu.memory_space<vmem>>) semaphore(%arg27 : memref<!tpu.dma_semaphore, #tpu.memory_space<semaphore_mem>>) {add = true}
      } else {
      }
      %mul3A_230 = arith.constant 2 : i32
      %mul3A_231 = arith.muli %scan3A_223, %mul3A_230 : i32
      %add3A_232 = arith.constant 1 : i32
      %add3A_233 = arith.addi %mul3A_231, %add3A_232 : i32
      %lt3A_234 = arith.constant 125 : i32
      %lt3A_235 = arith.cmpi slt, %add3A_233, %lt3A_234 : i32
      %convert_element_type3A_236 = arith.extui %lt3A_235 : i1 to i32
      %cond3A_237 = arith.constant 0 : i32
      %cond3A_238 = arith.cmpi ne, %convert_element_type3A_236, %cond3A_237 : i32
      scf.if %cond3A_238 {
        %ge3A = arith.constant 1 : i32
        %ge3A_239 = arith.cmpi sge, %add3A_233, %ge3A : i32
        %convert_element_type3A_240 = arith.extui %ge3A_239 : i1 to i32
        %cond3A_241 = arith.constant 0 : i32
        %cond3A_242 = arith.cmpi ne, %convert_element_type3A_240, %cond3A_241 : i32
        scf.if %cond3A_242 {
          %dma_wait3A_271 = arith.constant 0 : i32
          %dma_wait3A_272 = arith.constant 0 : i32
          %dma_wait3A_273 = tpu.memref_slice %arg20[%dma_wait3A_271, %dma_wait3A_272] : memref<10112x128xf32, #tpu.memory_space<vmem_shared>> -> memref<10112x128xf32, #tpu.memory_space<vmem_shared>>
          tpu.wait_indirect_dma semaphore(%arg27 : memref<!tpu.dma_semaphore, #tpu.memory_space<semaphore_mem>>) src(%arg16 : memref<80x128xf32, #tpu.memory_space<vmem>>) dst(%dma_wait3A_273 : memref<10112x128xf32, #tpu.memory_space<vmem_shared>>)
        } else {
        }
        %add3A_243 = arith.constant 1 : i32
        %add3A_244 = arith.addi %add3A_233, %add3A_243 : i32
        %lt3A_245 = arith.constant 125 : i32
        %lt3A_246 = arith.cmpi slt, %add3A_244, %lt3A_245 : i32
        %convert_element_type3A_247 = arith.extui %lt3A_246 : i1 to i32
        %cond3A_248 = arith.constant 0 : i32
        %cond3A_249 = arith.cmpi ne, %convert_element_type3A_247, %cond3A_248 : i32
        scf.if %cond3A_249 {
          %add3A_271 = arith.constant 1 : i32
          %add3A_272 = arith.addi %add3A_233, %add3A_271 : i32
          %dma_wait3A_273 = arith.constant 0 : i32
          %dma_wait3A_274 = tpu.memref_slice %arg3[%arg1, %add3A_272, %dma_wait3A_273] : memref<16x125x80xi32, #tpu.memory_space<hbm>> -> memref<1x1x80xi32, #tpu.memory_space<hbm>>
          %dma_wait3A_275 = tpu.memref_squeeze %dma_wait3A_274 : memref<1x1x80xi32, #tpu.memory_space<hbm>> -> memref<80xi32, #tpu.memory_space<hbm>>
          %dma_wait3A_276 = arith.constant 0 : i32
          %dma_wait3A_277 = tpu.memref_slice %arg3[%arg1, %add3A_272, %dma_wait3A_276] : memref<16x125x80xi32, #tpu.memory_space<hbm>> -> memref<1x1x80xi32, #tpu.memory_space<hbm>>
          %dma_wait3A_278 = tpu.memref_squeeze %dma_wait3A_277 : memref<1x1x80xi32, #tpu.memory_space<hbm>> -> memref<80xi32, #tpu.memory_space<hbm>>
          tpu.wait_dma2 semaphore(%arg21 : memref<!tpu.dma_semaphore, #tpu.memory_space<semaphore_mem>>) src(%dma_wait3A_278 : memref<80xi32, #tpu.memory_space<hbm>>) dst(%arg10 : memref<80xi32, #tpu.memory_space<vmem>>)
          %get3A_279 = arith.constant 0 : index
          %get3A_280 = tpu.vector_load %arg10[%get3A_279] {strides = array<i32>} : memref<80xi32, #tpu.memory_space<vmem>>, vector<16xi32>,
          %get3A_281 = vector.shape_cast %get3A_280 : vector<16xi32> to vector<16xi32>
          %swap3A_282 = arith.constant 0 : index
          %swap3A_283 = tpu.vector_load %arg14[%swap3A_282] {strides = array<i32>} : memref<80xi32, #tpu.memory_space<vmem>>, vector<16xi32>,
          %swap3A_284 = vector.shape_cast %swap3A_283 : vector<16xi32> to vector<16xi32>
          %swap3A_285 = vector.shape_cast %get3A_281 : vector<16xi32> to vector<16xi32>
          tpu.vector_store %arg14[%swap3A_282], %swap3A_285 {strides = array<i32>} : memref<80xi32, #tpu.memory_space<vmem>>, vector<16xi32>,
          %get3A_286 = arith.constant 16 : index
          %get3A_287 = tpu.vector_load %arg10[%get3A_286] {strides = array<i32>} : memref<80xi32, #tpu.memory_space<vmem>>, vector<16xi32>,
          %get3A_288 = vector.shape_cast %get3A_287 : vector<16xi32> to vector<16xi32>
          %swap3A_289 = arith.constant 16 : index
          %swap3A_290 = tpu.vector_load %arg14[%swap3A_289] {strides = array<i32>} : memref<80xi32, #tpu.memory_space<vmem>>, vector<16xi32>,
          %swap3A_291 = vector.shape_cast %swap3A_290 : vector<16xi32> to vector<16xi32>
          %swap3A_292 = vector.shape_cast %get3A_288 : vector<16xi32> to vector<16xi32>
          tpu.vector_store %arg14[%swap3A_289], %swap3A_292 {strides = array<i32>} : memref<80xi32, #tpu.memory_space<vmem>>, vector<16xi32>,
          %get3A_293 = arith.constant 32 : index
          %get3A_294 = tpu.vector_load %arg10[%get3A_293] {strides = array<i32>} : memref<80xi32, #tpu.memory_space<vmem>>, vector<16xi32>,
          %get3A_295 = vector.shape_cast %get3A_294 : vector<16xi32> to vector<16xi32>
          %swap3A_296 = arith.constant 32 : index
          %swap3A_297 = tpu.vector_load %arg14[%swap3A_296] {strides = array<i32>} : memref<80xi32, #tpu.memory_space<vmem>>, vector<16xi32>,
          %swap3A_298 = vector.shape_cast %swap3A_297 : vector<16xi32> to vector<16xi32>
          %swap3A_299 = vector.shape_cast %get3A_295 : vector<16xi32> to vector<16xi32>
          tpu.vector_store %arg14[%swap3A_296], %swap3A_299 {strides = array<i32>} : memref<80xi32, #tpu.memory_space<vmem>>, vector<16xi32>,
          %get3A_300 = arith.constant 48 : index
          %get3A_301 = tpu.vector_load %arg10[%get3A_300] {strides = array<i32>} : memref<80xi32, #tpu.memory_space<vmem>>, vector<16xi32>,
          %get3A_302 = vector.shape_cast %get3A_301 : vector<16xi32> to vector<16xi32>
          %swap3A_303 = arith.constant 48 : index
          %swap3A_304 = tpu.vector_load %arg14[%swap3A_303] {strides = array<i32>} : memref<80xi32, #tpu.memory_space<vmem>>, vector<16xi32>,
          %swap3A_305 = vector.shape_cast %swap3A_304 : vector<16xi32> to vector<16xi32>
          %swap3A_306 = vector.shape_cast %get3A_302 : vector<16xi32> to vector<16xi32>
          tpu.vector_store %arg14[%swap3A_303], %swap3A_306 {strides = array<i32>} : memref<80xi32, #tpu.memory_space<vmem>>, vector<16xi32>,
          %get3A_307 = arith.constant 64 : index
          %get3A_308 = tpu.vector_load %arg10[%get3A_307] {strides = array<i32>} : memref<80xi32, #tpu.memory_space<vmem>>, vector<16xi32>,
          %get3A_309 = vector.shape_cast %get3A_308 : vector<16xi32> to vector<16xi32>
          %swap3A_310 = arith.constant 64 : index
          %swap3A_311 = tpu.vector_load %arg14[%swap3A_310] {strides = array<i32>} : memref<80xi32, #tpu.memory_space<vmem>>, vector<16xi32>,
          %swap3A_312 = vector.shape_cast %swap3A_311 : vector<16xi32> to vector<16xi32>
          %swap3A_313 = vector.shape_cast %get3A_309 : vector<16xi32> to vector<16xi32>
          tpu.vector_store %arg14[%swap3A_310], %swap3A_313 {strides = array<i32>} : memref<80xi32, #tpu.memory_space<vmem>>, vector<16xi32>,
          %add3A_314 = arith.constant 1 : i32
          %add3A_315 = arith.addi %add3A_233, %add3A_314 : i32
          %mul3A_316 = arith.constant 10000 : i32
          %mul3A_317 = arith.muli %arg1, %mul3A_316 : i32
          %mul3A_318 = arith.constant 80 : i32
          %mul3A_319 = arith.muli %add3A_315, %mul3A_318 : i32
          %add3A_320 = arith.addi %mul3A_317, %mul3A_319 : i32
          %dma_start3A_321 = arith.constant 0 : i32
          %dma_start3A_322 = tpu.memref_slice %arg4[%arg0, %add3A_320, %dma_start3A_321] : memref<2x160000x128xf32, #tpu.memory_space<hbm>> -> memref<1x80x128xf32, #tpu.memory_space<hbm>>
          %dma_start3A_323 = tpu.memref_squeeze %dma_start3A_322 : memref<1x80x128xf32, #tpu.memory_space<hbm>> -> memref<80x128xf32, #tpu.memory_space<hbm>>
          %dma_start3A_324 = arith.constant 0 : i32
          %dma_start3A_325 = tpu.memref_slice %arg4[%arg0, %add3A_320, %dma_start3A_324] : memref<2x160000x128xf32, #tpu.memory_space<hbm>> -> memref<1x80x128xf32, #tpu.memory_space<hbm>>
          %dma_start3A_326 = tpu.memref_squeeze %dma_start3A_325 : memref<1x80x128xf32, #tpu.memory_space<hbm>> -> memref<80x128xf32, #tpu.memory_space<hbm>>
          tpu.enqueue_dma source(%dma_start3A_326 : memref<80x128xf32, #tpu.memory_space<hbm>>) target(%arg16 : memref<80x128xf32, #tpu.memory_space<vmem>>) target_semaphore(%arg25 : memref<!tpu.dma_semaphore, #tpu.memory_space<semaphore_mem>>)
        } else {
        }
        %add3A_250 = arith.constant 2 : i32
        %add3A_251 = arith.addi %add3A_233, %add3A_250 : i32
        %lt3A_252 = arith.constant 125 : i32
        %lt3A_253 = arith.cmpi slt, %add3A_251, %lt3A_252 : i32
        %convert_element_type3A_254 = arith.extui %lt3A_253 : i1 to i32
        %cond3A_255 = arith.constant 0 : i32
        %cond3A_256 = arith.cmpi ne, %convert_element_type3A_254, %cond3A_255 : i32
        scf.if %cond3A_256 {
          %add3A_271 = arith.constant 2 : i32
          %add3A_272 = arith.addi %add3A_233, %add3A_271 : i32
          %dma_start3A_273 = arith.constant 0 : i32
          %dma_start3A_274 = tpu.memref_slice %arg3[%arg1, %add3A_272, %dma_start3A_273] : memref<16x125x80xi32, #tpu.memory_space<hbm>> -> memref<1x1x80xi32, #tpu.memory_space<hbm>>
          %dma_start3A_275 = tpu.memref_squeeze %dma_start3A_274 : memref<1x1x80xi32, #tpu.memory_space<hbm>> -> memref<80xi32, #tpu.memory_space<hbm>>
          %dma_start3A_276 = arith.constant 0 : i32
          %dma_start3A_277 = tpu.memref_slice %arg3[%arg1, %add3A_272, %dma_start3A_276] : memref<16x125x80xi32, #tpu.memory_space<hbm>> -> memref<1x1x80xi32, #tpu.memory_space<hbm>>
          %dma_start3A_278 = tpu.memref_squeeze %dma_start3A_277 : memref<1x1x80xi32, #tpu.memory_space<hbm>> -> memref<80xi32, #tpu.memory_space<hbm>>
          tpu.enqueue_dma source(%dma_start3A_278 : memref<80xi32, #tpu.memory_space<hbm>>) target(%arg11 : memref<80xi32, #tpu.memory_space<vmem>>) target_semaphore(%arg22 : memref<!tpu.dma_semaphore, #tpu.memory_space<semaphore_mem>>)
        } else {
        }
        %mul3A_257 = arith.constant 10000 : i32
        %mul3A_258 = arith.muli %arg1, %mul3A_257 : i32
        %mul3A_259 = arith.constant 80 : i32
        %mul3A_260 = arith.muli %add3A_233, %mul3A_259 : i32
        %add3A_261 = arith.addi %mul3A_258, %mul3A_260 : i32
        %dma_wait3A_262 = arith.constant 0 : i32
        %dma_wait3A_263 = tpu.memref_slice %arg4[%arg0, %add3A_261, %dma_wait3A_262] : memref<2x160000x128xf32, #tpu.memory_space<hbm>> -> memref<1x80x128xf32, #tpu.memory_space<hbm>>
        %dma_wait3A_264 = tpu.memref_squeeze %dma_wait3A_263 : memref<1x80x128xf32, #tpu.memory_space<hbm>> -> memref<80x128xf32, #tpu.memory_space<hbm>>
        %dma_wait3A_265 = arith.constant 0 : i32
        %dma_wait3A_266 = tpu.memref_slice %arg4[%arg0, %add3A_261, %dma_wait3A_265] : memref<2x160000x128xf32, #tpu.memory_space<hbm>> -> memref<1x80x128xf32, #tpu.memory_space<hbm>>
        %dma_wait3A_267 = tpu.memref_squeeze %dma_wait3A_266 : memref<1x80x128xf32, #tpu.memory_space<hbm>> -> memref<80x128xf32, #tpu.memory_space<hbm>>
        tpu.wait_dma2 semaphore(%arg26 : memref<!tpu.dma_semaphore, #tpu.memory_space<semaphore_mem>>) src(%dma_wait3A_267 : memref<80x128xf32, #tpu.memory_space<hbm>>) dst(%arg17 : memref<80x128xf32, #tpu.memory_space<vmem>>)
        %dma_start3A_268 = arith.constant 0 : i32
        %dma_start3A_269 = arith.constant 0 : i32
        %dma_start3A_270 = tpu.memref_slice %arg20[%dma_start3A_268, %dma_start3A_269] : memref<10112x128xf32, #tpu.memory_space<vmem_shared>> -> memref<10112x128xf32, #tpu.memory_space<vmem_shared>>
        tpu.enqueue_indirect_dma source(%arg17 : memref<80x128xf32, #tpu.memory_space<vmem>>) target(%dma_start3A_270 : memref<10112x128xf32, #tpu.memory_space<vmem_shared>>) offsets(%arg15 : memref<80xi32, #tpu.memory_space<vmem>>) semaphore(%arg28 : memref<!tpu.dma_semaphore, #tpu.memory_space<semaphore_mem>>) {add = true}
      } else {
      }
    }
    %scan3A_216 = arith.constant 63 : i32
    %dma_wait3A_217 = arith.constant 0 : i32
    %dma_wait3A_218 = arith.constant 0 : i32
    %dma_wait3A_219 = tpu.memref_slice %arg20[%dma_wait3A_217, %dma_wait3A_218] : memref<10112x128xf32, #tpu.memory_space<vmem_shared>> -> memref<10112x128xf32, #tpu.memory_space<vmem_shared>>
    tpu.wait_indirect_dma semaphore(%arg27 : memref<!tpu.dma_semaphore, #tpu.memory_space<semaphore_mem>>) src(%arg16 : memref<80x128xf32, #tpu.memory_space<vmem>>) dst(%dma_wait3A_219 : memref<10112x128xf32, #tpu.memory_space<vmem_shared>>)
    %barrier3A_220 = arith.constant 0 : index
    tpu.barrier barrier_id(%barrier3A_220)
    %add3A_221 = arith.constant 2 : i32
    %add3A_222 = arith.addi %arg0, %add3A_221 : i32
    "tpu.region"() ({
      %run_scoped3A = tpu.sem_alloc : memref<!tpu.dma_semaphore, #tpu.memory_space<semaphore_mem>>
      %dma_start3A_223 = arith.constant 0 : i32
      %dma_start3A_224 = tpu.memref_slice %arg7[%add3A_222, %mul3A_0, %dma_start3A_223] : memref<4x10112x128xf32, #tpu.memory_space<hbm>> -> memref<1x632x128xf32, #tpu.memory_space<hbm>>
      %dma_start3A_225 = tpu.memref_squeeze %dma_start3A_224 : memref<1x632x128xf32, #tpu.memory_space<hbm>> -> memref<632x128xf32, #tpu.memory_space<hbm>>
      %dma_start3A_226 = arith.constant 0 : i32
      %dma_start3A_227 = tpu.memref_slice %arg20[%mul3A_0, %dma_start3A_226] : memref<10112x128xf32, #tpu.memory_space<vmem_shared>> -> memref<632x128xf32, #tpu.memory_space<vmem_shared>>
      tpu.enqueue_dma source(%dma_start3A_227 : memref<632x128xf32, #tpu.memory_space<vmem_shared>>) target(%dma_start3A_225 : memref<632x128xf32, #tpu.memory_space<hbm>>) target_semaphore(%run_scoped3A : memref<!tpu.dma_semaphore, #tpu.memory_space<semaphore_mem>>)
      %dma_wait3A_228 = arith.constant 0 : i32
      %dma_wait3A_229 = tpu.memref_slice %arg7[%add3A_222, %mul3A_0, %dma_wait3A_228] : memref<4x10112x128xf32, #tpu.memory_space<hbm>> -> memref<1x632x128xf32, #tpu.memory_space<hbm>>
      %dma_wait3A_230 = tpu.memref_squeeze %dma_wait3A_229 : memref<1x632x128xf32, #tpu.memory_space<hbm>> -> memref<632x128xf32, #tpu.memory_space<hbm>>
      %dma_wait3A_231 = arith.constant 0 : i32
      %dma_wait3A_232 = tpu.memref_slice %arg20[%mul3A_0, %dma_wait3A_231] : memref<10112x128xf32, #tpu.memory_space<vmem_shared>> -> memref<632x128xf32, #tpu.memory_space<vmem_shared>>
      tpu.wait_dma2 semaphore(%run_scoped3A : memref<!tpu.dma_semaphore, #tpu.memory_space<semaphore_mem>>) src(%dma_wait3A_232 : memref<632x128xf32, #tpu.memory_space<vmem_shared>>) dst(%dma_wait3A_230 : memref<632x128xf32, #tpu.memory_space<hbm>>)
      tpu.yield
    }) : () -> ()
    return
  }
}

module attributes {stable_mosaic.version = 14 : i64} {
  func.func @_node_mm_body(%arg0: i32, %arg1: i32, %arg2: memref<1000x256xf32, #tpu.memory_space<vmem>>, %arg3: memref<1x256x256xf32, #tpu.memory_space<vmem>>, %arg4: memref<1x1x256xf32, #tpu.memory_space<vmem>>, %arg5: memref<1x1000x256xf32, #tpu.memory_space<vmem>>) attributes {dimension_semantics = [#tpu.dimension_semantics<arbitrary>, #tpu.dimension_semantics<arbitrary>], iteration_bounds = array<i64: 10, 5>, scalar_prefetch = 0 : i64, scratch_operands = 0 : i64, tpu.core_type = #tpu.core_type<tc>, window_params = [{transform_indices = @transform_0, window_bounds = array<i64: 1000, 256>}, {transform_indices = @transform_1, window_bounds = array<i64: 1, 256, 256>}, {transform_indices = @transform_2, window_bounds = array<i64: 1, 1, 256>}, {transform_indices = @transform_3, window_bounds = array<i64: 1, 1000, 256>}]} {
    %get3A = arith.constant 0 : index
    %get3A_0 = arith.constant 0 : index
    %get3A_1 = vector.load %arg2[%get3A, %get3A_0] : memref<1000x256xf32, #tpu.memory_space<vmem>>, vector<1000x256xf32>
    %get3A_2 = arith.constant 0 : index
    %get3A_3 = arith.constant 0 : index
    %get3A_4 = arith.constant 0 : index
    %get3A_5 = vector.load %arg3[%get3A_2, %get3A_3, %get3A_4] : memref<1x256x256xf32, #tpu.memory_space<vmem>>, vector<1x256x256xf32>
    %get3A_6 = vector.shape_cast %get3A_5 : vector<1x256x256xf32> to vector<256x256xf32>
    %dot_general3A = arith.constant dense<0.000000e+00> : vector<1000x256xf32>
    %dot_general3A_7 = tpu.matmul %get3A_1, %get3A_6, %dot_general3A {dimension_numbers = #tpu.dot_dimension_numbers<[1], [0], [0], [1], [0, 0, 1, 1], [], []>, transpose_lhs_hint = false} : vector<1000x256xf32>, vector<256x256xf32>, vector<1000x256xf32> -> vector<1000x256xf32>
    %get3A_8 = arith.constant 0 : index
    %get3A_9 = arith.constant 0 : index
    %get3A_10 = arith.constant 0 : index
    %get3A_11 = vector.load %arg4[%get3A_8, %get3A_9, %get3A_10] : memref<1x1x256xf32, #tpu.memory_space<vmem>>, vector<1x1x256xf32>
    %get3A_12 = vector.shape_cast %get3A_11 : vector<1x1x256xf32> to vector<1x256xf32>
    %add3A = vector.broadcast %get3A_12 : vector<1x256xf32> to vector<1000x256xf32>
    %add3A_13 = arith.addf %dot_general3A_7, %add3A : vector<1000x256xf32>
    %swap3A = arith.constant 0 : index
    %swap3A_14 = arith.constant 0 : index
    %swap3A_15 = arith.constant 0 : index
    %swap3A_16 = vector.load %arg5[%swap3A, %swap3A_14, %swap3A_15] : memref<1x1000x256xf32, #tpu.memory_space<vmem>>, vector<1x1000x256xf32>
    %swap3A_17 = vector.shape_cast %swap3A_16 : vector<1x1000x256xf32> to vector<1000x256xf32>
    %swap3A_18 = vector.shape_cast %add3A_13 : vector<1000x256xf32> to vector<1x1000x256xf32>
    tpu.vector_store %arg5[%swap3A, %swap3A_14, %swap3A_15], %swap3A_18 {strides = array<i32>} : memref<1x1000x256xf32, #tpu.memory_space<vmem>>, vector<1x1000x256xf32>,
    return
  }
  func.func @transform_0(%arg0: i32, %arg1: i32) -> (i32, i32) {
    %c0_i32 = arith.constant 0 : i32
    %c0_i32_0 = arith.constant 0 : i32
    return %arg0, %c0_i32 : i32, i32
  }
  func.func @transform_1(%arg0: i32, %arg1: i32) -> (i32, i32, i32) {
    %c0_i32 = arith.constant 0 : i32
    %c0_i32_0 = arith.constant 0 : i32
    %c0_i32_1 = arith.constant 0 : i32
    return %arg1, %c0_i32, %c0_i32_0 : i32, i32, i32
  }
  func.func @transform_2(%arg0: i32, %arg1: i32) -> (i32, i32, i32) {
    %c0_i32 = arith.constant 0 : i32
    %c0_i32_0 = arith.constant 0 : i32
    %c0_i32_1 = arith.constant 0 : i32
    return %arg1, %c0_i32, %c0_i32_0 : i32, i32, i32
  }
  func.func @transform_3(%arg0: i32, %arg1: i32) -> (i32, i32, i32) {
    %c0_i32 = arith.constant 0 : i32
    %c0_i32_0 = arith.constant 0 : i32
    return %arg1, %arg0, %c0_i32 : i32, i32, i32
  }
}

module attributes {stable_mosaic.version = 14 : i64} {
  func.func @_edge1_body(%arg0: i32, %arg1: memref<2000x16xf32, #tpu.memory_space<vmem>>, %arg2: memref<2000x256xf32, #tpu.memory_space<vmem>>, %arg3: memref<16x256xf32, #tpu.memory_space<vmem>>, %arg4: memref<1x256xf32, #tpu.memory_space<vmem>>, %arg5: memref<8x256xf32, #tpu.memory_space<vmem>>) attributes {dimension_semantics = [#tpu.dimension_semantics<arbitrary>], iteration_bounds = array<i64: 80>, scalar_prefetch = 0 : i64, scratch_operands = 0 : i64, tpu.core_type = #tpu.core_type<tc>, window_params = [{transform_indices = @transform_0, window_bounds = array<i64: 2000, 16>}, {transform_indices = @transform_1, window_bounds = array<i64: 2000, 256>}, {pipeline_mode = #tpu.pipeline_mode<synchronous>, transform_indices = @transform_2, window_bounds = array<i64: 16, 256>}, {pipeline_mode = #tpu.pipeline_mode<synchronous>, transform_indices = @transform_3, window_bounds = array<i64: 1, 256>}, {pipeline_mode = #tpu.pipeline_mode<synchronous>, transform_indices = @transform_4, window_bounds = array<i64: 8, 256>}]} {
    %get3A = arith.constant 0 : index
    %get3A_0 = arith.constant 0 : index
    %get3A_1 = vector.load %arg1[%get3A, %get3A_0] : memref<2000x16xf32, #tpu.memory_space<vmem>>, vector<2000x16xf32>
    %get3A_2 = arith.constant 0 : index
    %get3A_3 = arith.constant 0 : index
    %get3A_4 = vector.load %arg3[%get3A_2, %get3A_3] : memref<16x256xf32, #tpu.memory_space<vmem>>, vector<16x256xf32>
    %dot_general3A = arith.constant dense<0.000000e+00> : vector<2000x256xf32>
    %dot_general3A_5 = tpu.matmul %get3A_1, %get3A_4, %dot_general3A {dimension_numbers = #tpu.dot_dimension_numbers<[1], [0], [0], [1], [0, 0, 1, 1], [], []>, transpose_lhs_hint = false} : vector<2000x16xf32>, vector<16x256xf32>, vector<2000x256xf32> -> vector<2000x256xf32>
    %get3A_6 = arith.constant 0 : index
    %get3A_7 = arith.constant 0 : index
    %get3A_8 = vector.load %arg4[%get3A_6, %get3A_7] : memref<1x256xf32, #tpu.memory_space<vmem>>, vector<1x256xf32>
    %add3A = vector.broadcast %get3A_8 : vector<1x256xf32> to vector<2000x256xf32>
    %add3A_9 = arith.addf %dot_general3A_5, %add3A : vector<2000x256xf32>
    %get3A_10 = arith.constant 0 : index
    %get3A_11 = arith.constant 0 : index
    %get3A_12 = vector.load %arg2[%get3A_10, %get3A_11] : memref<2000x256xf32, #tpu.memory_space<vmem>>, vector<2000x256xf32>
    %add3A_13 = arith.addf %add3A_9, %get3A_12 : vector<2000x256xf32>
    %eq3A = arith.constant 0 : i32
    %eq3A_14 = arith.cmpi eq, %arg0, %eq3A : i32
    %convert_element_type3A = arith.extui %eq3A_14 : i1 to i32
    %cond3A = arith.constant 0 : i32
    %cond3A_15 = arith.cmpi ne, %convert_element_type3A, %cond3A : i32
    scf.if %cond3A_15 {
      %broadcast_in_dim3A_33 = arith.constant 0.000000e+00 : f32
      %broadcast_in_dim3A_34 = vector.broadcast %broadcast_in_dim3A_33 : f32 to vector<8x256xf32>
      %swap3A_35 = arith.constant 0 : index
      %swap3A_36 = arith.constant 0 : index
      %swap3A_37 = vector.load %arg5[%swap3A_35, %swap3A_36] : memref<8x256xf32, #tpu.memory_space<vmem>>, vector<8x256xf32>
      tpu.vector_store %arg5[%swap3A_35, %swap3A_36], %broadcast_in_dim3A_34 {strides = array<i32>} : memref<8x256xf32, #tpu.memory_space<vmem>>, vector<8x256xf32>,
    } else {
    }
    %get3A_16 = arith.constant 0 : index
    %get3A_17 = arith.constant 0 : index
    %get3A_18 = vector.load %arg5[%get3A_16, %get3A_17] : memref<8x256xf32, #tpu.memory_space<vmem>>, vector<1x256xf32>
    %reduce_sum3A = arith.constant dense<0.000000e+00> : vector<256xf32>
    %reduce_sum3A_19 = vector.multi_reduction <add>, %add3A_13, %reduce_sum3A [0] : vector<2000x256xf32> to vector<256xf32>
    %broadcast_in_dim3A = vector.shape_cast %reduce_sum3A_19 : vector<256xf32> to vector<1x256xf32>
    %add3A_20 = arith.addf %get3A_18, %broadcast_in_dim3A : vector<1x256xf32>
    %swap3A = arith.constant 0 : index
    %swap3A_21 = arith.constant 0 : index
    %swap3A_22 = vector.load %arg5[%swap3A, %swap3A_21] : memref<8x256xf32, #tpu.memory_space<vmem>>, vector<1x256xf32>
    tpu.vector_store %arg5[%swap3A, %swap3A_21], %add3A_20 {strides = array<i32>} : memref<8x256xf32, #tpu.memory_space<vmem>>, vector<1x256xf32>,
    %get3A_23 = arith.constant 1 : index
    %get3A_24 = arith.constant 0 : index
    %get3A_25 = vector.load %arg5[%get3A_23, %get3A_24] : memref<8x256xf32, #tpu.memory_space<vmem>>, vector<1x256xf32>
    %mul3A = arith.mulf %add3A_13, %add3A_13 : vector<2000x256xf32>
    %reduce_sum3A_26 = arith.constant dense<0.000000e+00> : vector<256xf32>
    %reduce_sum3A_27 = vector.multi_reduction <add>, %mul3A, %reduce_sum3A_26 [0] : vector<2000x256xf32> to vector<256xf32>
    %broadcast_in_dim3A_28 = vector.shape_cast %reduce_sum3A_27 : vector<256xf32> to vector<1x256xf32>
    %add3A_29 = arith.addf %get3A_25, %broadcast_in_dim3A_28 : vector<1x256xf32>
    %swap3A_30 = arith.constant 1 : index
    %swap3A_31 = arith.constant 0 : index
    %swap3A_32 = vector.load %arg5[%swap3A_30, %swap3A_31] : memref<8x256xf32, #tpu.memory_space<vmem>>, vector<1x256xf32>
    tpu.vector_store %arg5[%swap3A_30, %swap3A_31], %add3A_29 {strides = array<i32>} : memref<8x256xf32, #tpu.memory_space<vmem>>, vector<1x256xf32>,
    return
  }
  func.func @transform_0(%arg0: i32) -> (i32, i32) {
    %c0_i32 = arith.constant 0 : i32
    %c0_i32_0 = arith.constant 0 : i32
    return %arg0, %c0_i32 : i32, i32
  }
  func.func @transform_1(%arg0: i32) -> (i32, i32) {
    %c0_i32 = arith.constant 0 : i32
    %c0_i32_0 = arith.constant 0 : i32
    return %arg0, %c0_i32 : i32, i32
  }
  func.func @transform_2(%arg0: i32) -> (i32, i32) {
    %c0_i32 = arith.constant 0 : i32
    %c0_i32_0 = arith.constant 0 : i32
    %c0_i32_1 = arith.constant 0 : i32
    return %c0_i32, %c0_i32_0 : i32, i32
  }
  func.func @transform_3(%arg0: i32) -> (i32, i32) {
    %c0_i32 = arith.constant 0 : i32
    %c0_i32_0 = arith.constant 0 : i32
    %c0_i32_1 = arith.constant 0 : i32
    return %c0_i32, %c0_i32_0 : i32, i32
  }
  func.func @transform_4(%arg0: i32) -> (i32, i32) {
    %c0_i32 = arith.constant 0 : i32
    %c0_i32_0 = arith.constant 0 : i32
    %c0_i32_1 = arith.constant 0 : i32
    return %c0_i32, %c0_i32_0 : i32, i32
  }
}

module attributes {stable_mosaic.version = 14 : i64} {
  func.func @_edge2_body(%arg0: i32, %arg1: memref<2000x256xf32, #tpu.memory_space<vmem>>, %arg2: memref<2000x16xf32, #tpu.memory_space<vmem>>, %arg3: memref<8x256xf32, #tpu.memory_space<vmem>>, %arg4: memref<1x256xf32, #tpu.memory_space<vmem>>, %arg5: memref<1x256xf32, #tpu.memory_space<vmem>>, %arg6: memref<1x256xf32, #tpu.memory_space<vmem>>, %arg7: memref<16x256xf32, #tpu.memory_space<vmem>>, %arg8: memref<16x256xf32, #tpu.memory_space<vmem>>, %arg9: memref<256x256xf32, #tpu.memory_space<vmem>>, %arg10: memref<2000x256xf32, #tpu.memory_space<vmem>>, %arg11: memref<2x2000x128xf32, #tpu.memory_space<vmem>>) attributes {dimension_semantics = [#tpu.dimension_semantics<arbitrary>], iteration_bounds = array<i64: 80>, scalar_prefetch = 0 : i64, scratch_operands = 0 : i64, tpu.core_type = #tpu.core_type<tc>, window_params = [{transform_indices = @transform_0, window_bounds = array<i64: 2000, 256>}, {transform_indices = @transform_1, window_bounds = array<i64: 2000, 16>}, {pipeline_mode = #tpu.pipeline_mode<synchronous>, transform_indices = @transform_2, window_bounds = array<i64: 8, 256>}, {pipeline_mode = #tpu.pipeline_mode<synchronous>, transform_indices = @transform_3, window_bounds = array<i64: 1, 256>}, {pipeline_mode = #tpu.pipeline_mode<synchronous>, transform_indices = @transform_4, window_bounds = array<i64: 1, 256>}, {pipeline_mode = #tpu.pipeline_mode<synchronous>, transform_indices = @transform_5, window_bounds = array<i64: 1, 256>}, {pipeline_mode = #tpu.pipeline_mode<synchronous>, transform_indices = @transform_6, window_bounds = array<i64: 16, 256>}, {pipeline_mode = #tpu.pipeline_mode<synchronous>, transform_indices = @transform_7, window_bounds = array<i64: 16, 256>}, {pipeline_mode = #tpu.pipeline_mode<synchronous>, transform_indices = @transform_8, window_bounds = array<i64: 256, 256>}, {transform_indices = @transform_9, window_bounds = array<i64: 2000, 256>}, {transform_indices = @transform_10, window_bounds = array<i64: 2, 2000, 128>}]} {
    %get3A = arith.constant 0 : index
    %get3A_0 = arith.constant 0 : index
    %get3A_1 = vector.load %arg2[%get3A, %get3A_0] : memref<2000x16xf32, #tpu.memory_space<vmem>>, vector<2000x16xf32>
    %get3A_2 = arith.constant 0 : index
    %get3A_3 = arith.constant 0 : index
    %get3A_4 = vector.load %arg1[%get3A_2, %get3A_3] : memref<2000x256xf32, #tpu.memory_space<vmem>>, vector<2000x256xf32>
    %get3A_5 = arith.constant 0 : index
    %get3A_6 = arith.constant 0 : index
    %get3A_7 = vector.load %arg3[%get3A_5, %get3A_6] : memref<8x256xf32, #tpu.memory_space<vmem>>, vector<8x256xf32>
    %get3A_8 = arith.constant 0 : index
    %get3A_9 = arith.constant 0 : index
    %get3A_10 = vector.load %arg4[%get3A_8, %get3A_9] : memref<1x256xf32, #tpu.memory_space<vmem>>, vector<1x256xf32>
    %get3A_11 = arith.constant 0 : index
    %get3A_12 = arith.constant 0 : index
    %get3A_13 = vector.load %arg5[%get3A_11, %get3A_12] : memref<1x256xf32, #tpu.memory_space<vmem>>, vector<1x256xf32>
    %get3A_14 = arith.constant 0 : index
    %get3A_15 = arith.constant 0 : index
    %get3A_16 = vector.load %arg6[%get3A_14, %get3A_15] : memref<1x256xf32, #tpu.memory_space<vmem>>, vector<1x256xf32>
    %get3A_17 = arith.constant 0 : index
    %get3A_18 = arith.constant 0 : index
    %get3A_19 = vector.load %arg7[%get3A_17, %get3A_18] : memref<16x256xf32, #tpu.memory_space<vmem>>, vector<16x256xf32>
    %get3A_20 = arith.constant 0 : index
    %get3A_21 = arith.constant 0 : index
    %get3A_22 = vector.load %arg8[%get3A_20, %get3A_21] : memref<16x256xf32, #tpu.memory_space<vmem>>, vector<16x256xf32>
    %slice3A = vector.extract_strided_slice %get3A_7 {offsets = [0, 0], sizes = [1, 256], strides = [1, 1]} : vector<8x256xf32> to vector<1x256xf32>
    %mul3A = arith.constant 6.250000e-06 : f32
    %mul3A_23 = vector.broadcast %mul3A : f32 to vector<1x256xf32>
    %mul3A_24 = arith.mulf %slice3A, %mul3A_23 : vector<1x256xf32>
    %slice3A_25 = vector.extract_strided_slice %get3A_7 {offsets = [1, 0], sizes = [1, 256], strides = [1, 1]} : vector<8x256xf32> to vector<1x256xf32>
    %mul3A_26 = arith.constant 6.250000e-06 : f32
    %mul3A_27 = vector.broadcast %mul3A_26 : f32 to vector<1x256xf32>
    %mul3A_28 = arith.mulf %slice3A_25, %mul3A_27 : vector<1x256xf32>
    %mul3A_29 = arith.mulf %mul3A_24, %mul3A_24 : vector<1x256xf32>
    %sub3A = arith.subf %mul3A_28, %mul3A_29 : vector<1x256xf32>
    %add3A = arith.constant 9.99999974E-6 : f32
    %add3A_30 = vector.broadcast %add3A : f32 to vector<1x256xf32>
    %add3A_31 = arith.addf %sub3A, %add3A_30 : vector<1x256xf32>
    %rsqrt3A = math.rsqrt %add3A_31 : vector<1x256xf32>
    %dot_general3A = arith.constant dense<0.000000e+00> : vector<2000x256xf32>
    %dot_general3A_32 = tpu.matmul %get3A_1, %get3A_19, %dot_general3A {dimension_numbers = #tpu.dot_dimension_numbers<[1], [0], [0], [1], [0, 0, 1, 1], [], []>, transpose_lhs_hint = false} : vector<2000x16xf32>, vector<16x256xf32>, vector<2000x256xf32> -> vector<2000x256xf32>
    %add3A_33 = vector.broadcast %get3A_10 : vector<1x256xf32> to vector<2000x256xf32>
    %add3A_34 = arith.addf %dot_general3A_32, %add3A_33 : vector<2000x256xf32>
    %add3A_35 = arith.addf %add3A_34, %get3A_4 : vector<2000x256xf32>
    %sub3A_36 = vector.broadcast %mul3A_24 : vector<1x256xf32> to vector<2000x256xf32>
    %sub3A_37 = arith.subf %add3A_35, %sub3A_36 : vector<2000x256xf32>
    %mul3A_38 = arith.mulf %rsqrt3A, %get3A_13 : vector<1x256xf32>
    %mul3A_39 = vector.broadcast %mul3A_38 : vector<1x256xf32> to vector<2000x256xf32>
    %mul3A_40 = arith.mulf %sub3A_37, %mul3A_39 : vector<2000x256xf32>
    %add3A_41 = vector.broadcast %get3A_16 : vector<1x256xf32> to vector<2000x256xf32>
    %add3A_42 = arith.addf %mul3A_40, %add3A_41 : vector<2000x256xf32>
    %dot_general3A_43 = arith.constant dense<0.000000e+00> : vector<2000x256xf32>
    %dot_general3A_44 = tpu.matmul %get3A_1, %get3A_22, %dot_general3A_43 {dimension_numbers = #tpu.dot_dimension_numbers<[1], [0], [0], [1], [0, 0, 1, 1], [], []>, transpose_lhs_hint = false} : vector<2000x16xf32>, vector<16x256xf32>, vector<2000x256xf32> -> vector<2000x256xf32>
    %max3A = arith.constant 0.000000e+00 : f32
    %max3A_45 = vector.broadcast %max3A : f32 to vector<2000x256xf32>
    %max3A_46 = arith.maximumf %add3A_42, %max3A_45 : vector<2000x256xf32>
    %add3A_47 = arith.addf %dot_general3A_44, %max3A_46 : vector<2000x256xf32>
    %swap3A = arith.constant 0 : index
    %swap3A_48 = arith.constant 0 : index
    %swap3A_49 = vector.load %arg10[%swap3A, %swap3A_48] : memref<2000x256xf32, #tpu.memory_space<vmem>>, vector<2000x256xf32>
    tpu.vector_store %arg10[%swap3A, %swap3A_48], %add3A_47 {strides = array<i32>} : memref<2000x256xf32, #tpu.memory_space<vmem>>, vector<2000x256xf32>,
    %logistic3A = arith.negf %add3A_47 : vector<2000x256xf32>
    %logistic3A_50 = math.exp %logistic3A : vector<2000x256xf32>
    %logistic3A_51 = arith.constant 1.000000e+00 : f32
    %logistic3A_52 = vector.broadcast %logistic3A_51 : f32 to vector<2000x256xf32>
    %logistic3A_53 = arith.addf %logistic3A_52, %logistic3A_50 : vector<2000x256xf32>
    %logistic3A_54 = arith.divf %logistic3A_52, %logistic3A_53 : vector<2000x256xf32>
    %get3A_55 = arith.constant 0 : index
    %get3A_56 = arith.constant 0 : index
    %get3A_57 = vector.load %arg9[%get3A_55, %get3A_56] : memref<256x256xf32, #tpu.memory_space<vmem>>, vector<256x256xf32>
    %dot_general3A_58 = arith.constant dense<0.000000e+00> : vector<2000x256xf32>
    %dot_general3A_59 = tpu.matmul %logistic3A_54, %get3A_57, %dot_general3A_58 {dimension_numbers = #tpu.dot_dimension_numbers<[1], [0], [0], [1], [0, 0, 1, 1], [], []>, transpose_lhs_hint = false} : vector<2000x256xf32>, vector<256x256xf32>, vector<2000x256xf32> -> vector<2000x256xf32>
    %slice3A_60 = vector.extract_strided_slice %dot_general3A_59 {offsets = [0, 0], sizes = [2000, 128], strides = [1, 1]} : vector<2000x256xf32> to vector<2000x128xf32>
    %swap3A_61 = arith.constant 0 : index
    %swap3A_62 = arith.constant 0 : index
    %swap3A_63 = arith.constant 0 : index
    %swap3A_64 = vector.load %arg11[%swap3A_61, %swap3A_62, %swap3A_63] : memref<2x2000x128xf32, #tpu.memory_space<vmem>>, vector<1x2000x128xf32>
    %swap3A_65 = vector.shape_cast %swap3A_64 : vector<1x2000x128xf32> to vector<2000x128xf32>
    %swap3A_66 = vector.shape_cast %slice3A_60 : vector<2000x128xf32> to vector<1x2000x128xf32>
    tpu.vector_store %arg11[%swap3A_61, %swap3A_62, %swap3A_63], %swap3A_66 {strides = array<i32>} : memref<2x2000x128xf32, #tpu.memory_space<vmem>>, vector<1x2000x128xf32>,
    %slice3A_67 = vector.extract_strided_slice %dot_general3A_59 {offsets = [0, 128], sizes = [2000, 128], strides = [1, 1]} : vector<2000x256xf32> to vector<2000x128xf32>
    %swap3A_68 = arith.constant 1 : index
    %swap3A_69 = arith.constant 0 : index
    %swap3A_70 = arith.constant 0 : index
    %swap3A_71 = vector.load %arg11[%swap3A_68, %swap3A_69, %swap3A_70] : memref<2x2000x128xf32, #tpu.memory_space<vmem>>, vector<1x2000x128xf32>
    %swap3A_72 = vector.shape_cast %swap3A_71 : vector<1x2000x128xf32> to vector<2000x128xf32>
    %swap3A_73 = vector.shape_cast %slice3A_67 : vector<2000x128xf32> to vector<1x2000x128xf32>
    tpu.vector_store %arg11[%swap3A_68, %swap3A_69, %swap3A_70], %swap3A_73 {strides = array<i32>} : memref<2x2000x128xf32, #tpu.memory_space<vmem>>, vector<1x2000x128xf32>,
    return
  }
  func.func @transform_0(%arg0: i32) -> (i32, i32) {
    %c0_i32 = arith.constant 0 : i32
    %c0_i32_0 = arith.constant 0 : i32
    return %arg0, %c0_i32 : i32, i32
  }
  func.func @transform_1(%arg0: i32) -> (i32, i32) {
    %c0_i32 = arith.constant 0 : i32
    %c0_i32_0 = arith.constant 0 : i32
    return %arg0, %c0_i32 : i32, i32
  }
  func.func @transform_2(%arg0: i32) -> (i32, i32) {
    %c0_i32 = arith.constant 0 : i32
    %c0_i32_0 = arith.constant 0 : i32
    %c0_i32_1 = arith.constant 0 : i32
    return %c0_i32, %c0_i32_0 : i32, i32
  }
  func.func @transform_3(%arg0: i32) -> (i32, i32) {
    %c0_i32 = arith.constant 0 : i32
    %c0_i32_0 = arith.constant 0 : i32
    %c0_i32_1 = arith.constant 0 : i32
    return %c0_i32, %c0_i32_0 : i32, i32
  }
  func.func @transform_4(%arg0: i32) -> (i32, i32) {
    %c0_i32 = arith.constant 0 : i32
    %c0_i32_0 = arith.constant 0 : i32
    %c0_i32_1 = arith.constant 0 : i32
    return %c0_i32, %c0_i32_0 : i32, i32
  }
  func.func @transform_5(%arg0: i32) -> (i32, i32) {
    %c0_i32 = arith.constant 0 : i32
    %c0_i32_0 = arith.constant 0 : i32
    %c0_i32_1 = arith.constant 0 : i32
    return %c0_i32, %c0_i32_0 : i32, i32
  }
  func.func @transform_6(%arg0: i32) -> (i32, i32) {
    %c0_i32 = arith.constant 0 : i32
    %c0_i32_0 = arith.constant 0 : i32
    %c0_i32_1 = arith.constant 0 : i32
    return %c0_i32, %c0_i32_0 : i32, i32
  }
  func.func @transform_7(%arg0: i32) -> (i32, i32) {
    %c0_i32 = arith.constant 0 : i32
    %c0_i32_0 = arith.constant 0 : i32
    %c0_i32_1 = arith.constant 0 : i32
    return %c0_i32, %c0_i32_0 : i32, i32
  }
  func.func @transform_8(%arg0: i32) -> (i32, i32) {
    %c0_i32 = arith.constant 0 : i32
    %c0_i32_0 = arith.constant 0 : i32
    %c0_i32_1 = arith.constant 0 : i32
    return %c0_i32, %c0_i32_0 : i32, i32
  }
  func.func @transform_9(%arg0: i32) -> (i32, i32) {
    %c0_i32 = arith.constant 0 : i32
    %c0_i32_0 = arith.constant 0 : i32
    return %arg0, %c0_i32 : i32, i32
  }
  func.func @transform_10(%arg0: i32) -> (i32, i32, i32) {
    %c0_i32 = arith.constant 0 : i32
    %c0_i32_0 = arith.constant 0 : i32
    %c0_i32_1 = arith.constant 0 : i32
    return %c0_i32, %arg0, %c0_i32_0 : i32, i32, i32
  }
}

module attributes {stable_mosaic.version = 14 : i64} {
  func.func @_node1_body(%arg0: i32, %arg1: memref<1000x256xf32, #tpu.memory_space<vmem>>, %arg2: memref<4x1000x128xf32, #tpu.memory_space<vmem>>, %arg3: memref<1000x256xf32, #tpu.memory_space<vmem>>, %arg4: memref<8x256xf32, #tpu.memory_space<vmem>>) attributes {dimension_semantics = [#tpu.dimension_semantics<arbitrary>], iteration_bounds = array<i64: 10>, scalar_prefetch = 0 : i64, scratch_operands = 0 : i64, tpu.core_type = #tpu.core_type<tc>, window_params = [{transform_indices = @transform_0, window_bounds = array<i64: 1000, 256>}, {transform_indices = @transform_1, window_bounds = array<i64: 4, 1000, 128>}, {transform_indices = @transform_2, window_bounds = array<i64: 1000, 256>}, {pipeline_mode = #tpu.pipeline_mode<synchronous>, transform_indices = @transform_3, window_bounds = array<i64: 8, 256>}]} {
    %get3A = arith.constant 0 : index
    %get3A_0 = arith.constant 0 : index
    %get3A_1 = arith.constant 0 : index
    %get3A_2 = vector.load %arg2[%get3A, %get3A_0, %get3A_1] : memref<4x1000x128xf32, #tpu.memory_space<vmem>>, vector<1x1000x128xf32>
    %get3A_3 = vector.shape_cast %get3A_2 : vector<1x1000x128xf32> to vector<1000x128xf32>
    %get3A_4 = arith.constant 1 : index
    %get3A_5 = arith.constant 0 : index
    %get3A_6 = arith.constant 0 : index
    %get3A_7 = vector.load %arg2[%get3A_4, %get3A_5, %get3A_6] : memref<4x1000x128xf32, #tpu.memory_space<vmem>>, vector<1x1000x128xf32>
    %get3A_8 = vector.shape_cast %get3A_7 : vector<1x1000x128xf32> to vector<1000x128xf32>
    %concatenate3A = tpu.concatenate %get3A_3, %get3A_8 in 1 : vector<1000x128xf32>, vector<1000x128xf32> -> vector<1000x256xf32>
    %get3A_9 = arith.constant 2 : index
    %get3A_10 = arith.constant 0 : index
    %get3A_11 = arith.constant 0 : index
    %get3A_12 = vector.load %arg2[%get3A_9, %get3A_10, %get3A_11] : memref<4x1000x128xf32, #tpu.memory_space<vmem>>, vector<1x1000x128xf32>
    %get3A_13 = vector.shape_cast %get3A_12 : vector<1x1000x128xf32> to vector<1000x128xf32>
    %get3A_14 = arith.constant 3 : index
    %get3A_15 = arith.constant 0 : index
    %get3A_16 = arith.constant 0 : index
    %get3A_17 = vector.load %arg2[%get3A_14, %get3A_15, %get3A_16] : memref<4x1000x128xf32, #tpu.memory_space<vmem>>, vector<1x1000x128xf32>
    %get3A_18 = vector.shape_cast %get3A_17 : vector<1x1000x128xf32> to vector<1000x128xf32>
    %concatenate3A_19 = tpu.concatenate %get3A_13, %get3A_18 in 1 : vector<1000x128xf32>, vector<1000x128xf32> -> vector<1000x256xf32>
    %get3A_20 = arith.constant 0 : index
    %get3A_21 = arith.constant 0 : index
    %get3A_22 = vector.load %arg1[%get3A_20, %get3A_21] : memref<1000x256xf32, #tpu.memory_space<vmem>>, vector<1000x256xf32>
    %add3A = arith.constant 9.99999974E-6 : f32
    %add3A_23 = vector.broadcast %add3A : f32 to vector<1000x256xf32>
    %add3A_24 = arith.addf %concatenate3A_19, %add3A_23 : vector<1000x256xf32>
    %div3A = arith.divf %concatenate3A, %add3A_24 : vector<1000x256xf32>
    %add3A_25 = arith.addf %get3A_22, %div3A : vector<1000x256xf32>
    %swap3A = arith.constant 0 : index
    %swap3A_26 = arith.constant 0 : index
    %swap3A_27 = vector.load %arg3[%swap3A, %swap3A_26] : memref<1000x256xf32, #tpu.memory_space<vmem>>, vector<1000x256xf32>
    tpu.vector_store %arg3[%swap3A, %swap3A_26], %add3A_25 {strides = array<i32>} : memref<1000x256xf32, #tpu.memory_space<vmem>>, vector<1000x256xf32>,
    %eq3A = arith.constant 0 : i32
    %eq3A_28 = arith.cmpi eq, %arg0, %eq3A : i32
    %convert_element_type3A = arith.extui %eq3A_28 : i1 to i32
    %cond3A = arith.constant 0 : i32
    %cond3A_29 = arith.cmpi ne, %convert_element_type3A, %cond3A : i32
    scf.if %cond3A_29 {
      %broadcast_in_dim3A_48 = arith.constant 0.000000e+00 : f32
      %broadcast_in_dim3A_49 = vector.broadcast %broadcast_in_dim3A_48 : f32 to vector<8x256xf32>
      %swap3A_50 = arith.constant 0 : index
      %swap3A_51 = arith.constant 0 : index
      %swap3A_52 = vector.load %arg4[%swap3A_50, %swap3A_51] : memref<8x256xf32, #tpu.memory_space<vmem>>, vector<8x256xf32>
      tpu.vector_store %arg4[%swap3A_50, %swap3A_51], %broadcast_in_dim3A_49 {strides = array<i32>} : memref<8x256xf32, #tpu.memory_space<vmem>>, vector<8x256xf32>,
    } else {
    }
    %get3A_30 = arith.constant 0 : index
    %get3A_31 = arith.constant 0 : index
    %get3A_32 = vector.load %arg4[%get3A_30, %get3A_31] : memref<8x256xf32, #tpu.memory_space<vmem>>, vector<1x256xf32>
    %reduce_sum3A = arith.constant dense<0.000000e+00> : vector<256xf32>
    %reduce_sum3A_33 = vector.multi_reduction <add>, %add3A_25, %reduce_sum3A [0] : vector<1000x256xf32> to vector<256xf32>
    %broadcast_in_dim3A = vector.shape_cast %reduce_sum3A_33 : vector<256xf32> to vector<1x256xf32>
    %add3A_34 = arith.addf %get3A_32, %broadcast_in_dim3A : vector<1x256xf32>
    %swap3A_35 = arith.constant 0 : index
    %swap3A_36 = arith.constant 0 : index
    %swap3A_37 = vector.load %arg4[%swap3A_35, %swap3A_36] : memref<8x256xf32, #tpu.memory_space<vmem>>, vector<1x256xf32>
    tpu.vector_store %arg4[%swap3A_35, %swap3A_36], %add3A_34 {strides = array<i32>} : memref<8x256xf32, #tpu.memory_space<vmem>>, vector<1x256xf32>,
    %get3A_38 = arith.constant 1 : index
    %get3A_39 = arith.constant 0 : index
    %get3A_40 = vector.load %arg4[%get3A_38, %get3A_39] : memref<8x256xf32, #tpu.memory_space<vmem>>, vector<1x256xf32>
    %mul3A = arith.mulf %add3A_25, %add3A_25 : vector<1000x256xf32>
    %reduce_sum3A_41 = arith.constant dense<0.000000e+00> : vector<256xf32>
    %reduce_sum3A_42 = vector.multi_reduction <add>, %mul3A, %reduce_sum3A_41 [0] : vector<1000x256xf32> to vector<256xf32>
    %broadcast_in_dim3A_43 = vector.shape_cast %reduce_sum3A_42 : vector<256xf32> to vector<1x256xf32>
    %add3A_44 = arith.addf %get3A_40, %broadcast_in_dim3A_43 : vector<1x256xf32>
    %swap3A_45 = arith.constant 1 : index
    %swap3A_46 = arith.constant 0 : index
    %swap3A_47 = vector.load %arg4[%swap3A_45, %swap3A_46] : memref<8x256xf32, #tpu.memory_space<vmem>>, vector<1x256xf32>
    tpu.vector_store %arg4[%swap3A_45, %swap3A_46], %add3A_44 {strides = array<i32>} : memref<8x256xf32, #tpu.memory_space<vmem>>, vector<1x256xf32>,
    return
  }
  func.func @transform_0(%arg0: i32) -> (i32, i32) {
    %c0_i32 = arith.constant 0 : i32
    %c0_i32_0 = arith.constant 0 : i32
    return %arg0, %c0_i32 : i32, i32
  }
  func.func @transform_1(%arg0: i32) -> (i32, i32, i32) {
    %c0_i32 = arith.constant 0 : i32
    %c0_i32_0 = arith.constant 0 : i32
    %c0_i32_1 = arith.constant 0 : i32
    return %c0_i32, %arg0, %c0_i32_0 : i32, i32, i32
  }
  func.func @transform_2(%arg0: i32) -> (i32, i32) {
    %c0_i32 = arith.constant 0 : i32
    %c0_i32_0 = arith.constant 0 : i32
    return %arg0, %c0_i32 : i32, i32
  }
  func.func @transform_3(%arg0: i32) -> (i32, i32) {
    %c0_i32 = arith.constant 0 : i32
    %c0_i32_0 = arith.constant 0 : i32
    %c0_i32_1 = arith.constant 0 : i32
    return %c0_i32, %c0_i32_0 : i32, i32
  }
}

module attributes {stable_mosaic.version = 14 : i64} {
  func.func @_node2_body(%arg0: i32, %arg1: memref<1000x256xf32, #tpu.memory_space<vmem>>, %arg2: memref<1000x256xf32, #tpu.memory_space<vmem>>, %arg3: memref<8x256xf32, #tpu.memory_space<vmem>>, %arg4: memref<1x256xf32, #tpu.memory_space<vmem>>, %arg5: memref<1x256xf32, #tpu.memory_space<vmem>>, %arg6: memref<1000x256xf32, #tpu.memory_space<vmem>>) attributes {dimension_semantics = [#tpu.dimension_semantics<arbitrary>], iteration_bounds = array<i64: 10>, scalar_prefetch = 0 : i64, scratch_operands = 0 : i64, tpu.core_type = #tpu.core_type<tc>, window_params = [{transform_indices = @transform_0, window_bounds = array<i64: 1000, 256>}, {transform_indices = @transform_1, window_bounds = array<i64: 1000, 256>}, {pipeline_mode = #tpu.pipeline_mode<synchronous>, transform_indices = @transform_2, window_bounds = array<i64: 8, 256>}, {pipeline_mode = #tpu.pipeline_mode<synchronous>, transform_indices = @transform_3, window_bounds = array<i64: 1, 256>}, {pipeline_mode = #tpu.pipeline_mode<synchronous>, transform_indices = @transform_4, window_bounds = array<i64: 1, 256>}, {transform_indices = @transform_5, window_bounds = array<i64: 1000, 256>}]} {
    %get3A = arith.constant 0 : index
    %get3A_0 = arith.constant 0 : index
    %get3A_1 = vector.load %arg3[%get3A, %get3A_0] : memref<8x256xf32, #tpu.memory_space<vmem>>, vector<1x256xf32>
    %mul3A = arith.constant 9.99999974E-5 : f32
    %mul3A_2 = vector.broadcast %mul3A : f32 to vector<1x256xf32>
    %mul3A_3 = arith.mulf %get3A_1, %mul3A_2 : vector<1x256xf32>
    %get3A_4 = arith.constant 1 : index
    %get3A_5 = arith.constant 0 : index
    %get3A_6 = vector.load %arg3[%get3A_4, %get3A_5] : memref<8x256xf32, #tpu.memory_space<vmem>>, vector<1x256xf32>
    %mul3A_7 = arith.constant 9.99999974E-5 : f32
    %mul3A_8 = vector.broadcast %mul3A_7 : f32 to vector<1x256xf32>
    %mul3A_9 = arith.mulf %get3A_6, %mul3A_8 : vector<1x256xf32>
    %mul3A_10 = arith.mulf %mul3A_3, %mul3A_3 : vector<1x256xf32>
    %sub3A = arith.subf %mul3A_9, %mul3A_10 : vector<1x256xf32>
    %add3A = arith.constant 9.99999974E-6 : f32
    %add3A_11 = vector.broadcast %add3A : f32 to vector<1x256xf32>
    %add3A_12 = arith.addf %sub3A, %add3A_11 : vector<1x256xf32>
    %rsqrt3A = math.rsqrt %add3A_12 : vector<1x256xf32>
    %get3A_13 = arith.constant 0 : index
    %get3A_14 = arith.constant 0 : index
    %get3A_15 = vector.load %arg1[%get3A_13, %get3A_14] : memref<1000x256xf32, #tpu.memory_space<vmem>>, vector<1000x256xf32>
    %sub3A_16 = vector.broadcast %mul3A_3 : vector<1x256xf32> to vector<1000x256xf32>
    %sub3A_17 = arith.subf %get3A_15, %sub3A_16 : vector<1000x256xf32>
    %get3A_18 = arith.constant 0 : index
    %get3A_19 = arith.constant 0 : index
    %get3A_20 = vector.load %arg4[%get3A_18, %get3A_19] : memref<1x256xf32, #tpu.memory_space<vmem>>, vector<1x256xf32>
    %mul3A_21 = arith.mulf %rsqrt3A, %get3A_20 : vector<1x256xf32>
    %mul3A_22 = vector.broadcast %mul3A_21 : vector<1x256xf32> to vector<1000x256xf32>
    %mul3A_23 = arith.mulf %sub3A_17, %mul3A_22 : vector<1000x256xf32>
    %get3A_24 = arith.constant 0 : index
    %get3A_25 = arith.constant 0 : index
    %get3A_26 = vector.load %arg5[%get3A_24, %get3A_25] : memref<1x256xf32, #tpu.memory_space<vmem>>, vector<1x256xf32>
    %add3A_27 = vector.broadcast %get3A_26 : vector<1x256xf32> to vector<1000x256xf32>
    %add3A_28 = arith.addf %mul3A_23, %add3A_27 : vector<1000x256xf32>
    %get3A_29 = arith.constant 0 : index
    %get3A_30 = arith.constant 0 : index
    %get3A_31 = vector.load %arg2[%get3A_29, %get3A_30] : memref<1000x256xf32, #tpu.memory_space<vmem>>, vector<1000x256xf32>
    %max3A = arith.constant 0.000000e+00 : f32
    %max3A_32 = vector.broadcast %max3A : f32 to vector<1000x256xf32>
    %max3A_33 = arith.maximumf %add3A_28, %max3A_32 : vector<1000x256xf32>
    %add3A_34 = arith.addf %get3A_31, %max3A_33 : vector<1000x256xf32>
    %swap3A = arith.constant 0 : index
    %swap3A_35 = arith.constant 0 : index
    %swap3A_36 = vector.load %arg6[%swap3A, %swap3A_35] : memref<1000x256xf32, #tpu.memory_space<vmem>>, vector<1000x256xf32>
    tpu.vector_store %arg6[%swap3A, %swap3A_35], %add3A_34 {strides = array<i32>} : memref<1000x256xf32, #tpu.memory_space<vmem>>, vector<1000x256xf32>,
    return
  }
  func.func @transform_0(%arg0: i32) -> (i32, i32) {
    %c0_i32 = arith.constant 0 : i32
    %c0_i32_0 = arith.constant 0 : i32
    return %arg0, %c0_i32 : i32, i32
  }
  func.func @transform_1(%arg0: i32) -> (i32, i32) {
    %c0_i32 = arith.constant 0 : i32
    %c0_i32_0 = arith.constant 0 : i32
    return %arg0, %c0_i32 : i32, i32
  }
  func.func @transform_2(%arg0: i32) -> (i32, i32) {
    %c0_i32 = arith.constant 0 : i32
    %c0_i32_0 = arith.constant 0 : i32
    %c0_i32_1 = arith.constant 0 : i32
    return %c0_i32, %c0_i32_0 : i32, i32
  }
  func.func @transform_3(%arg0: i32) -> (i32, i32) {
    %c0_i32 = arith.constant 0 : i32
    %c0_i32_0 = arith.constant 0 : i32
    %c0_i32_1 = arith.constant 0 : i32
    return %c0_i32, %c0_i32_0 : i32, i32
  }
  func.func @transform_4(%arg0: i32) -> (i32, i32) {
    %c0_i32 = arith.constant 0 : i32
    %c0_i32_0 = arith.constant 0 : i32
    %c0_i32_1 = arith.constant 0 : i32
    return %c0_i32, %c0_i32_0 : i32, i32
  }
  func.func @transform_5(%arg0: i32) -> (i32, i32) {
    %c0_i32 = arith.constant 0 : i32
    %c0_i32_0 = arith.constant 0 : i32
    return %arg0, %c0_i32 : i32, i32
  }
}

</mosaic_0001>

<sc_bundles>
// kernel: kernel.12.cloned.1.call-start
scs
__scs_entry_jumppad:
0x0: {  	(pc) =	sbr.rel $0x88, $3  }
0x1: {  	(tag) =	ssettag $0x0;
	lr =	simm.s32 $0x1  }
0x2: {  	[smem:$0x3F8D] =	sst lr;
	_ =	strace $0xD0000000  }
0x3: {  	_ = 	snop  }
0x4: {  	_ = 	snop  }
0x5: {  	_ = 	snop  }
0x6: {  	_ = 	snop  }
0x7: {  	_ = 	snop  }
__scs_overlays_trampoline_lowered:
0x8: {  	[smem:$0x3F9C] =	sst s0  }
0x9: {  	[smem:$0x3F9D] =	sst s1  }
0xa: {  	[smem:$0x3F9E] =	sst s2  }
0xb: {  	[smem:$0x3F9F] =	sst s3  }
0xc: {  	[smem:$0x3FA0] =	sst s4  }
0xd: {  	[smem:$0x3FA1] =	sst s5  }
0xe: {  	[smem:$0x3FA2] =	sst s6  }
0xf: {  	[smem:$0x3FA3] =	sst s7  }
0x10: {  	[smem:$0x3FA4] =	sst s8  }
0x11: {  	[smem:$0x3FA5] =	sst s9;
	s0 =	simm.s32 @!p0 $0x0  }
0x12: {  	s1 =	sld [smem:$0x3F8B];
	s0 =	simm.s32 @p0 $0x1  }
0x13: {  	[smem:$0x3FA6] =	sst s0;
	s0 =	simm.s32 @!p1 $0x0  }
0x14: {  	s2 =	sld [smem:$0x3F8A];
	s0 =	simm.s32 @p1 $0x1  }
0x15: {  	[smem:$0x3FA7] =	sst s0;
	s0 =	simm.s32 @!p2 $0x0  }
0x16: {  	s3 =	sld [smem:$0x3FDB];
	s0 =	simm.s32 @p2 $0x1  }
0x17: {  	s4 =	simm.s32 $0x1BF5;
	[smem:$0x3FA9] =	sst s0  }
0x18: {  	s0 =	sld [smem:$0x3F8C];
	_ =	swait.ge [sflag:s4], $0x0  }
0x19: {  	s7 =	sld [smem:$0x3F8D]  }
0x1a: {  	s8 =	sadd.s32 $0xFFFFE003, lr  }
0x1b: {  	s9 =	sadd.s32 $0xFFFFFEF7, lr;
	s5 =	simm.s32 $0xFFFFFFFF;
	p2 =	slt.u32 s8, $0xFFFFF086  }
0x1c: {  	p1 =	slt.u32 s9, $0xF7A;
	s5 =	simm.s32 @!p2 $0x0  }
0x1d: {  	s5 =	simm.s32 @p1 $0x1;
	p0 =	seq.s32 s7, s2  }
0x1e: {  	s7 =	smul.u32 @!p0 $0xF7A, s2;
	p2 =	seq.s32 @!p0 s5, $0x0  }
0x1f: {  	s9 =	smul.u32 $0xF7A, s1;
	s8 =	simm.s32 @!p0 $0x1BF5;
	p2 =	por !p2, p0  }
0x20: {  	[sflag:s8] =	ssyncset.s32 @!p0 $0xFFFFF086;
	s6 =	sadd.s32 @!p0 s3, s7;
	s7 =	simm.s32 @!p0 $0x108  }
0x21: {  	s3 =	sadd.s32 s3, s9;
	s6 =	sadd.s32 @!p0 $0x88, s6;
	s7 =	simm.s32 @p2 $0x1082  }
0x22: {  	[simem:s7], [sflag:s8] =	dma.local @!p0 [hbm:s6], $0xF7A  }
0x23: {  	s9 =	sor.u32 $0xD0000000, s2;
	s6 =	simm.s32 $0x108;
	_ =	swait.ge @!p0 [sflag:s8], $0x0  }
0x24: {  	s3 =	sadd.s32 $0x88, s3;
	s6 =	simm.s32 @!p1 $0x1082;
	[sflag:s4] =	ssyncset.s32 $0xFFFFF086  }
0x25: {  	[simem:s6], [sflag:s4] =	dma.local [hbm:s3], $0xF7A  }
0x26: {  	[smem:$0x3F8D] =	sst s1;
	(tag) =	ssettag s2;
	_ =	strace s9  }
0x27: {  	s1 =	sld [smem:$0x3F9D]  }
0x28: {  	s2 =	sld [smem:$0x3F9E]  }
0x29: {  	s4 =	sld [smem:$0x3FA0]  }
0x2a: {  	p0 =	seq.s32 s5, $0x0;
	s5 =	sld [smem:$0x3FA1]  }
0x2b: {  	s6 =	sld [smem:$0x3FA2]  }
0x2c: {  	s7 =	sld [smem:$0x3FA3]  }
0x2d: {  	s3 =	simm.s32 $0x108;
	s8 =	sld [smem:$0x3FA4]  }
0x2e: {  	s3 =	simm.s32 @!p0 $0x1082;
	s9 =	sld [smem:$0x3FA5]  }
0x2f: {  	lr =	sadd.s32 s0, s3;
	s0 =	sld [smem:$0x3F9C]  }
0x30: {  	s3 =	sld [smem:$0x3F9F]  }
0x31: {  	[smem:$0x3FA8] =	sst s10  }
0x32: {  	s10 =	sld [smem:$0x3FA6];
	_ =	sdelay $0x3  }
0x33: {  	p0 =	seq.s32 s10, $0x1;
	s10 =	sld [smem:$0x3FA8];
	_ =	sdelay $0x3  }
0x34: {  	[smem:$0x3FA8] =	sst s10  }
0x35: {  	s10 =	sld [smem:$0x3FA7];
	_ =	sdelay $0x3  }
0x36: {  	p1 =	seq.s32 s10, $0x1;
	s10 =	sld [smem:$0x3FA8];
	_ =	sdelay $0x3  }
0x37: {  	[smem:$0x3FA8] =	sst s10  }
0x38: {  	s10 =	sld [smem:$0x3FA9]  }
0x39: {  	_ = 	snop;
	(pc) =	sbr.ind lr, $3  }
0x3a: {  	_ = 	snop  }
0x3b: {  	_ = 	snop  }
0x3c: {  	p2 =	seq.s32 s10, $0x1;
	s10 =	sld [smem:$0x3FA8]  }
0x3d: {  	_ =	shalt  }
0x3e: {  	_ =	shalt  }
0x3f: {  	_ =	shalt  }
0x40: {  	_ =	shalt  }
0x41: {  	_ =	shalt  }
0x42: {  	_ =	shalt  }
0x43: {  	_ =	shalt  }
0x44: {  	_ =	shalt  }
0x45: {  	_ =	shalt  }
0x46: {  	_ =	shalt  }
0x47: {  	_ =	shalt  }
0x48: {  	_ =	shalt  }
0x49: {  	_ =	shalt  }
0x4a: {  	_ =	shalt  }
0x4b: {  	_ =	shalt  }
0x4c: {  	_ =	shalt  }
0x4d: {  	_ =	shalt  }
0x4e: {  	_ =	shalt  }
0x4f: {  	_ =	shalt  }
0x50: {  	_ =	shalt  }
0x51: {  	_ =	shalt  }
0x52: {  	_ =	shalt  }
0x53: {  	_ =	shalt  }
0x54: {  	_ =	shalt  }
0x55: {  	_ =	shalt  }
0x56: {  	_ =	shalt  }
0x57: {  	_ =	shalt  }
0x58: {  	_ =	shalt  }
0x59: {  	_ =	shalt  }
0x5a: {  	_ =	shalt  }
0x5b: {  	_ =	shalt  }
0x5c: {  	_ =	shalt  }
0x5d: {  	_ =	shalt  }
0x5e: {  	_ =	shalt  }
0x5f: {  	_ =	shalt  }
0x60: {  	_ =	shalt  }
0x61: {  	_ =	shalt  }
0x62: {  	_ =	shalt  }
0x63: {  	_ =	shalt  }
0x64: {  	_ =	shalt  }
0x65: {  	_ =	shalt  }
0x66: {  	_ =	shalt  }
0x67: {  	_ =	shalt  }
0x68: {  	_ =	shalt  }
0x69: {  	_ =	shalt  }
0x6a: {  	_ =	shalt  }
0x6b: {  	_ =	shalt  }
0x6c: {  	_ =	shalt  }
0x6d: {  	_ =	shalt  }
0x6e: {  	_ =	shalt  }
0x6f: {  	_ =	shalt  }
0x70: {  	_ =	shalt  }
0x71: {  	_ =	shalt  }
0x72: {  	_ =	shalt  }
0x73: {  	_ =	shalt  }
0x74: {  	_ =	shalt  }
0x75: {  	_ =	shalt  }
0x76: {  	_ =	shalt  }
0x77: {  	_ =	shalt  }
0x78: {  	_ =	shalt  }
0x79: {  	_ =	shalt  }
0x7a: {  	_ =	shalt  }
0x7b: {  	_ =	shalt  }
0x7c: {  	_ =	shalt  }
0x7d: {  	_ =	shalt  }
0x7e: {  	_ =	shalt  }
0x7f: {  	_ =	shalt  }
0x80: {  	_ =	shalt  }
0x81: {  	_ =	shalt  }
0x82: {  	_ =	shalt  }
0x83: {  	_ =	shalt  }
0x84: {  	_ =	shalt  }
0x85: {  	_ =	shalt  }
0x86: {  	_ =	shalt  }
0x87: {  	_ =	shalt  }
.Lfunc_end0:
.L_simem_size_0:
called_computation.1_lowered:
.L_overlay_start_0:
0x88: {  	s2 =	sld [smem:$0x3FD9]  }
0x89: {  	s3 =	sld [smem:$0x3FFE];
	_ =	sdelay $0x1  }
0x8a: {  	s1 =	srdreg.scid  }
0x8b: {  	s0 =	sand.u32 $0x1, s1  }
0x8c: {  	s16 =	sshll.u32 s0, $0xA;
	s2 =	sadd.s32 s3, s2  }
0x8d: {  	s2 =	sadd.s32 s2, s16  }
0x8e: {  	[smem:$0x3FB4] =	sst s2  }
0x8f: {  	_ = 	snop  }
0x90: {  	(tm) =	ssettm $0x1  }
0x91: {  	s17 =	sld [smem:$0x3FFB];
	_ =	sdelay $0x3  }
0x92: {  	_ =	strace s17  }
0x93: {  	s2 =	sld [smem:$0x3FFC];
	_ =	sdelay $0x3  }
0x94: {  	_ =	strace s2  }
0x95: {  	s2 =	sld [smem:$0x3FFD];
	_ =	sdelay $0x3  }
0x96: {  	_ =	strace s2  }
0x97: {  	_ =	strace $0x8FFFFFFF  }
0x98: {  	s18 =	sld [smem:$0x3FDB];
	_ =	sdelay $0x1  }
0x99: {  	s19 =	simm.s32 $_scs_section_size  }
0x9a: {  	s4 =	simm.s32 $_size__tile_overlayer_lowered;
	s5 =	simm.s32 $_tile_overlayer_lowered  }
0x9b: {  	s22 =	simm.s32 $0x1BFF;
	s21 =	sshll.u32 s5, $0x1;
	s2 =	sadd.s32 s19, s18  }
0x9c: {  	s6 =	simm.s32 $0x0;
	s20 =	sshll.u32 s4, $0x1;
	s4 =	sadd.s32 s21, s2  }
0x9d: {  	[timem:s6], [sflag:s22] =	dma.local [hbm:s4], s20  }
0x9e: {  	_ =	swait.ge [sflag:s22], s20  }
0x9f: {  	s3 =	ssub.s32 $0x0, s20;
	[sflag:s22] =	ssyncset.done $0x0  }
0xa0: {  	[sflag:s22] =	ssyncadd.s32 s3;
	_ =	sdelay $0x1  }
0xa1: {  	s23 =	simm.s32 $0x1B8B  }
0xa2: {  	_ =	swait.ge [sflag:s23], $0x1  }
0xa3: {  	[sflag:s23] =	ssyncset.done $0x0  }
0xa4: {  	s25 =	simm.s32 $0x1B8E;
	s24 =	sld [smem:$0x3FFE];
	[sflag:s23] =	ssyncadd.s32 $0xFFFFFFFF  }
0xa5: {  	s26 =	simm.s32 $execute0_lowered;
	[smem:$0x3FD2] =	sst s25  }
0xa6: {  	s4 =	sshll.u32 s26, $0x1;
	_ =	strace $0x80000049;
	[dreg:$0x1] =	wrdreg $0xFFFFFFFF  }
0xa7: {  	s28 =	simm.s32 $_size_execute0_lowered;
	s2 =	sadd.s32 s2, s4;
	[dreg:$0x0] =	wrdreg $0x0  }
0xa8: {  	s4 =	sshll.u32 s28, $0x1;
	[dreg:$0x2] =	wrdreg s2  }
0xa9: {  	[dreg:$0x3] =	wrdreg s4  }
0xaa: {  	[dreg:$0x4] =	wrdreg $0xC0  }
0xab: {  	_ =	task [dreg:s6], $0x5FFFF  }
0xac: {  	[dreg:$0x1] =	wrdreg $0xFFFFFFFF  }
0xad: {  	[dreg:$0x0] =	wrdreg $0x60  }
0xae: {  	[dreg:$0x2] =	wrdreg s24  }
0xaf: {  	[dreg:$0x3] =	wrdreg $0xA4000  }
0xb0: {  	[dreg:$0x4] =	wrdreg $0x9  }
0xb1: {  	_ =	task.clear_ibuf [dreg:s6], $0x5FFFF;
	_ =	strace $0x90000049  }
0xb2: {  	s29 =	simm.s32 $0x9;
	_ =	strace $0x8000004B  }
0xb3: {  	_ =	swait.ge [sflag:s29], $0x1  }
0xb4: {  	[sflag:s29] =	ssyncadd.s32 $0xFFFFFFFF  }
0xb5: {  	_ =	strace $0x9000004B  }
0xb6: {  	_ =	sfence  }
0xb7: {  	s30 =	sld [smem:$0x0];
	_ =	sdelay $0x2  }
0xb8: {  	s31 =	sshll.u32 s1, $0xD;
	s1 =	sshrl.u32 s1, $0x2  }
0xb9: {  	s3 =	sand.u32 $0x4000, s31;
	s1 =	sadd.s32 s1, s30  }
0xba: {  	s0 =	sor.u32 s3, s0;
	s1 =	sshll.u32 s1, $0x11  }
0xbb: {  	s0 =	sor.u32 s1, s0  }
0xbc: {  	s0 =	sadd.s32 $0x8F2B, s0  }
0xbd: {  	[sflag:s0] =	ssyncadd.remote.s32 $0x1  }
0xbe: {  	_ =	sfence.sel $0xFFFF  }
0xbf: {  	[dreg:$0x0] =	wrdreg $0xFFFFFFFF;
	(pc) =	sbr.abs _section_cstart, $3  }
0xc0: {  	[dreg:$0x1] =	wrdreg $0xFFFFFFFF  }
0xc1: {  	_ =	task.clear_ibuf [dreg:s6], $0x2FFFF;
	_ =	strace $0x9FFFFFFF  }
0xc2: {  	(tm) =	ssettm $0x7FFFFFFF  }
0xc3: {  	_ =	shalt  }
tec
execute0_lowered:
.L_overlay_start_1:
0x0: {  	(tag) =	ssettag $0x1  }
0x1: {  	s0 =	rddreg [dreg:$0x0]  }
0x2: {  	s2 =	rddreg [dreg:$0x1]  }
0x3: {  	s3 =	simm.s32 $0x0;
	s1 =	srdreg.scid;
	s13 =	stileid.u32  }
0x4: {  	s30 =	simm.s32 $0x50;
	s28 =	simm.s32 $0x280;
	s31 =	simm.s32 $0x7C00  }
0x5: {  	[smem:$0x7FF] =	sst s3;
	s8 =	smul.u32 $0x13C00, s13;
	s4 =	sadd.s32 $0x165C00, s0  }
0x6: {  	s1 =	sand.u32 $0x1, s1;
	s5 =	sadd.s32 $0x16DC00, s0;
	s6 =	sadd.s32 $0x3E6C00, s0  }
0x7: {  	s7 =	sadd.s32 $0x3400, s0;
	s10 =	smul.u32 $0x4F000, s13;
	s24 =	sadd.s32 $0x13BC00, s0  }
0x8: {  	s18 =	sshll.u32 s13, $0x6;
	s19 =	sshll.u32 s13, $0xB;
	s20 =	smul.u32 $0x138800, s13  }
0x9: {  	s12 =	sshll.u32 s13, $0xE;
	_ =	strace $0x8000004A;
	s9 =	smul.u32 $0x13C000, s1  }
0xa: {  	s15 =	ssub.s32 $0x2, s1;
	s11 =	smul.u32 $0x2710, s1;
	s14 =	sadd.s32 s5, s19  }
0xb: {  	s21 =	sadd.s32 s4, s19;
	[dreg:$0x3] =	wrdreg s24;
	s16 =	sshrl.u32 s15, $0x1  }
0xc: {  	s17 =	sshrl.u32 s10, $0x2;
	s10 =	smul.u32 $0x1388000, s1;
	[dreg:$0x6] =	wrdreg s14  }
0xd: {  	[dreg:$0x7] =	wrdreg s21;
	s1 =	sor.u32 $0x10, s19;
	s14 =	simm.s32 $0x5  }
0xe: {  	s21 =	simm.s32 $0x6;
	s8 =	sadd.s32 s8, s9;
	s9 =	sadd.s32 s17, s2  }
0xf: {  	s22 =	sadd.s32 s5, s1;
	s1 =	sadd.s32 s4, s1;
	[dreg:$0x4] =	wrdreg s9  }
0x10: {  	s17 =	simm.s32 $0x3;
	v0 =	vmov s11;
	s11 =	simm.s32 $0x0;
	[dreg:$0x8] =	wrdreg s22  }
0x11: {  	s8 =	sshrl.u32 s8, $0x3;
	s9 =	sadd.s32 s20, s10;
	[dreg:$0x9] =	wrdreg s1  }
0x12: {  	s20 =	simm.s32 $0x7;
	s22 =	simm.s32 $0x4;
	s0 =	sadd.s32 s8, s0  }
0x13: {  	s8 =	ssub.s32 s15, s16;
	s16 =	sor.u32 $0x1C09, s18;
	s29 =	sadd.s32 $0x5000, s9  }
0x14: {  	s15 =	smul.u32 $0x2710, s13;
	s23 =	sshrl.u32 s9, $0x3;
	[dreg:$0xe] =	wrdreg s29  }
0x15: {  	s13 =	simm.s32 $0x9;
	s1 =	sadd.s32 s6, s23;
	[dreg:$0x5] =	wrdreg s16  }
.Ltmp0:
0x16: {  	s25 =	sadd.s32 $0x175C00, s0;
	[dreg:$0xa] =	wrdreg s1;
	(pc) =	sbr.rel .LBB2_1-.Ltmp0, $4  }
0x17: {  	s9 =	simm.s32 $0x2C00;
	s0 =	sadd.s32 $0x1C4C00, s0;
	[dreg:$0xb] =	wrdreg s25  }
0x18: {  	s26 =	smax.u32 s8, $0x1;
	s23 =	simm.s32 $0x380;
	[dreg:$0xc] =	wrdreg s0  }
0x19: {  	s19 =	sadd.s32 $0xA0, s15;
	[dreg:$0xd] =	wrdreg s26;
	s0 =	simm.s32 $0x5400  }
0x1a: {  	s1 =	simm.s32 $0x400;
	s26 =	simm.s32 $0x2;
	s25 =	simm.s32 $0x300  }
.LBB2_15:
0x1b: {  	_ =	swait.ge [sflag:s20], $0x2800  }
0x1c: {  	[sflag:s20] =	ssyncset.done $0x0  }
0x1d: {  	[sflag:s20] =	ssyncadd.s32 $0xFFFFD800  }
0x1e: {  	[bflag:$0x0] =	sbarrier.arrive $0xFFFF  }
0x1f: {  	s16 =	rddreg [dreg:$0x5]  }
0x20: {  	s8 =	rddreg [dreg:$0xc]  }
0x21: {  	s13 =	simm.s32 $0x9;
	s11 =	rddreg [dreg:$0x10]  }
0x22: {  	[hbm:s8], [sflag:s16] =	dma.local [spmem:s11], $0x2780  }
0x23: {  	_ =	swait.ge [sflag:s13], $0x2780  }
0x24: {  	s24 =	rddreg [dreg:$0xf]  }
0x25: {  	s29 =	rddreg [dreg:$0xd];
	s11 =	sadd.s32 $0x1, s24  }
0x26: {  	p0 =	sne.s32 s11, s29  }
.Ltmp1:
0x27: {  	_ = 	snop;
	(pc) =	sbr.rel @!p0 .LBB2_16-.Ltmp1, $3  }
0x28: {  	_ =	sdelay $0x1  }
0x29: {  	[sflag:s13] =	ssyncset.done $0x0  }
0x2a: {  	[sflag:s13] =	ssyncadd.s32 $0xFFFFD880;
	s24 =	rddreg [dreg:$0x3]  }
.LBB2_1:
0x2b: {  	s8 =	rddreg [dreg:$0x4]  }
0x2c: {  	[dreg:$0xf] =	wrdreg s11;
	s8 =	sshrl.u32 s8, $0x3  }
0x2d: {  	[dreg:$0x10] =	wrdreg s8  }
0x2e: {  	[spmem:s8], [sflag:s16] =	dma.local [hbm:s24], $0x2780  }
0x2f: {  	_ =	swait.ge [sflag:s13], $0x2780  }
0x30: {  	[sflag:s13] =	ssyncset.done $0x0  }
0x31: {  	[sflag:s13] =	ssyncadd.s32 $0xFFFFD880  }
0x32: {  	[bflag:$0x0] =	sbarrier.arrive $0xFFFF  }
0x33: {  	s13 =	simm.s32 $0x100;
	s11 =	rddreg [dreg:$0x6]  }
0x34: {  	[tilespmem:s13], [sflag:$0x1] =	stream.linear.gather [hbm4b:s11+s3], $0x80, $0x38;
	[tilespmem:$0x1E000] =	vst v63  }
0x35: {  	s16 =	rddreg [dreg:$0x7]  }
0x36: {  	[tilespmem:s3], [sflag:$0x1] =	stream.linear.gather [hbm4b:s16+s3], $0x80, $0x38;
	[tilespmem:$0x1E000] =	vst v63  }
0x37: {  	s29 =	simm.s32 $0x180;
	s18 =	rddreg [dreg:$0x8]  }
0x38: {  	[tilespmem:s29], [sflag:$0x2] =	stream.linear.gather [hbm4b:s18+s3], $0x80, $0x38;
	[tilespmem:$0x1E000] =	vst v63  }
0x39: {  	s11 =	rddreg [dreg:$0x9];
	s13 =	simm.s32 $0x80;
	s16 =	simm.s32 $0x1  }
0x3a: {  	[tilespmem:s13], [sflag:$0x2] =	stream.linear.gather [hbm4b:s11+s3], $0x80, $0x38;
	[tilespmem:$0x1E000] =	vst v63  }
0x3b: {  	_ =	swait.ge [sflag:s16], $0x80  }
0x3c: {  	[sflag:s16] =	ssyncset.done $0x0  }
0x3d: {  	[sflag:s16] =	ssyncadd.s32 $0xFFFFFF80  }
0x3e: {  	_ =	swait.ge [sflag:s16], $0x80  }
0x3f: {  	[sflag:s16] =	ssyncset.done $0x0  }
0x40: {  	[sflag:s16] =	ssyncadd.s32 $0xFFFFFF80  }
0x41: {  	v1 =	vld [tilespmem:$0x100]  }
0x42: {  	v2 =	vld [tilespmem:$0x0]  }
0x43: {  	v3 =	vld [tilespmem:$0x110]  }
0x44: {  	v4 =	vld [tilespmem:$0x10]  }
0x45: {  	v5 =	vld [tilespmem:$0x120]  }
0x46: {  	v6 =	vld [tilespmem:$0x20]  }
0x47: {  	v62 =	vld [tilespmem:$0x140];
	[tilespmem:$0x300] =	vst v1  }
0x48: {  	v1 =	vadd.s32 v0, v2;
	v2 =	vld [tilespmem:$0x130];
	[tilespmem:$0x310] =	vst v3  }
0x49: {  	v3 =	vadd.s32 v0, v4;
	[tilespmem:$0x200] =	vst v1;
	v1 =	vld [tilespmem:$0x30]  }
0x4a: {  	[tilespmem:$0x210] =	vst v3;
	v3 =	vld [tilespmem:$0x40]  }
0x4b: {  	[tilespmem:$0x320] =	vst v5  }
0x4c: {  	v63 =	vadd.s32 v0, v6;
	[tilespmem:$0x340] =	vst v62  }
0x4d: {  	[tilespmem:$0x220] =	vst v63  }
0x4e: {  	[tilespmem:$0x330] =	vst v2;
	v1 =	vadd.s32 v0, v1  }
.Ltmp2:
0x4f: {  	[tilespmem:$0x230] =	vst v1;
	v1 =	vadd.s32 v0, v3;
	(pc) =	sbr.rel .LBB2_2-.Ltmp2, $4  }
0x50: {  	s18 =	simm.s32 $0x200;
	[tilespmem:$0x240] =	vst v1  }
0x51: {  	[tilespmem:s0], [sflag:$0x3] =	stream.indirect.gather [hbm4b:s7+s30], $0x80, s18, s30, $0xb8;
	[tilespmem:$0x1E000] =	vst v63  }
0x52: {  	s29 =	rddreg [dreg:$0xa];
	s16 =	simm.s32 $0x0  }
0x53: {  	[tilespmem:s1], [sflag:$0x5] =	stream.linear.gather [hbm4b:s29+s3], $0x2800, $0x38;
	[tilespmem:$0x1E000] =	vst v63  }
.LBB2_10:
0x54: {  	s16 =	sadd.s32 $0x1, s16  }
0x55: {  	p0 =	sne.s32 s16, $0x3F  }
.Ltmp3:
0x56: {  	_ = 	snop;
	(pc) =	sbr.rel @!p0 .LBB2_11-.Ltmp3, $1  }
0x57: {  	_ =	sdelay $0x3  }
.LBB2_2:
0x58: {  	p0 =	seq.s32 s16, $0x0  }
0x59: {  	s11 =	sshllo.u32 @!p0 s16, $0x1  }
0x5a: {  	p1 =	sgt.u32 @!p0 s11, $0x7C  }
0x5b: {  	p2 =	por p0, !p1  }
.Ltmp4:
0x5c: {  	_ = 	snop;
	(pc) =	sbr.rel @!p2 .LBB2_4-.Ltmp4, $4  }
0x5d: {  	s18 =	simm.s32 @!p0 $0x8  }
0x5e: {  	_ =	swait.ge @!p0 [sflag:s18], $0x2800  }
0x5f: {  	[sflag:s18] =	ssyncset.done @!p0 $0x0  }
0x60: {  	p1 =	por @!p0 $0x0, $0x0;
	[sflag:s18] =	ssyncadd.s32 @!p0 $0xFFFFD800  }
0x61: {  	_ =	swait.ge [sflag:s26], $0x80  }
0x62: {  	[sflag:s26] =	ssyncset.done $0x0  }
0x63: {  	[sflag:s26] =	ssyncadd.s32 $0xFFFFFF80  }
0x64: {  	_ =	swait.ge [sflag:s26], $0x80  }
0x65: {  	[sflag:s26] =	ssyncset.done $0x0  }
0x66: {  	[sflag:s26] =	ssyncadd.s32 $0xFFFFFF80  }
0x67: {  	v1 =	vld [tilespmem:$0x180]  }
0x68: {  	v2 =	vld [tilespmem:$0x80]  }
0x69: {  	v3 =	vld [tilespmem:$0x190]  }
0x6a: {  	v4 =	vld [tilespmem:$0x90]  }
0x6b: {  	v5 =	vld [tilespmem:$0x1A0]  }
0x6c: {  	v6 =	vld [tilespmem:$0xA0]  }
0x6d: {  	v62 =	vld [tilespmem:$0x1C0];
	[tilespmem:$0x380] =	vst v1  }
0x6e: {  	v1 =	vadd.s32 v0, v2;
	v2 =	vld [tilespmem:$0x1B0];
	[tilespmem:$0x390] =	vst v3  }
0x6f: {  	v3 =	vadd.s32 v0, v4;
	[tilespmem:$0x280] =	vst v1;
	v1 =	vld [tilespmem:$0xB0]  }
0x70: {  	s11 =	simm.s32 @p0 $0x1;
	[tilespmem:$0x290] =	vst v3;
	v3 =	vld [tilespmem:$0xC0]  }
0x71: {  	s11 =	smul.u32 $0x50, s11;
	[tilespmem:$0x3A0] =	vst v5  }
0x72: {  	v63 =	vadd.s32 v0, v6;
	[tilespmem:$0x3C0] =	vst v62  }
0x73: {  	s11 =	sadd.s32 s15, s11;
	[tilespmem:$0x2A0] =	vst v63  }
0x74: {  	s11 =	sshll.u32 s11, $0x7;
	[tilespmem:$0x3B0] =	vst v2;
	v1 =	vadd.s32 v0, v1  }
0x75: {  	s11 =	sadd.s32 s10, s11;
	[tilespmem:$0x2B0] =	vst v1;
	v1 =	vadd.s32 v0, v3  }
0x76: {  	s11 =	sshrl.u32 s11, $0x3;
	[tilespmem:$0x2C0] =	vst v1  }
0x77: {  	[tilespmem:s31], [sflag:$0x4] =	stream.indirect.gather [hbm4b:s7+s30], $0x80, s28, s30, $0xb8;
	[tilespmem:$0x1E000] =	vst v63  }
0x78: {  	p1 =	por $0x1, $0x1;
	s11 =	sadd.s32 s6, s11  }
0x79: {  	[tilespmem:s9], [sflag:$0x6] =	stream.linear.gather [hbm4b:s11+s3], $0x2800, $0x38;
	[tilespmem:$0x1E000] =	vst v63  }
.LBB2_4:
0x7a: {  	p0 =	seq.s32 s16, $0x3E  }
0x7b: {  	s11 =	sshll.u32 @!p0 s16, $0x8  }
0x7c: {  	s11 =	sadd.s32 @!p0 $0x100, s11  }
0x7d: {  	s18 =	sand.u32 @!p0 $0x7C00, s11  }
0x7e: {  	s11 =	sand.u32 @!p0 $0x300, s11;
	s18 =	sadd.s32 @!p0 s12, s18  }
0x7f: {  	s11 =	sor.u32 @!p0 s11, s18  }
0x80: {  	s11 =	sshrl.u32 @!p0 s11, $0x3  }
0x81: {  	s29 =	simm.s32 @!p0 $0x0;
	s13 =	simm.s32 @!p0 $0x100;
	s18 =	sadd.s32 @!p0 s5, s11  }
0x82: {  	[tilespmem:s13], [sflag:$0x1] =	stream.linear.gather @!p0 [hbm4b:s18+s29], $0x80, $0x38;
	[tilespmem:$0x1E000] =	vst v63  }
0x83: {  	s11 =	sadd.s32 @!p0 s4, s11  }
0x84: {  	[tilespmem:s29], [sflag:$0x1] =	stream.linear.gather @!p0 [hbm4b:s11+s29], $0x80, $0x38;
	[tilespmem:$0x1E000] =	vst v63  }
0x85: {  	_ =	swait.ge [sflag:s14], $0x2800  }
0x86: {  	[sflag:s14] =	ssyncset.done $0x0  }
0x87: {  	[sflag:s14] =	ssyncadd.s32 $0xFFFFD800  }
0x88: {  	_ =	swait.ge [sflag:s17], $0x2800  }
0x89: {  	[sflag:s17] =	ssyncset.done $0x0  }
0x8a: {  	s11 =	simm.s32 $0x0;
	[sflag:s17] =	ssyncadd.s32 $0xFFFFD800  }
0x8b: {  	v8 =	vld [tilespmem:s11+$0x400]  }
0x8c: {  	v12 =	vld [tilespmem:s11+$0x410]  }
0x8d: {  	v6 =	vld [tilespmem:s11+$0x420]  }
0x8e: {  	v5 =	vld [tilespmem:s11+$0x430]  }
0x8f: {  	v4 =	vld [tilespmem:s11+$0x440]  }
0x90: {  	v3 =	vld [tilespmem:s11+$0x450]  }
0x91: {  	v2 =	vld [tilespmem:s11+$0x460]  }
0x92: {  	v1 =	vld [tilespmem:s11+$0x470]  }
0x93: {  	v13 =	vld [tilespmem:s11+$0x5400]  }
0x94: {  	v14 =	vld [tilespmem:s11+$0x5410]  }
0x95: {  	v11 =	vld [tilespmem:s11+$0x5420]  }
0x96: {  	v10 =	vld [tilespmem:s11+$0x5430]  }
0x97: {  	v9 =	vld [tilespmem:s11+$0x5440]  }
0x98: {  	v7 =	vld [tilespmem:s11+$0x5450];
	v13 =	vmul.f32 v8, v13  }
0x99: {  	s18 =	simm.s32 $0x200;
	v12 =	vmul.f32 v12, v14;
	v8 =	vld [tilespmem:s11+$0x5460]  }
.LBB2_5:
0x9a: {  	s13 =	sshra.s32 s18, $0x2;
	p2 =	sne.s32 s18, $0x9E00;
	[tilespmem:s11+$0x5400] =	vst v13;
	v6 =	vmul.f32 v6, v11;
	v11 =	vld [tilespmem:s11+$0x5470]  }
0x9b: {  	v13 =	vld [tilespmem:s13+$0x400];
	[tilespmem:s11+$0x5410] =	vst v12;
	v5 =	vmul.f32 v5, v10  }
0x9c: {  	v12 =	vld [tilespmem:s13+$0x410];
	[tilespmem:s11+$0x5420] =	vst v6;
	v4 =	vmul.f32 v4, v9  }
0x9d: {  	v6 =	vld [tilespmem:s13+$0x420];
	[tilespmem:s11+$0x5430] =	vst v5;
	v3 =	vmul.f32 v3, v7  }
0x9e: {  	v5 =	vld [tilespmem:s13+$0x430];
	[tilespmem:s11+$0x5440] =	vst v4;
	v2 =	vmul.f32 v2, v8  }
0x9f: {  	v4 =	vld [tilespmem:s13+$0x440];
	[tilespmem:s11+$0x5450] =	vst v3;
	v1 =	vmul.f32 v1, v11  }
0xa0: {  	v3 =	vld [tilespmem:s13+$0x450];
	[tilespmem:s11+$0x5460] =	vst v2  }
0xa1: {  	v2 =	vld [tilespmem:s13+$0x460];
	[tilespmem:s11+$0x5470] =	vst v1;
	s11 =	smov.u32 s13  }
0xa2: {  	v1 =	vld [tilespmem:s11+$0x470]  }
0xa3: {  	v7 =	vld [tilespmem:s11+$0x5400]  }
0xa4: {  	v8 =	vld [tilespmem:s11+$0x5410]  }
.Ltmp5:
0xa5: {  	v11 =	vld [tilespmem:s11+$0x5420];
	(pc) =	sbr.rel @p2 .LBB2_5-.Ltmp5, $4  }
0xa6: {  	v10 =	vld [tilespmem:s11+$0x5430]  }
0xa7: {  	v9 =	vld [tilespmem:s11+$0x5440]  }
0xa8: {  	v13 =	vmul.f32 v13, v7;
	v7 =	vld [tilespmem:s11+$0x5450]  }
0xa9: {  	s18 =	sadd.s32 $0x200, s18;
	v12 =	vmul.f32 v12, v8;
	v8 =	vld [tilespmem:s11+$0x5460]  }
0xaa: {  	[tilespmem:s11+$0x5400] =	vst v13;
	v6 =	vmul.f32 v6, v11;
	v63 =	vld [tilespmem:s11+$0x5470]  }
0xab: {  	[tilespmem:s11+$0x5410] =	vst v12;
	v5 =	vmul.f32 v5, v10  }
0xac: {  	[tilespmem:s11+$0x5420] =	vst v6;
	v4 =	vmul.f32 v4, v9  }
0xad: {  	[tilespmem:s11+$0x5430] =	vst v5;
	v3 =	vmul.f32 v3, v7  }
.Ltmp6:
0xae: {  	[tilespmem:s11+$0x5440] =	vst v4;
	v2 =	vmul.f32 v2, v8;
	(pc) =	sbr.rel @!p1 .LBB2_10-.Ltmp6, $4  }
0xaf: {  	[tilespmem:s11+$0x5450] =	vst v3;
	v1 =	vmul.f32 v1, v63  }
0xb0: {  	[tilespmem:s11+$0x5460] =	vst v2  }
0xb1: {  	[tilespmem:s11+$0x5470] =	vst v1  }
0xb2: {  	[spmem:s2] =	stream.indirect.scatter.add.f32 [tilespmem:s0], [sflag:$0x7], $0x80, s25, s30, $0xb8;
	[tilespmem:$0x1E000] =	vst v63  }
0xb3: {  	_ =	swait.ge [sflag:s20], $0x2800  }
0xb4: {  	[sflag:s20] =	ssyncset.done $0x0  }
0xb5: {  	s11 =	simm.s32 @!p0 $0x1;
	[sflag:s20] =	ssyncadd.s32 $0xFFFFD800  }
0xb6: {  	_ =	swait.ge @!p0 [sflag:s11], $0x80  }
0xb7: {  	[sflag:s11] =	ssyncset.done @!p0 $0x0  }
0xb8: {  	[sflag:s11] =	ssyncadd.s32 @!p0 $0xFFFFFF80  }
0xb9: {  	_ =	swait.ge @!p0 [sflag:s11], $0x80  }
0xba: {  	[sflag:s11] =	ssyncset.done @!p0 $0x0  }
0xbb: {  	[sflag:s11] =	ssyncadd.s32 @!p0 $0xFFFFFF80  }
0xbc: {  	v1 =	vld @!p0 [tilespmem:$0x100]  }
0xbd: {  	v2 =	vld @!p0 [tilespmem:$0x0]  }
0xbe: {  	v3 =	vld @!p0 [tilespmem:$0x110]  }
0xbf: {  	v4 =	vld @!p0 [tilespmem:$0x10];
	_ =	sdelay $0x1  }
0xc0: {  	v5 =	vld @!p0 [tilespmem:$0x120]  }
0xc1: {  	v6 =	vld @!p0 [tilespmem:$0x20]  }
0xc2: {  	[tilespmem:$0x300] =	vst @!p0 v1;
	v1 =	vadd.s32 @!p0 v0, v2;
	v2 =	vld @!p0 [tilespmem:$0x130]  }
0xc3: {  	[tilespmem:$0x310] =	vst @!p0 v3;
	v3 =	vadd.s32 @!p0 v0, v4;
	v4 =	vld @!p0 [tilespmem:$0x140]  }
0xc4: {  	[tilespmem:$0x200] =	vst @!p0 v1;
	v1 =	vld @!p0 [tilespmem:$0x30]  }
0xc5: {  	[tilespmem:$0x210] =	vst @!p0 v3;
	v3 =	vld @!p0 [tilespmem:$0x40]  }
0xc6: {  	[tilespmem:$0x320] =	vst @!p0 v5;
	v5 =	vadd.s32 @!p0 v0, v6  }
0xc7: {  	[tilespmem:$0x220] =	vst @!p0 v5  }
0xc8: {  	[tilespmem:$0x330] =	vst @!p0 v2  }
0xc9: {  	[tilespmem:$0x340] =	vst @!p0 v4;
	v1 =	vadd.s32 @!p0 v0, v1  }
0xca: {  	s13 =	simm.s32 @!p0 $0x200;
	[tilespmem:$0x230] =	vst @!p0 v1;
	v1 =	vadd.s32 @!p0 v0, v3  }
0xcb: {  	s18 =	simm.s32 @!p0 $0x5400;
	s29 =	smul.u32 @!p0 $0xA0, s16;
	s11 =	simm.s32 @!p0 $0x50;
	[tilespmem:$0x240] =	vst @!p0 v1  }
0xcc: {  	[tilespmem:s18], [sflag:$0x3] =	stream.indirect.gather @!p0 [hbm4b:s7+s11], $0x80, s13, s11, $0xb8;
	[tilespmem:$0x1E000] =	vst v63  }
0xcd: {  	s11 =	sadd.s32 @!p0 s29, s19  }
0xce: {  	s11 =	sshll.u32 @!p0 s11, $0x7  }
0xcf: {  	s11 =	sadd.s32 @!p0 s10, s11  }
0xd0: {  	p1 =	sgt.u32 @!p0 s16, $0x3C;
	s11 =	sshrl.u32 @!p0 s11, $0x3  }
0xd1: {  	s13 =	simm.s32 @!p0 $0x0;
	s18 =	simm.s32 @!p0 $0x400;
	s11 =	sadd.s32 @!p0 s6, s11  }
0xd2: {  	[tilespmem:s18], [sflag:$0x5] =	stream.linear.gather @!p0 [hbm4b:s11+s13], $0x2800, $0x38;
	[tilespmem:$0x1E000] =	vst v63  }
0xd3: {  	p0 =	por p1, p0  }
0xd4: {  	s11 =	sshll.u32 @!p0 s16, $0x8  }
0xd5: {  	s11 =	sadd.s32 @!p0 $0x180, s11  }
0xd6: {  	s13 =	sand.u32 @!p0 $0x7C00, s11  }
0xd7: {  	s11 =	sand.u32 @!p0 $0x380, s11;
	s13 =	sadd.s32 @!p0 s12, s13  }
0xd8: {  	s11 =	sor.u32 @!p0 s11, s13  }
0xd9: {  	s11 =	sshrl.u32 @!p0 s11, $0x3  }
0xda: {  	s18 =	simm.s32 @!p0 $0x0;
	s29 =	simm.s32 @!p0 $0x180;
	s13 =	sadd.s32 @!p0 s5, s11  }
0xdb: {  	[tilespmem:s29], [sflag:$0x2] =	stream.linear.gather @!p0 [hbm4b:s13+s18], $0x80, $0x38;
	[tilespmem:$0x1E000] =	vst v63  }
0xdc: {  	s11 =	sadd.s32 @!p0 s4, s11;
	s13 =	simm.s32 @!p0 $0x80  }
0xdd: {  	[tilespmem:s13], [sflag:$0x2] =	stream.linear.gather @!p0 [hbm4b:s11+s18], $0x80, $0x38;
	[tilespmem:$0x1E000] =	vst v63  }
0xde: {  	_ =	swait.ge [sflag:s21], $0x2800  }
0xdf: {  	[sflag:s21] =	ssyncset.done $0x0  }
0xe0: {  	[sflag:s21] =	ssyncadd.s32 $0xFFFFD800  }
0xe1: {  	_ =	swait.ge [sflag:s22], $0x2800  }
0xe2: {  	[sflag:s22] =	ssyncset.done $0x0  }
0xe3: {  	s11 =	simm.s32 $0x0;
	[sflag:s22] =	ssyncadd.s32 $0xFFFFD800  }
0xe4: {  	v8 =	vld [tilespmem:s11+$0x2C00]  }
0xe5: {  	v12 =	vld [tilespmem:s11+$0x2C10]  }
0xe6: {  	v6 =	vld [tilespmem:s11+$0x2C20]  }
0xe7: {  	v5 =	vld [tilespmem:s11+$0x2C30]  }
0xe8: {  	v4 =	vld [tilespmem:s11+$0x2C40]  }
0xe9: {  	v3 =	vld [tilespmem:s11+$0x2C50]  }
0xea: {  	v2 =	vld [tilespmem:s11+$0x2C60]  }
0xeb: {  	v1 =	vld [tilespmem:s11+$0x2C70]  }
0xec: {  	v13 =	vld [tilespmem:s11+$0x7C00]  }
0xed: {  	v14 =	vld [tilespmem:s11+$0x7C10]  }
0xee: {  	v11 =	vld [tilespmem:s11+$0x7C20]  }
0xef: {  	v10 =	vld [tilespmem:s11+$0x7C30]  }
0xf0: {  	v9 =	vld [tilespmem:s11+$0x7C40]  }
0xf1: {  	v7 =	vld [tilespmem:s11+$0x7C50];
	v13 =	vmul.f32 v8, v13  }
0xf2: {  	s18 =	simm.s32 $0x200;
	v12 =	vmul.f32 v12, v14;
	v8 =	vld [tilespmem:s11+$0x7C60]  }
.LBB2_8:
0xf3: {  	s13 =	sshra.s32 s18, $0x2;
	p0 =	sne.s32 s18, $0x9E00;
	[tilespmem:s11+$0x7C00] =	vst v13;
	v6 =	vmul.f32 v6, v11;
	v11 =	vld [tilespmem:s11+$0x7C70]  }
0xf4: {  	v13 =	vld [tilespmem:s13+$0x2C00];
	[tilespmem:s11+$0x7C10] =	vst v12;
	v5 =	vmul.f32 v5, v10  }
0xf5: {  	v12 =	vld [tilespmem:s13+$0x2C10];
	[tilespmem:s11+$0x7C20] =	vst v6;
	v4 =	vmul.f32 v4, v9  }
0xf6: {  	v6 =	vld [tilespmem:s13+$0x2C20];
	[tilespmem:s11+$0x7C30] =	vst v5;
	v3 =	vmul.f32 v3, v7  }
0xf7: {  	v5 =	vld [tilespmem:s13+$0x2C30];
	[tilespmem:s11+$0x7C40] =	vst v4;
	v2 =	vmul.f32 v2, v8  }
0xf8: {  	v4 =	vld [tilespmem:s13+$0x2C40];
	[tilespmem:s11+$0x7C50] =	vst v3;
	v1 =	vmul.f32 v1, v11  }
0xf9: {  	v3 =	vld [tilespmem:s13+$0x2C50];
	[tilespmem:s11+$0x7C60] =	vst v2  }
0xfa: {  	v2 =	vld [tilespmem:s13+$0x2C60];
	[tilespmem:s11+$0x7C70] =	vst v1;
	s11 =	smov.u32 s13  }
0xfb: {  	v1 =	vld [tilespmem:s11+$0x2C70]  }
0xfc: {  	v7 =	vld [tilespmem:s11+$0x7C00]  }
0xfd: {  	v8 =	vld [tilespmem:s11+$0x7C10]  }
.Ltmp7:
0xfe: {  	v11 =	vld [tilespmem:s11+$0x7C20];
	(pc) =	sbr.rel @p0 .LBB2_8-.Ltmp7, $4  }
0xff: {  	v10 =	vld [tilespmem:s11+$0x7C30]  }
0x100: {  	v9 =	vld [tilespmem:s11+$0x7C40]  }
0x101: {  	v13 =	vmul.f32 v13, v7;
	v7 =	vld [tilespmem:s11+$0x7C50]  }
0x102: {  	s18 =	sadd.s32 $0x200, s18;
	v12 =	vmul.f32 v12, v8;
	v8 =	vld [tilespmem:s11+$0x7C60]  }
0x103: {  	[tilespmem:s11+$0x7C00] =	vst v13;
	v6 =	vmul.f32 v6, v11;
	v63 =	vld [tilespmem:s11+$0x7C70]  }
0x104: {  	[tilespmem:s11+$0x7C10] =	vst v12;
	v5 =	vmul.f32 v5, v10  }
0x105: {  	[tilespmem:s11+$0x7C20] =	vst v6;
	v4 =	vmul.f32 v4, v9  }
0x106: {  	[tilespmem:s11+$0x7C30] =	vst v5;
	v3 =	vmul.f32 v3, v7  }
.Ltmp8:
0x107: {  	[tilespmem:s11+$0x7C40] =	vst v4;
	v2 =	vmul.f32 v2, v8;
	(pc) =	sbr.rel .LBB2_10-.Ltmp8, $4  }
0x108: {  	[tilespmem:s11+$0x7C50] =	vst v3;
	v1 =	vmul.f32 v1, v63  }
0x109: {  	[tilespmem:s11+$0x7C60] =	vst v2  }
0x10a: {  	[tilespmem:s11+$0x7C70] =	vst v1  }
0x10b: {  	[spmem:s2] =	stream.indirect.scatter.add.f32 [tilespmem:s31], [sflag:$0x8], $0x80, s23, s30, $0xb8;
	[tilespmem:$0x1E000] =	vst v63  }
.LBB2_11:
0x10c: {  	_ =	swait.ge [sflag:s20], $0x2800  }
0x10d: {  	[sflag:s20] =	ssyncset.done $0x0  }
0x10e: {  	[sflag:s20] =	ssyncadd.s32 $0xFFFFD800  }
0x10f: {  	[bflag:$0x0] =	sbarrier.arrive $0xFFFF  }
0x110: {  	s8 =	rddreg [dreg:$0x5]  }
0x111: {  	s11 =	rddreg [dreg:$0xb]  }
0x112: {  	s16 =	simm.s32 $0x9;
	s13 =	rddreg [dreg:$0x10]  }
0x113: {  	[hbm:s11], [sflag:s8] =	dma.local [spmem:s13], $0x2780  }
0x114: {  	_ =	swait.ge [sflag:s16], $0x2780  }
0x115: {  	[sflag:s16] =	ssyncset.done $0x0  }
0x116: {  	[sflag:s16] =	ssyncadd.s32 $0xFFFFD880  }
0x117: {  	[spmem:s13], [sflag:s8] =	dma.local [hbm:s24], $0x2780  }
0x118: {  	_ =	swait.ge [sflag:s16], $0x2780  }
0x119: {  	[sflag:s16] =	ssyncset.done $0x0  }
0x11a: {  	[sflag:s16] =	ssyncadd.s32 $0xFFFFD880  }
0x11b: {  	[bflag:$0x0] =	sbarrier.arrive $0xFFFF  }
0x11c: {  	s24 =	simm.s32 $0x100;
	s16 =	simm.s32 $0x0;
	s18 =	rddreg [dreg:$0x6]  }
0x11d: {  	[tilespmem:s24], [sflag:$0x1] =	stream.linear.gather [hbm4b:s18+s16], $0x80, $0x38;
	[tilespmem:$0x1E000] =	vst v63  }
0x11e: {  	s29 =	simm.s32 $0x1;
	s13 =	rddreg [dreg:$0x8];
	s18 =	simm.s32 $0x180  }
0x11f: {  	[tilespmem:s18], [sflag:$0x2] =	stream.linear.gather [hbm4b:s13+s16], $0x80, $0x38;
	[tilespmem:$0x1E000] =	vst v63  }
0x120: {  	_ =	swait.ge [sflag:s29], $0x80  }
0x121: {  	[sflag:s29] =	ssyncset.done $0x0  }
0x122: {  	[sflag:s29] =	ssyncadd.s32 $0xFFFFFF80  }
0x123: {  	v1 =	vld [tilespmem:$0x100]  }
0x124: {  	v2 =	vld [tilespmem:$0x110]  }
0x125: {  	v3 =	vld [tilespmem:$0x120]  }
0x126: {  	v4 =	vld [tilespmem:$0x130]  }
0x127: {  	v5 =	vld [tilespmem:$0x140]  }
0x128: {  	[tilespmem:$0x300] =	vst v1  }
.Ltmp9:
0x129: {  	[tilespmem:$0x310] =	vst v2;
	(pc) =	sbr.rel .LBB2_12-.Ltmp9, $4  }
0x12a: {  	[tilespmem:$0x320] =	vst v3  }
0x12b: {  	s24 =	rddreg [dreg:$0xa];
	[tilespmem:$0x330] =	vst v4  }
0x12c: {  	s11 =	rddreg [dreg:$0xe];
	[tilespmem:$0x340] =	vst v5  }
0x12d: {  	[tilespmem:s1], [sflag:$0x5] =	stream.linear.gather [hbm4b:s24+s16], $0x2800, $0x38;
	[tilespmem:$0x1E000] =	vst v63  }
.LBB2_14:
0x12e: {  	p1 =	seq.s32 s18, $0x3F80  }
0x12f: {  	s13 =	sadd.s32 @!p1 $0xFFFFFF80, s18  }
0x130: {  	s24 =	sand.u32 @!p1 $0x7C00, s13  }
0x131: {  	s13 =	sand.u32 @!p1 $0x300, s13;
	s24 =	sadd.s32 @!p1 s12, s24  }
0x132: {  	s13 =	sor.u32 @!p1 s13, s24  }
0x133: {  	s13 =	sshrl.u32 @!p1 s13, $0x3  }
0x134: {  	s8 =	simm.s32 @!p1 $0x100;
	s24 =	simm.s32 @!p1 $0x0;
	s13 =	sadd.s32 @!p1 s5, s13  }
0x135: {  	[tilespmem:s8], [sflag:$0x1] =	stream.linear.gather @!p1 [hbm4b:s13+s24], $0x80, $0x38;
	[tilespmem:$0x1E000] =	vst v63  }
0x136: {  	_ =	swait.ge [sflag:s14], $0x2800  }
0x137: {  	[sflag:s14] =	ssyncset.done $0x0  }
0x138: {  	s8 =	simm.s32 @p0 $0x7;
	[sflag:s14] =	ssyncadd.s32 $0xFFFFD800  }
0x139: {  	[spmem:s2] =	stream.indirect.scatter.add.f32 [tilespmem:s1], [sflag:$0x7], $0x80, s25, s30, $0xb8;
	[tilespmem:$0x1E000] =	vst v63  }
0x13a: {  	p1 =	seq.s32 @p0 s18, $0x3F80;
	_ =	swait.ge @p0 [sflag:s8], $0x2800  }
0x13b: {  	p2 =	por p1, !p0;
	[sflag:s8] =	ssyncset.done @p0 $0x0  }
0x13c: {  	[sflag:s8] =	ssyncadd.s32 @p0 $0xFFFFD800;
	s8 =	simm.s32 @!p2 $0x1  }
0x13d: {  	_ =	swait.ge @!p2 [sflag:s8], $0x80  }
0x13e: {  	[sflag:s8] =	ssyncset.done @!p2 $0x0  }
0x13f: {  	[sflag:s8] =	ssyncadd.s32 @!p2 $0xFFFFFF80  }
0x140: {  	v1 =	vld @!p2 [tilespmem:$0x100]  }
0x141: {  	v2 =	vld @!p2 [tilespmem:$0x110]  }
0x142: {  	v3 =	vld @!p2 [tilespmem:$0x120]  }
0x143: {  	v4 =	vld @!p2 [tilespmem:$0x130]  }
0x144: {  	v5 =	vld @!p2 [tilespmem:$0x140]  }
0x145: {  	[tilespmem:$0x300] =	vst @!p2 v1  }
0x146: {  	[tilespmem:$0x310] =	vst @!p2 v2  }
0x147: {  	[tilespmem:$0x320] =	vst @!p2 v3  }
0x148: {  	s8 =	sshrl.u32 @!p2 s11, $0x3;
	[tilespmem:$0x330] =	vst @!p2 v4  }
0x149: {  	s13 =	simm.s32 @!p2 $0x0;
	s24 =	simm.s32 @!p2 $0x400;
	s8 =	sadd.s32 @!p2 s6, s8;
	[tilespmem:$0x340] =	vst @!p2 v5  }
0x14a: {  	[tilespmem:s24], [sflag:$0x5] =	stream.linear.gather @!p2 [hbm4b:s8+s13], $0x2800, $0x38;
	[tilespmem:$0x1E000] =	vst v63  }
0x14b: {  	p2 =	sgt.u32 @!p2 s16, $0x3C  }
0x14c: {  	p1 =	por @p0 p2, p1  }
0x14d: {  	p1 =	por p1, !p0  }
0x14e: {  	s8 =	sand.u32 @!p1 $0x7C00, s18  }
0x14f: {  	s13 =	sand.u32 @!p1 $0x380, s18;
	s8 =	sadd.s32 @!p1 s12, s8  }
0x150: {  	s8 =	sor.u32 @!p1 s13, s8  }
0x151: {  	s8 =	sshrl.u32 @!p1 s8, $0x3  }
0x152: {  	s24 =	simm.s32 @!p1 $0x180;
	s13 =	simm.s32 @!p1 $0x0;
	s8 =	sadd.s32 @!p1 s5, s8  }
0x153: {  	[tilespmem:s24], [sflag:$0x2] =	stream.linear.gather @!p1 [hbm4b:s8+s13], $0x80, $0x38;
	[tilespmem:$0x1E000] =	vst v63  }
0x154: {  	s8 =	simm.s32 @p0 $0x6  }
0x155: {  	_ =	swait.ge @p0 [sflag:s8], $0x2800  }
0x156: {  	s18 =	sadd.s32 $0x100, s18;
	s13 =	simm.s32 @p0 $0x380;
	[sflag:s8] =	ssyncset.done @p0 $0x0  }
0x157: {  	s24 =	simm.s32 @p0 $0x2C00;
	[sflag:s8] =	ssyncadd.s32 @p0 $0xFFFFD800;
	s8 =	simm.s32 @p0 $0x50  }
0x158: {  	[spmem:s2] =	stream.indirect.scatter.add.f32 @p0 [tilespmem:s24], [sflag:$0x8], $0x80, s13, s8, $0xb8;
	[tilespmem:$0x1E000] =	vst v63  }
0x159: {  	p0 =	sne.s32 s18, $0x4080  }
.Ltmp10:
0x15a: {  	_ = 	snop;
	(pc) =	sbr.rel @!p0 .LBB2_15-.Ltmp10, $2  }
0x15b: {  	_ =	sdelay $0x2  }
0x15c: {  	s29 =	sadd.s32 $0x2, s29;
	s11 =	sadd.s32 $0x5000, s11;
	s16 =	sadd.s32 $0x1, s16  }
.LBB2_12:
0x15d: {  	p1 =	seq.s32 s18, $0x180  }
0x15e: {  	p0 =	sgt.u32 @!p1 s29, $0x7C  }
0x15f: {  	p2 =	por p1, !p0  }
.Ltmp11:
0x160: {  	_ = 	snop;
	(pc) =	sbr.rel @!p2 .LBB2_14-.Ltmp11, $4  }
0x161: {  	s13 =	simm.s32 @!p1 $0x8  }
0x162: {  	_ =	swait.ge @!p1 [sflag:s13], $0x2800  }
0x163: {  	[sflag:s13] =	ssyncset.done @!p1 $0x0  }
0x164: {  	p0 =	por @!p1 $0x0, $0x0;
	[sflag:s13] =	ssyncadd.s32 @!p1 $0xFFFFD800  }
0x165: {  	_ =	swait.ge [sflag:s26], $0x80  }
0x166: {  	[sflag:s26] =	ssyncset.done $0x0  }
0x167: {  	[sflag:s26] =	ssyncadd.s32 $0xFFFFFF80  }
0x168: {  	v1 =	vld [tilespmem:$0x180]  }
0x169: {  	s13 =	smov.u32 s29;
	v2 =	vld [tilespmem:$0x190]  }
0x16a: {  	s13 =	simm.s32 @p1 $0x1;
	v3 =	vld [tilespmem:$0x1A0]  }
0x16b: {  	s13 =	smul.u32 $0x50, s13;
	v4 =	vld [tilespmem:$0x1B0]  }
0x16c: {  	v5 =	vld [tilespmem:$0x1C0]  }
0x16d: {  	s13 =	sadd.s32 s15, s13;
	[tilespmem:$0x380] =	vst v1  }
.Ltmp12:
0x16e: {  	s13 =	sshll.u32 s13, $0x7;
	[tilespmem:$0x390] =	vst v2;
	(pc) =	sbr.rel .LBB2_14-.Ltmp12, $4  }
0x16f: {  	s13 =	sadd.s32 s10, s13;
	[tilespmem:$0x3A0] =	vst v3  }
0x170: {  	s13 =	sshrl.u32 s13, $0x3;
	[tilespmem:$0x3B0] =	vst v4  }
0x171: {  	p0 =	por $0x1, $0x1;
	[tilespmem:$0x3C0] =	vst v5;
	s13 =	sadd.s32 s6, s13  }
0x172: {  	[tilespmem:s9], [sflag:$0x6] =	stream.linear.gather [hbm4b:s13+s3], $0x2800, $0x38;
	[tilespmem:$0x1E000] =	vst v63  }
.LBB2_16:
0x173: {  	_ =	sfence.sel $0x180000  }
0x174: {  	[bflag:$0x0] =	sbarrier.arrive $0xFFFF  }
0x175: {  	_ =	strace $0x9000004A  }
0x176: {  	s0 =	stileid.u32;
	[bflag:$0x2] =	sbarrier.arrive $0xFFFF  }
0x177: {  	p0 =	sne.s32 s0, $0x0;
	s0 =	rddreg [dreg:$0x2]  }
0x178: {  	s0 =	sadd.s32 @!p0 $0x100000, s0  }
0x179: {  	[sflag:s0] =	ssyncadd.tile.s32 @!p0 $0x1;
	_ =	shalt  }
.Lfunc_end2:
_tile_overlayer_lowered:
.L_overlay_start_2:
0x17a: {  	(tag) =	ssettag $0x2  }
0x17b: {  	s0 =	rddreg [dreg:$0x0];
	s2 =	stileid.u32  }
0x17c: {  	s1 =	rddreg [dreg:$0x1];
	p0 =	sne.s32 s2, $0x0  }
0x17d: {  	s3 =	rddreg [dreg:$0x2];
	[bflag:$0x3] =	sbarrier.arrive $0xFFFF;
	s2 =	simm.s32 @!p0 $0x1C09  }
0x17e: {  	[timem:s3], [sflag:s2] =	dma.local @!p0 [hbm:s0], s1  }
0x17f: {  	s0 =	simm.s32 @!p0 $0x9  }
0x180: {  	_ =	swait.ge @!p0 [sflag:s0], s1  }
0x181: {  	s1 =	ssub.s32 @!p0 $0x0, s1;
	[sflag:s0] =	ssyncset.done @!p0 $0x0  }
0x182: {  	[sflag:s0] =	ssyncadd.s32 @!p0 s1  }
0x183: {  	[bflag:$0x3] =	sbarrier.arrive $0xFFFF  }
0x184: {  	_ =	shalt  }

// kernel: kernel.9.cloned.1.call-start
scs
__scs_entry_jumppad:
0x0: {  	(pc) =	sbr.rel $0x88, $3  }
0x1: {  	(tag) =	ssettag $0x0;
	lr =	simm.s32 $0x1  }
0x2: {  	[smem:$0x3F8D] =	sst lr;
	_ =	strace $0xD0000000  }
0x3: {  	_ = 	snop  }
0x4: {  	_ = 	snop  }
0x5: {  	_ = 	snop  }
0x6: {  	_ = 	snop  }
0x7: {  	_ = 	snop  }
__scs_overlays_trampoline_lowered:
0x8: {  	[smem:$0x3F9C] =	sst s0  }
0x9: {  	[smem:$0x3F9D] =	sst s1  }
0xa: {  	[smem:$0x3F9E] =	sst s2  }
0xb: {  	[smem:$0x3F9F] =	sst s3  }
0xc: {  	[smem:$0x3FA0] =	sst s4  }
0xd: {  	[smem:$0x3FA1] =	sst s5  }
0xe: {  	[smem:$0x3FA2] =	sst s6  }
0xf: {  	[smem:$0x3FA3] =	sst s7  }
0x10: {  	[smem:$0x3FA4] =	sst s8  }
0x11: {  	[smem:$0x3FA5] =	sst s9;
	s0 =	simm.s32 @!p0 $0x0  }
0x12: {  	s1 =	sld [smem:$0x3F8B];
	s0 =	simm.s32 @p0 $0x1  }
0x13: {  	[smem:$0x3FA6] =	sst s0;
	s0 =	simm.s32 @!p1 $0x0  }
0x14: {  	s2 =	sld [smem:$0x3F8A];
	s0 =	simm.s32 @p1 $0x1  }
0x15: {  	[smem:$0x3FA7] =	sst s0;
	s0 =	simm.s32 @!p2 $0x0  }
0x16: {  	s3 =	sld [smem:$0x3FDB];
	s0 =	simm.s32 @p2 $0x1  }
0x17: {  	s4 =	simm.s32 $0x1BF5;
	[smem:$0x3FA9] =	sst s0  }
0x18: {  	s0 =	sld [smem:$0x3F8C];
	_ =	swait.ge [sflag:s4], $0x0  }
0x19: {  	s7 =	sld [smem:$0x3F8D]  }
0x1a: {  	s8 =	sadd.s32 $0xFFFFE003, lr  }
0x1b: {  	s9 =	sadd.s32 $0xFFFFFEF7, lr;
	s5 =	simm.s32 $0xFFFFFFFF;
	p2 =	slt.u32 s8, $0xFFFFF086  }
0x1c: {  	p1 =	slt.u32 s9, $0xF7A;
	s5 =	simm.s32 @!p2 $0x0  }
0x1d: {  	s5 =	simm.s32 @p1 $0x1;
	p0 =	seq.s32 s7, s2  }
0x1e: {  	s7 =	smul.u32 @!p0 $0xF7A, s2;
	p2 =	seq.s32 @!p0 s5, $0x0  }
0x1f: {  	s9 =	smul.u32 $0xF7A, s1;
	s8 =	simm.s32 @!p0 $0x1BF5;
	p2 =	por !p2, p0  }
0x20: {  	[sflag:s8] =	ssyncset.s32 @!p0 $0xFFFFF086;
	s6 =	sadd.s32 @!p0 s3, s7;
	s7 =	simm.s32 @!p0 $0x108  }
0x21: {  	s3 =	sadd.s32 s3, s9;
	s6 =	sadd.s32 @!p0 $0x88, s6;
	s7 =	simm.s32 @p2 $0x1082  }
0x22: {  	[simem:s7], [sflag:s8] =	dma.local @!p0 [hbm:s6], $0xF7A  }
0x23: {  	s9 =	sor.u32 $0xD0000000, s2;
	s6 =	simm.s32 $0x108;
	_ =	swait.ge @!p0 [sflag:s8], $0x0  }
0x24: {  	s3 =	sadd.s32 $0x88, s3;
	s6 =	simm.s32 @!p1 $0x1082;
	[sflag:s4] =	ssyncset.s32 $0xFFFFF086  }
0x25: {  	[simem:s6], [sflag:s4] =	dma.local [hbm:s3], $0xF7A  }
0x26: {  	[smem:$0x3F8D] =	sst s1;
	(tag) =	ssettag s2;
	_ =	strace s9  }
0x27: {  	s1 =	sld [smem:$0x3F9D]  }
0x28: {  	s2 =	sld [smem:$0x3F9E]  }
0x29: {  	s4 =	sld [smem:$0x3FA0]  }
0x2a: {  	p0 =	seq.s32 s5, $0x0;
	s5 =	sld [smem:$0x3FA1]  }
0x2b: {  	s6 =	sld [smem:$0x3FA2]  }
0x2c: {  	s7 =	sld [smem:$0x3FA3]  }
0x2d: {  	s3 =	simm.s32 $0x108;
	s8 =	sld [smem:$0x3FA4]  }
0x2e: {  	s3 =	simm.s32 @!p0 $0x1082;
	s9 =	sld [smem:$0x3FA5]  }
0x2f: {  	lr =	sadd.s32 s0, s3;
	s0 =	sld [smem:$0x3F9C]  }
0x30: {  	s3 =	sld [smem:$0x3F9F]  }
0x31: {  	[smem:$0x3FA8] =	sst s10  }
0x32: {  	s10 =	sld [smem:$0x3FA6];
	_ =	sdelay $0x3  }
0x33: {  	p0 =	seq.s32 s10, $0x1;
	s10 =	sld [smem:$0x3FA8];
	_ =	sdelay $0x3  }
0x34: {  	[smem:$0x3FA8] =	sst s10  }
0x35: {  	s10 =	sld [smem:$0x3FA7];
	_ =	sdelay $0x3  }
0x36: {  	p1 =	seq.s32 s10, $0x1;
	s10 =	sld [smem:$0x3FA8];
	_ =	sdelay $0x3  }
0x37: {  	[smem:$0x3FA8] =	sst s10  }
0x38: {  	s10 =	sld [smem:$0x3FA9]  }
0x39: {  	_ = 	snop;
	(pc) =	sbr.ind lr, $3  }
0x3a: {  	_ = 	snop  }
0x3b: {  	_ = 	snop  }
0x3c: {  	p2 =	seq.s32 s10, $0x1;
	s10 =	sld [smem:$0x3FA8]  }
0x3d: {  	_ =	shalt  }
0x3e: {  	_ =	shalt  }
0x3f: {  	_ =	shalt  }
0x40: {  	_ =	shalt  }
0x41: {  	_ =	shalt  }
0x42: {  	_ =	shalt  }
0x43: {  	_ =	shalt  }
0x44: {  	_ =	shalt  }
0x45: {  	_ =	shalt  }
0x46: {  	_ =	shalt  }
0x47: {  	_ =	shalt  }
0x48: {  	_ =	shalt  }
0x49: {  	_ =	shalt  }
0x4a: {  	_ =	shalt  }
0x4b: {  	_ =	shalt  }
0x4c: {  	_ =	shalt  }
0x4d: {  	_ =	shalt  }
0x4e: {  	_ =	shalt  }
0x4f: {  	_ =	shalt  }
0x50: {  	_ =	shalt  }
0x51: {  	_ =	shalt  }
0x52: {  	_ =	shalt  }
0x53: {  	_ =	shalt  }
0x54: {  	_ =	shalt  }
0x55: {  	_ =	shalt  }
0x56: {  	_ =	shalt  }
0x57: {  	_ =	shalt  }
0x58: {  	_ =	shalt  }
0x59: {  	_ =	shalt  }
0x5a: {  	_ =	shalt  }
0x5b: {  	_ =	shalt  }
0x5c: {  	_ =	shalt  }
0x5d: {  	_ =	shalt  }
0x5e: {  	_ =	shalt  }
0x5f: {  	_ =	shalt  }
0x60: {  	_ =	shalt  }
0x61: {  	_ =	shalt  }
0x62: {  	_ =	shalt  }
0x63: {  	_ =	shalt  }
0x64: {  	_ =	shalt  }
0x65: {  	_ =	shalt  }
0x66: {  	_ =	shalt  }
0x67: {  	_ =	shalt  }
0x68: {  	_ =	shalt  }
0x69: {  	_ =	shalt  }
0x6a: {  	_ =	shalt  }
0x6b: {  	_ =	shalt  }
0x6c: {  	_ =	shalt  }
0x6d: {  	_ =	shalt  }
0x6e: {  	_ =	shalt  }
0x6f: {  	_ =	shalt  }
0x70: {  	_ =	shalt  }
0x71: {  	_ =	shalt  }
0x72: {  	_ =	shalt  }
0x73: {  	_ =	shalt  }
0x74: {  	_ =	shalt  }
0x75: {  	_ =	shalt  }
0x76: {  	_ =	shalt  }
0x77: {  	_ =	shalt  }
0x78: {  	_ =	shalt  }
0x79: {  	_ =	shalt  }
0x7a: {  	_ =	shalt  }
0x7b: {  	_ =	shalt  }
0x7c: {  	_ =	shalt  }
0x7d: {  	_ =	shalt  }
0x7e: {  	_ =	shalt  }
0x7f: {  	_ =	shalt  }
0x80: {  	_ =	shalt  }
0x81: {  	_ =	shalt  }
0x82: {  	_ =	shalt  }
0x83: {  	_ =	shalt  }
0x84: {  	_ =	shalt  }
0x85: {  	_ =	shalt  }
0x86: {  	_ =	shalt  }
0x87: {  	_ =	shalt  }
.Lfunc_end0:
.L_simem_size_0:
called_computation_lowered:
.L_overlay_start_0:
0x88: {  	s2 =	sld [smem:$0x3FD9]  }
0x89: {  	s3 =	sld [smem:$0x3FFE];
	_ =	sdelay $0x1  }
0x8a: {  	s1 =	srdreg.scid  }
0x8b: {  	s0 =	sand.u32 $0x1, s1  }
0x8c: {  	s14 =	sshll.u32 s0, $0xA;
	s2 =	sadd.s32 s3, s2  }
0x8d: {  	s2 =	sadd.s32 s2, s14  }
0x8e: {  	[smem:$0x3FB4] =	sst s2  }
0x8f: {  	_ = 	snop  }
0x90: {  	s2 =	sld [smem:$0x3FD0];
	_ =	sdelay $0x2  }
0x91: {  	s15 =	simm.s32 $0xA;
	s4 =	simm.s32 $0x10  }
0x92: {  	[smem:s4], [sflag:s15] =	dma.local [hbm:s2], $0x1  }
0x93: {  	_ =	swait.eq [sflag:s15], $0x1  }
0x94: {  	[sflag:s15] =	ssyncset.done $0x0  }
0x95: {  	[sflag:s15] =	ssyncadd.s32 $0xFFFFFFFF  }
0x96: {  	s16 =	sld [smem:$0x11];
	(tm) =	ssettm $0x1  }
0x97: {  	s17 =	sld [smem:$0x3FFB];
	_ =	sdelay $0x3  }
0x98: {  	_ =	strace s17  }
0x99: {  	s3 =	sld [smem:$0x3FFC];
	_ =	sdelay $0x3  }
0x9a: {  	_ =	strace s3  }
0x9b: {  	s3 =	sld [smem:$0x3FFD];
	_ =	sdelay $0x3  }
0x9c: {  	_ =	strace s3  }
0x9d: {  	_ =	strace $0x8FFFFFFF  }
0x9e: {  	s18 =	sld [smem:$0x3FDB];
	_ =	sdelay $0x1  }
0x9f: {  	s19 =	simm.s32 $_scs_section_size  }
0xa0: {  	s5 =	simm.s32 $_size__tile_overlayer_lowered;
	s6 =	simm.s32 $_tile_overlayer_lowered  }
0xa1: {  	s22 =	simm.s32 $0x1BFF;
	s21 =	sshll.u32 s6, $0x1;
	s3 =	sadd.s32 s19, s18  }
0xa2: {  	s7 =	simm.s32 $0x0;
	s20 =	sshll.u32 s5, $0x1;
	s5 =	sadd.s32 s21, s3  }
0xa3: {  	[timem:s7], [sflag:s22] =	dma.local [hbm:s5], s20  }
0xa4: {  	_ =	swait.ge [sflag:s22], s20  }
0xa5: {  	s4 =	ssub.s32 $0x0, s20;
	[sflag:s22] =	ssyncset.done $0x0  }
0xa6: {  	[sflag:s22] =	ssyncadd.s32 s4;
	_ =	sdelay $0x1  }
0xa7: {  	s23 =	simm.s32 $0x1B8B  }
0xa8: {  	_ =	swait.ge [sflag:s23], $0x1  }
0xa9: {  	[sflag:s23] =	ssyncset.done $0x0  }
0xaa: {  	s25 =	simm.s32 $0x1B8E;
	s24 =	sld [smem:$0x3FFE];
	[sflag:s23] =	ssyncadd.s32 $0xFFFFFFFF  }
0xab: {  	s26 =	simm.s32 $execute0_lowered;
	[smem:$0x3FD2] =	sst s25  }
0xac: {  	s5 =	sshll.u32 s26, $0x1;
	_ =	strace $0x80000046;
	[dreg:$0x1] =	wrdreg $0xFFFFFFFF  }
0xad: {  	s28 =	simm.s32 $_size_execute0_lowered;
	s3 =	sadd.s32 s3, s5;
	[dreg:$0x0] =	wrdreg $0x0  }
0xae: {  	s5 =	sshll.u32 s28, $0x1;
	[dreg:$0x2] =	wrdreg s3  }
0xaf: {  	[dreg:$0x3] =	wrdreg s5  }
0xb0: {  	[dreg:$0x4] =	wrdreg $0xC0  }
0xb1: {  	_ =	task [dreg:s7], $0x5FFFF  }
0xb2: {  	[dreg:$0x1] =	wrdreg $0xFFFFFFFF  }
0xb3: {  	[dreg:$0x0] =	wrdreg $0x60  }
0xb4: {  	[dreg:$0x2] =	wrdreg s24  }
0xb5: {  	[dreg:$0x3] =	wrdreg s16  }
0xb6: {  	[dreg:$0x4] =	wrdreg $0x9  }
0xb7: {  	_ =	task.clear_ibuf [dreg:s7], $0x5FFFF;
	_ =	strace $0x90000046  }
0xb8: {  	s29 =	simm.s32 $0x9;
	_ =	strace $0x80000048  }
0xb9: {  	_ =	swait.ge [sflag:s29], $0x1  }
0xba: {  	[sflag:s29] =	ssyncadd.s32 $0xFFFFFFFF  }
0xbb: {  	_ =	strace $0x90000048  }
0xbc: {  	_ =	sfence  }
0xbd: {  	s30 =	sld [smem:$0x0];
	_ =	sdelay $0x2  }
0xbe: {  	s31 =	sshll.u32 s1, $0xD;
	s1 =	sshrl.u32 s1, $0x2  }
0xbf: {  	s3 =	sand.u32 $0x4000, s31;
	s1 =	sadd.s32 s1, s30  }
0xc0: {  	s0 =	sor.u32 s3, s0;
	s1 =	sshll.u32 s1, $0x11  }
0xc1: {  	s0 =	sor.u32 s1, s0  }
0xc2: {  	s0 =	sadd.s32 $0x8F2B, s0  }
0xc3: {  	[sflag:s0] =	ssyncadd.remote.s32 $0x1  }
0xc4: {  	_ =	sfence.sel $0xFFFF  }
0xc5: {  	[dreg:$0x0] =	wrdreg $0xFFFFFFFF;
	(pc) =	sbr.abs _section_cstart, $3  }
0xc6: {  	[dreg:$0x1] =	wrdreg $0xFFFFFFFF  }
0xc7: {  	_ =	task.clear_ibuf [dreg:s7], $0x2FFFF;
	_ =	strace $0x9FFFFFFF  }
0xc8: {  	(tm) =	ssettm $0x7FFFFFFF  }
0xc9: {  	_ =	shalt  }
tec
execute0_lowered:
.L_overlay_start_1:
0x0: {  	(tag) =	ssettag $0x1  }
0x1: {  	s0 =	rddreg [dreg:$0x0]  }
0x2: {  	s2 =	rddreg [dreg:$0x1]  }
0x3: {  	s1 =	srdreg.scid;
	s4 =	stileid.u32;
	s3 =	simm.s32 $0x0  }
0x4: {  	s12 =	simm.s32 $0x8000;
	s18 =	simm.s32 $0xD800;
	s19 =	simm.s32 $0xE000  }
0x5: {  	s20 =	simm.s32 $0xE800;
	s21 =	simm.s32 $0xF000;
	s22 =	simm.s32 $0xA800  }
0x6: {  	s23 =	simm.s32 $0xB000;
	s28 =	simm.s32 $0xF800;
	s29 =	simm.s32 $0x10000  }
0x7: {  	s30 =	simm.s32 $0x10800;
	s31 =	simm.s32 $0x11000;
	s11 =	simm.s32 $0x4  }
0x8: {  	s8 =	simm.s32 $0x0;
	s1 =	sand.u32 $0x1, s1;
	s4 =	sshll.u32 s4, $0x1  }
0x9: {  	[smem:$0x7FF] =	sst s3;
	s5 =	sadd.s32 $0x51600, s0;
	s6 =	sor.u32 s1, s4  }
0xa: {  	_ =	strace $0x80000047;
	s1 =	ssub.s32 $0x2, s1;
	s4 =	sshll.u32 s6, $0xB  }
0xb: {  	s24 =	sshrl.u32 s1, $0x1;
	s6 =	smul.u32 $0x1388, s6;
	s7 =	sadd.s32 s4, s0  }
.Ltmp0:
0xc: {  	s4 =	sadd.s32 $0x9F800, s0;
	s25 =	sadd.s32 $0x155C00, s7;
	(pc) =	sbr.rel .LBB2_1-.Ltmp0, $4  }
0xd: {  	s0 =	ssub.s32 s1, s24;
	s26 =	sadd.s32 $0x145C00, s7;
	[dreg:$0x3] =	wrdreg s25  }
0xe: {  	v2 =	vlaneseq.u32;
	s24 =	simm.s32 $0xB800;
	s0 =	smax.u32 s0, $0x1;
	[dreg:$0x4] =	wrdreg s26  }
0xf: {  	vm0 =	vmmov $0xffff;
	v1 =	vshrl.u32 v2, $0x3;
	s1 =	simm.s32 $0x2;
	s7 =	simm.s32 $0x3;
	[dreg:$0x5] =	wrdreg s0  }
0x10: {  	v0 =	vand.u32 $0x7, v2;
	v2 =	vor.u32 $0x8, v2;
	v1 =	vmul.u32 $0x8, v1;
	s25 =	simm.s32 $0xC000;
	s26 =	simm.s32 $0xC800;
	s0 =	simm.s32 $0x11800  }
.LBB2_14:
0x11: {  	_ =	swait.ge [sflag:s11], $0x2800  }
0x12: {  	s8 =	sadd.s32 $0x1, s8;
	s9 =	rddreg [dreg:$0x5]  }
0x13: {  	p0 =	sne.s32 s8, s9  }
.Ltmp1:
0x14: {  	_ = 	snop;
	(pc) =	sbr.rel @!p0 .LBB2_15-.Ltmp1, $3  }
0x15: {  	_ =	sdelay $0x1  }
0x16: {  	[sflag:s11] =	ssyncset.done $0x0  }
0x17: {  	[sflag:s11] =	ssyncadd.s32 $0xFFFFD800  }
.LBB2_1:
0x18: {  	s9 =	rddreg [dreg:$0x3];
	s10 =	simm.s32 $0x1  }
0x19: {  	[tilespmem:s3], [sflag:$0x1] =	stream.linear.gather [hbm4b:s9+s3], $0x3E80, $0x38;
	[tilespmem:$0x12000] =	vst v63  }
0x1a: {  	_ =	swait.ge [sflag:s10], $0x3E80  }
0x1b: {  	[sflag:s10] =	ssyncset.done $0x0  }
0x1c: {  	s13 =	simm.s32 $0x4000;
	s17 =	rddreg [dreg:$0x4];
	[sflag:s10] =	ssyncadd.s32 $0xFFFFC180  }
0x1d: {  	[tilespmem:s13], [sflag:$0x1] =	stream.linear.gather [hbm4b:s17+s3], $0x3E80, $0x38;
	[tilespmem:$0x12000] =	vst v63  }
0x1e: {  	_ =	swait.ge [sflag:s10], $0x3E80  }
0x1f: {  	[sflag:s10] =	ssyncset.done $0x0  }
0x20: {  	[sflag:s10] =	ssyncadd.s32 $0xFFFFC180  }
0x21: {  	v3 =	vld [tilespmem:$0x0];
	_ =	sdelay $0x4  }
0x22: {  	v4 =	vshll.u32 v3, $0x1  }
0x23: {  	v3 =	vand.u32 $0x7, v3;
	v4 =	vand.u32 $0xFFFFFFF0, v4  }
0x24: {  	v3 =	vor.u32 v3, v4  }
0x25: {  	v4 =	vperm.xlane v3, v0;
	_ =	sdelay $0x1  }
0x26: {  	v3 =	vperm.xlane v3, v2;
	v4 =	vadd.s32 v1, v4;
	_ =	sdelay $0x1  }
0x27: {  	v3 =	vadd.s32 v1, v3;
	_ =	sdelay $0x2  }
0x28: {  	[tilespmem:s12], [sflag:$0x2] =	stream.indirect_vreg.gather [hbm4b:s4+s3], $0x80, v4, vm0, $0xb8;
	[tilespmem:$0x12000] =	vst v63  }
0x29: {  	s13 =	simm.s32 $0x8800  }
0x2a: {  	[tilespmem:s13], [sflag:$0x2] =	stream.indirect_vreg.gather [hbm4b:s4+s3], $0x80, v3, vm0, $0xb8;
	[tilespmem:$0x12000] =	vst v63  }
0x2b: {  	v3 =	vld [tilespmem:$0x10];
	_ =	sdelay $0x4  }
0x2c: {  	v59 =	vshll.u32 v3, $0x1  }
0x2d: {  	v3 =	vand.u32 $0x7, v3;
	v4 =	vand.u32 $0xFFFFFFF0, v59  }
0x2e: {  	v3 =	vor.u32 v3, v4  }
0x2f: {  	v4 =	vperm.xlane v3, v0;
	_ =	sdelay $0x1  }
0x30: {  	v3 =	vperm.xlane v3, v2;
	v4 =	vadd.s32 v1, v4;
	_ =	sdelay $0x1  }
0x31: {  	v3 =	vadd.s32 v1, v3;
	_ =	sdelay $0x1  }
0x32: {  	s14 =	simm.s32 $0x9000  }
0x33: {  	[tilespmem:s14], [sflag:$0x2] =	stream.indirect_vreg.gather [hbm4b:s4+s3], $0x80, v4, vm0, $0xb8;
	[tilespmem:$0x12000] =	vst v63  }
0x34: {  	s15 =	simm.s32 $0x9800  }
0x35: {  	[tilespmem:s15], [sflag:$0x2] =	stream.indirect_vreg.gather [hbm4b:s4+s3], $0x80, v3, vm0, $0xb8;
	[tilespmem:$0x12000] =	vst v63  }
0x36: {  	v3 =	vld.msk [tilespmem:$0x20], $0xff;
	_ =	sdelay $0x4  }
0x37: {  	v60 =	vshll.u32 v3, $0x1  }
0x38: {  	v3 =	vand.u32 $0x7, v3;
	v4 =	vand.u32 $0xFFFFFFF0, v60  }
0x39: {  	v3 =	vor.u32 v3, v4  }
0x3a: {  	v3 =	vperm.xlane v3, v0;
	_ =	sdelay $0x1  }
0x3b: {  	v3 =	vadd.s32 v1, v3;
	_ =	sdelay $0x3  }
0x3c: {  	s16 =	simm.s32 $0xA000  }
0x3d: {  	[tilespmem:s16], [sflag:$0x2] =	stream.indirect_vreg.gather [hbm4b:s4+s3], $0x80, v3, vm0, $0xb8;
	[tilespmem:$0x12000] =	vst v63  }
0x3e: {  	v3 =	vld [tilespmem:$0x4000];
	_ =	sdelay $0x4  }
0x3f: {  	v61 =	vshll.u32 v3, $0x1  }
0x40: {  	v3 =	vand.u32 $0x7, v3;
	v4 =	vand.u32 $0xFFFFFFF0, v61  }
0x41: {  	v3 =	vor.u32 v3, v4  }
0x42: {  	v4 =	vperm.xlane v3, v0;
	_ =	sdelay $0x1  }
0x43: {  	v3 =	vperm.xlane v3, v2;
	v4 =	vadd.s32 v1, v4;
	_ =	sdelay $0x1  }
0x44: {  	v3 =	vadd.s32 v1, v3;
	_ =	sdelay $0x1  }
0x45: {  	s17 =	simm.s32 $0xD000  }
0x46: {  	[tilespmem:s17], [sflag:$0x2] =	stream.indirect_vreg.gather [hbm4b:s5+s3], $0x80, v4, vm0, $0xb8;
	[tilespmem:$0x12000] =	vst v63  }
0x47: {  	_ = 	snop  }
0x48: {  	[tilespmem:s18], [sflag:$0x2] =	stream.indirect_vreg.gather [hbm4b:s5+s3], $0x80, v3, vm0, $0xb8;
	[tilespmem:$0x12000] =	vst v63  }
0x49: {  	v3 =	vld [tilespmem:$0x4010];
	_ =	sdelay $0x4  }
0x4a: {  	v62 =	vshll.u32 v3, $0x1  }
0x4b: {  	v3 =	vand.u32 $0x7, v3;
	v4 =	vand.u32 $0xFFFFFFF0, v62  }
0x4c: {  	v3 =	vor.u32 v3, v4  }
0x4d: {  	v4 =	vperm.xlane v3, v0;
	_ =	sdelay $0x1  }
0x4e: {  	v3 =	vperm.xlane v3, v2;
	v4 =	vadd.s32 v1, v4;
	_ =	sdelay $0x1  }
0x4f: {  	v3 =	vadd.s32 v1, v3;
	_ =	sdelay $0x2  }
0x50: {  	[tilespmem:s19], [sflag:$0x2] =	stream.indirect_vreg.gather [hbm4b:s5+s3], $0x80, v4, vm0, $0xb8;
	[tilespmem:$0x12000] =	vst v63  }
0x51: {  	_ = 	snop  }
0x52: {  	[tilespmem:s20], [sflag:$0x2] =	stream.indirect_vreg.gather [hbm4b:s5+s3], $0x80, v3, vm0, $0xb8;
	[tilespmem:$0x12000] =	vst v63  }
0x53: {  	v3 =	vld.msk [tilespmem:$0x4020], $0xff;
	_ =	sdelay $0x4  }
0x54: {  	v63 =	vshll.u32 v3, $0x1  }
0x55: {  	v3 =	vand.u32 $0x7, v3;
	v4 =	vand.u32 $0xFFFFFFF0, v63  }
0x56: {  	v3 =	vor.u32 v3, v4  }
0x57: {  	v3 =	vperm.xlane v3, v0;
	_ =	sdelay $0x1  }
0x58: {  	v3 =	vadd.s32 v1, v3  }
.Ltmp2:
0x59: {  	_ = 	snop;
	(pc) =	sbr.rel .LBB2_2-.Ltmp2, $3  }
0x5a: {  	_ =	sdelay $0x1  }
0x5b: {  	s9 =	simm.s32 $0x0  }
0x5c: {  	[tilespmem:s21], [sflag:$0x2] =	stream.indirect_vreg.gather [hbm4b:s5+s3], $0x80, v3, vm0, $0xb8;
	[tilespmem:$0x12000] =	vst v63  }
.LBB2_13:
0x5d: {  	s9 =	sadd.s32 $0x1, s9  }
0x5e: {  	p0 =	sne.s32 s9, $0x3F  }
.Ltmp3:
0x5f: {  	_ = 	snop;
	(pc) =	sbr.rel @!p0 .LBB2_14-.Ltmp3, $1  }
0x60: {  	_ =	sdelay $0x3  }
.LBB2_2:
0x61: {  	p0 =	seq.s32 s9, $0x0  }
0x62: {  	s10 =	sshllo.u32 @!p0 s9, $0x1  }
0x63: {  	p1 =	sgt.u32 @!p0 s10, $0x7C  }
0x64: {  	p1 =	por p0, !p1  }
.Ltmp4:
0x65: {  	_ = 	snop;
	(pc) =	sbr.rel @!p1 .LBB2_3-.Ltmp4, $4  }
0x66: {  	s13 =	simm.s32 @!p0 $0x5  }
0x67: {  	_ =	swait.ge @!p0 [sflag:s13], $0x2800  }
0x68: {  	[sflag:s13] =	ssyncset.done @!p0 $0x0  }
0x69: {  	[sflag:s13] =	ssyncadd.s32 @!p0 $0xFFFFD800  }
0x6a: {  	s10 =	simm.s32 @p0 $0x1  }
0x6b: {  	s13 =	sshll.u32 s10, $0x7  }
0x6c: {  	v3 =	vld [tilespmem:s13+$0x0];
	_ =	sdelay $0x4  }
0x6d: {  	v4 =	vshll.u32 v3, $0x1  }
0x6e: {  	v3 =	vand.u32 $0x7, v3;
	v4 =	vand.u32 $0xFFFFFFF0, v4  }
0x6f: {  	v3 =	vor.u32 v3, v4  }
0x70: {  	v4 =	vperm.xlane v3, v0;
	_ =	sdelay $0x1  }
0x71: {  	v3 =	vperm.xlane v3, v2;
	v4 =	vadd.s32 v1, v4;
	_ =	sdelay $0x1  }
0x72: {  	v3 =	vadd.s32 v1, v3;
	_ =	sdelay $0x2  }
0x73: {  	[tilespmem:s22], [sflag:$0x3] =	stream.indirect_vreg.gather [hbm4b:s4+s3], $0x80, v4, vm0, $0xb8;
	[tilespmem:$0x12000] =	vst v63  }
0x74: {  	_ = 	snop  }
0x75: {  	[tilespmem:s23], [sflag:$0x3] =	stream.indirect_vreg.gather [hbm4b:s4+s3], $0x80, v3, vm0, $0xb8;
	[tilespmem:$0x12000] =	vst v63  }
0x76: {  	v3 =	vld [tilespmem:s13+$0x10];
	_ =	sdelay $0x4  }
0x77: {  	v59 =	vshll.u32 v3, $0x1  }
0x78: {  	v3 =	vand.u32 $0x7, v3;
	v4 =	vand.u32 $0xFFFFFFF0, v59  }
0x79: {  	v3 =	vor.u32 v3, v4  }
0x7a: {  	v4 =	vperm.xlane v3, v0;
	_ =	sdelay $0x1  }
0x7b: {  	v3 =	vperm.xlane v3, v2;
	v4 =	vadd.s32 v1, v4;
	_ =	sdelay $0x1  }
0x7c: {  	v3 =	vadd.s32 v1, v3;
	_ =	sdelay $0x2  }
0x7d: {  	[tilespmem:s24], [sflag:$0x3] =	stream.indirect_vreg.gather [hbm4b:s4+s3], $0x80, v4, vm0, $0xb8;
	[tilespmem:$0x12000] =	vst v63  }
0x7e: {  	s14 =	sor.u32 $0x20, s13  }
0x7f: {  	[tilespmem:s25], [sflag:$0x3] =	stream.indirect_vreg.gather [hbm4b:s4+s3], $0x80, v3, vm0, $0xb8;
	[tilespmem:$0x12000] =	vst v63  }
0x80: {  	v3 =	vld.msk [tilespmem:s14+$0x0], $0xff;
	_ =	sdelay $0x4  }
0x81: {  	v60 =	vshll.u32 v3, $0x1  }
0x82: {  	v3 =	vand.u32 $0x7, v3;
	v4 =	vand.u32 $0xFFFFFFF0, v60  }
0x83: {  	v3 =	vor.u32 v3, v4  }
0x84: {  	v3 =	vperm.xlane v3, v0;
	_ =	sdelay $0x1  }
0x85: {  	v3 =	vadd.s32 v1, v3;
	_ =	sdelay $0x4  }
0x86: {  	[tilespmem:s26], [sflag:$0x3] =	stream.indirect_vreg.gather [hbm4b:s4+s3], $0x80, v3, vm0, $0xb8;
	[tilespmem:$0x12000] =	vst v63  }
0x87: {  	v3 =	vld [tilespmem:s13+$0x4000];
	_ =	sdelay $0x4  }
0x88: {  	v61 =	vshll.u32 v3, $0x1  }
0x89: {  	v3 =	vand.u32 $0x7, v3;
	v4 =	vand.u32 $0xFFFFFFF0, v61  }
0x8a: {  	v3 =	vor.u32 v3, v4  }
0x8b: {  	v4 =	vperm.xlane v3, v0;
	_ =	sdelay $0x1  }
0x8c: {  	v3 =	vperm.xlane v3, v2;
	v4 =	vadd.s32 v1, v4;
	_ =	sdelay $0x1  }
0x8d: {  	v3 =	vadd.s32 v1, v3;
	_ =	sdelay $0x2  }
0x8e: {  	[tilespmem:s28], [sflag:$0x3] =	stream.indirect_vreg.gather [hbm4b:s5+s3], $0x80, v4, vm0, $0xb8;
	[tilespmem:$0x12000] =	vst v63  }
0x8f: {  	_ = 	snop  }
0x90: {  	[tilespmem:s29], [sflag:$0x3] =	stream.indirect_vreg.gather [hbm4b:s5+s3], $0x80, v3, vm0, $0xb8;
	[tilespmem:$0x12000] =	vst v63  }
0x91: {  	v3 =	vld [tilespmem:s13+$0x4010];
	_ =	sdelay $0x4  }
0x92: {  	v62 =	vshll.u32 v3, $0x1  }
0x93: {  	v3 =	vand.u32 $0x7, v3;
	v4 =	vand.u32 $0xFFFFFFF0, v62  }
0x94: {  	v3 =	vor.u32 v3, v4  }
0x95: {  	v4 =	vperm.xlane v3, v0;
	_ =	sdelay $0x1  }
0x96: {  	v3 =	vperm.xlane v3, v2;
	v4 =	vadd.s32 v1, v4;
	_ =	sdelay $0x1  }
0x97: {  	v3 =	vadd.s32 v1, v3;
	_ =	sdelay $0x2  }
0x98: {  	[tilespmem:s30], [sflag:$0x3] =	stream.indirect_vreg.gather [hbm4b:s5+s3], $0x80, v4, vm0, $0xb8;
	[tilespmem:$0x12000] =	vst v63  }
0x99: {  	_ = 	snop  }
0x9a: {  	[tilespmem:s31], [sflag:$0x3] =	stream.indirect_vreg.gather [hbm4b:s5+s3], $0x80, v3, vm0, $0xb8;
	[tilespmem:$0x12000] =	vst v63  }
0x9b: {  	v3 =	vld.msk [tilespmem:s13+$0x4020], $0xff;
	_ =	sdelay $0x4  }
0x9c: {  	v63 =	vshll.u32 v3, $0x1  }
0x9d: {  	v3 =	vand.u32 $0x7, v3;
	v4 =	vand.u32 $0xFFFFFFF0, v63  }
0x9e: {  	v3 =	vor.u32 v3, v4  }
0x9f: {  	v3 =	vperm.xlane v3, v0;
	_ =	sdelay $0x1  }
0xa0: {  	v3 =	vadd.s32 v1, v3  }
.Ltmp5:
0xa1: {  	_ = 	snop;
	(pc) =	sbr.rel .LBB2_5-.Ltmp5, $3  }
0xa2: {  	_ =	sdelay $0x1  }
0xa3: {  	p0 =	por $0x1, $0x1;
	s10 =	smul.u32 $0x28, s10  }
0xa4: {  	[tilespmem:s0], [sflag:$0x3] =	stream.indirect_vreg.gather [hbm4b:s5+s3], $0x80, v3, vm0, $0xb8;
	[tilespmem:$0x12000] =	vst v63  }
.LBB2_3:
0xa5: {  	s10 =	simm.s32 @!p0 $0x1388;
	p0 =	por @!p0 $0x0, $0x0  }
.LBB2_5:
0xa6: {  	_ =	swait.ge [sflag:s1], $0x2800  }
0xa7: {  	[sflag:s1] =	ssyncset.done $0x0  }
0xa8: {  	[sflag:s1] =	ssyncadd.s32 $0xFFFFD800  }
0xa9: {  	s13 =	simm.s32 $0x0;
	_ =	swait.ge [sflag:s1], $0x2800  }
0xaa: {  	s14 =	sand.u32 $0x3800, s13;
	s13 =	sand.u32 $0x380, s13;
	[sflag:s1] =	ssyncset.done $0x0  }
0xab: {  	s13 =	sor.u32 s13, s14;
	[sflag:s1] =	ssyncadd.s32 $0xFFFFD800  }
0xac: {  	v10 =	vld [tilespmem:s13+$0xD000]  }
0xad: {  	v11 =	vld [tilespmem:s13+$0xD010]  }
0xae: {  	v12 =	vld [tilespmem:s13+$0xD020]  }
0xaf: {  	v13 =	vld [tilespmem:s13+$0xD030]  }
0xb0: {  	v14 =	vld [tilespmem:s13+$0xD040]  }
0xb1: {  	v15 =	vld [tilespmem:s13+$0xD050]  }
0xb2: {  	v16 =	vld [tilespmem:s13+$0xD060]  }
0xb3: {  	v17 =	vld [tilespmem:s13+$0xD070]  }
0xb4: {  	v18 =	vld [tilespmem:s13+$0xD400]  }
0xb5: {  	v9 =	vld [tilespmem:s13+$0xD410]  }
0xb6: {  	v8 =	vld [tilespmem:s13+$0xD420]  }
0xb7: {  	v7 =	vld [tilespmem:s13+$0xD430]  }
0xb8: {  	v6 =	vld [tilespmem:s13+$0xD440]  }
0xb9: {  	v5 =	vld [tilespmem:s13+$0xD450]  }
0xba: {  	v4 =	vld [tilespmem:s13+$0xD460]  }
0xbb: {  	v3 =	vld [tilespmem:s13+$0xD470]  }
0xbc: {  	v19 =	vld [tilespmem:s13+$0x8000]  }
0xbd: {  	v20 =	vld [tilespmem:s13+$0x8010]  }
0xbe: {  	v21 =	vld [tilespmem:s13+$0x8020]  }
0xbf: {  	v22 =	vld [tilespmem:s13+$0x8030]  }
0xc0: {  	v23 =	vld [tilespmem:s13+$0x8040]  }
0xc1: {  	v10 =	vadd.f32 v10, v19;
	v19 =	vld [tilespmem:s13+$0x8050]  }
0xc2: {  	v61 =	vld [tilespmem:s13+$0x8060];
	v11 =	vadd.f32 v11, v20  }
0xc3: {  	v62 =	vld [tilespmem:s13+$0x8070];
	[tilespmem:s13+$0x8000] =	vst v10;
	v10 =	vadd.f32 v12, v21  }
0xc4: {  	v63 =	vld [tilespmem:s13+$0x8400];
	[tilespmem:s13+$0x8010] =	vst v11;
	v11 =	vadd.f32 v13, v22  }
0xc5: {  	v13 =	vld [tilespmem:s13+$0x8410];
	[tilespmem:s13+$0x8020] =	vst v10;
	v10 =	vadd.f32 v14, v23  }
0xc6: {  	v12 =	vld [tilespmem:s13+$0x8420];
	[tilespmem:s13+$0x8030] =	vst v11;
	v11 =	vadd.f32 v15, v19  }
0xc7: {  	v14 =	vadd.f32 v16, v61;
	[tilespmem:s13+$0x8040] =	vst v10;
	v10 =	vld [tilespmem:s13+$0x8430]  }
0xc8: {  	v16 =	vadd.f32 v17, v62;
	[tilespmem:s13+$0x8050] =	vst v11;
	v11 =	vld [tilespmem:s13+$0x8440]  }
0xc9: {  	s15 =	simm.s32 $0x100;
	s14 =	simm.s32 $0x80;
	v15 =	vadd.f32 v18, v63;
	[tilespmem:s13+$0x8060] =	vst v14;
	v14 =	vld [tilespmem:s13+$0x8450]  }
.LBB2_6:
0xca: {  	s16 =	sand.u32 $0x3800, s15;
	s17 =	sand.u32 $0x380, s14;
	p1 =	sne.s32 s15, $0x2700;
	[tilespmem:s13+$0x8070] =	vst v16;
	v9 =	vadd.f32 v9, v13;
	v13 =	vld [tilespmem:s13+$0x8460]  }
0xcb: {  	s16 =	sor.u32 s17, s16;
	[tilespmem:s13+$0x8400] =	vst v15;
	v8 =	vadd.f32 v8, v12;
	v12 =	vld [tilespmem:s13+$0x8470]  }
0xcc: {  	v15 =	vld [tilespmem:s16+$0xD000];
	[tilespmem:s13+$0x8410] =	vst v9;
	v7 =	vadd.f32 v7, v10  }
0xcd: {  	v10 =	vld [tilespmem:s16+$0xD010];
	[tilespmem:s13+$0x8420] =	vst v8;
	v6 =	vadd.f32 v6, v11  }
0xce: {  	v11 =	vld [tilespmem:s16+$0xD020];
	[tilespmem:s13+$0x8430] =	vst v7;
	v5 =	vadd.f32 v5, v14  }
0xcf: {  	v14 =	vld [tilespmem:s16+$0xD030];
	[tilespmem:s13+$0x8440] =	vst v6;
	v4 =	vadd.f32 v4, v13  }
0xd0: {  	v13 =	vld [tilespmem:s16+$0xD040];
	[tilespmem:s13+$0x8450] =	vst v5;
	v3 =	vadd.f32 v3, v12  }
0xd1: {  	v12 =	vld [tilespmem:s16+$0xD050];
	[tilespmem:s13+$0x8460] =	vst v4  }
0xd2: {  	v16 =	vld [tilespmem:s16+$0xD060];
	[tilespmem:s13+$0x8470] =	vst v3;
	s13 =	smov.u32 s16  }
0xd3: {  	v17 =	vld [tilespmem:s13+$0xD070]  }
0xd4: {  	v18 =	vld [tilespmem:s13+$0xD400]  }
0xd5: {  	v9 =	vld [tilespmem:s13+$0xD410]  }
0xd6: {  	v8 =	vld [tilespmem:s13+$0xD420]  }
0xd7: {  	v7 =	vld [tilespmem:s13+$0xD430]  }
0xd8: {  	v6 =	vld [tilespmem:s13+$0xD440]  }
0xd9: {  	v5 =	vld [tilespmem:s13+$0xD450]  }
0xda: {  	v4 =	vld [tilespmem:s13+$0xD460]  }
0xdb: {  	v3 =	vld [tilespmem:s13+$0xD470]  }
0xdc: {  	v19 =	vld [tilespmem:s13+$0x8000]  }
0xdd: {  	v20 =	vld [tilespmem:s13+$0x8010]  }
0xde: {  	v21 =	vld [tilespmem:s13+$0x8020]  }
0xdf: {  	v22 =	vld [tilespmem:s13+$0x8030]  }
0xe0: {  	v23 =	vld [tilespmem:s13+$0x8040]  }
0xe1: {  	v15 =	vadd.f32 v15, v19;
	v19 =	vld [tilespmem:s13+$0x8050]  }
0xe2: {  	v10 =	vadd.f32 v10, v20;
	v20 =	vld [tilespmem:s13+$0x8060]  }
0xe3: {  	[tilespmem:s13+$0x8000] =	vst v15;
	v11 =	vadd.f32 v11, v21;
	v15 =	vld [tilespmem:s13+$0x8070]  }
0xe4: {  	[tilespmem:s13+$0x8010] =	vst v10;
	v10 =	vadd.f32 v14, v22;
	v14 =	vld [tilespmem:s13+$0x8400]  }
.Ltmp6:
0xe5: {  	[tilespmem:s13+$0x8020] =	vst v11;
	v11 =	vadd.f32 v13, v23;
	v13 =	vld [tilespmem:s13+$0x8410];
	(pc) =	sbr.rel @p1 .LBB2_6-.Ltmp6, $4  }
0xe6: {  	[tilespmem:s13+$0x8030] =	vst v10;
	v19 =	vadd.f32 v12, v19;
	v12 =	vld [tilespmem:s13+$0x8420]  }
0xe7: {  	[tilespmem:s13+$0x8040] =	vst v11;
	v20 =	vadd.f32 v16, v20;
	v10 =	vld [tilespmem:s13+$0x8430]  }
0xe8: {  	[tilespmem:s13+$0x8050] =	vst v19;
	v16 =	vadd.f32 v17, v15;
	v11 =	vld [tilespmem:s13+$0x8440]  }
0xe9: {  	s14 =	sadd.s32 $0x80, s14;
	s15 =	sadd.s32 $0x100, s15;
	[tilespmem:s13+$0x8060] =	vst v20;
	v15 =	vadd.f32 v18, v14;
	v14 =	vld [tilespmem:s13+$0x8450]  }
0xea: {  	[tilespmem:s13+$0x8070] =	vst v16;
	v9 =	vadd.f32 v9, v13;
	v62 =	vld [tilespmem:s13+$0x8460]  }
0xeb: {  	v63 =	vld [tilespmem:s13+$0x8470];
	[tilespmem:s13+$0x8400] =	vst v15;
	v8 =	vadd.f32 v8, v12  }
0xec: {  	[tilespmem:s13+$0x8410] =	vst v9;
	v7 =	vadd.f32 v7, v10  }
0xed: {  	[tilespmem:s13+$0x8420] =	vst v8;
	v6 =	vadd.f32 v6, v11  }
0xee: {  	s14 =	smul.u32 $0x50, s9;
	[tilespmem:s13+$0x8430] =	vst v7;
	v5 =	vadd.f32 v5, v14  }
.Ltmp7:
0xef: {  	[tilespmem:s13+$0x8440] =	vst v6;
	v4 =	vadd.f32 v4, v62;
	(pc) =	sbr.rel @!p0 .LBB2_13-.Ltmp7, $4  }
0xf0: {  	s14 =	sadd.s32 s6, s14;
	v3 =	vadd.f32 v3, v63;
	[tilespmem:s13+$0x8450] =	vst v5  }
0xf1: {  	s14 =	sshll.u32 s14, $0x5;
	[tilespmem:s13+$0x8460] =	vst v4  }
0xf2: {  	s17 =	sadd.s32 s2, s14;
	[tilespmem:s13+$0x8470] =	vst v3  }
0xf3: {  	[hbm4b:s17+s3] =	stream.linear.scatter [tilespmem:s12], [sflag:$0x4], $0x2800, $0x38;
	[tilespmem:$0x12000] =	vst v63  }
0xf4: {  	p0 =	seq.s32 s9, $0x3E  }
.Ltmp8:
0xf5: {  	_ = 	snop;
	(pc) =	sbr.rel @p0 .LBB2_10-.Ltmp8, $4  }
0xf6: {  	_ = 	snop  }
0xf7: {  	_ =	swait.ge [sflag:s11], $0x2800  }
0xf8: {  	[sflag:s11] =	ssyncset.done $0x0  }
0xf9: {  	[sflag:s11] =	ssyncadd.s32 $0xFFFFD800  }
0xfa: {  	s13 =	sshll.u32 s9, $0x8  }
0xfb: {  	v3 =	vld [tilespmem:s13+$0x100];
	_ =	sdelay $0x4  }
0xfc: {  	v4 =	vshll.u32 v3, $0x1  }
0xfd: {  	v3 =	vand.u32 $0x7, v3;
	v4 =	vand.u32 $0xFFFFFFF0, v4  }
0xfe: {  	v3 =	vor.u32 v3, v4  }
0xff: {  	v4 =	vperm.xlane v3, v0;
	_ =	sdelay $0x1  }
0x100: {  	v3 =	vperm.xlane v3, v2;
	v4 =	vadd.s32 v1, v4;
	_ =	sdelay $0x1  }
0x101: {  	v3 =	vadd.s32 v1, v3;
	_ =	sdelay $0x2  }
0x102: {  	[tilespmem:s12], [sflag:$0x2] =	stream.indirect_vreg.gather [hbm4b:s4+s3], $0x80, v4, vm0, $0xb8;
	[tilespmem:$0x12000] =	vst v63  }
0x103: {  	s14 =	simm.s32 $0x8800  }
0x104: {  	[tilespmem:s14], [sflag:$0x2] =	stream.indirect_vreg.gather [hbm4b:s4+s3], $0x80, v3, vm0, $0xb8;
	[tilespmem:$0x12000] =	vst v63  }
0x105: {  	v3 =	vld [tilespmem:s13+$0x110];
	_ =	sdelay $0x4  }
0x106: {  	v59 =	vshll.u32 v3, $0x1  }
0x107: {  	v3 =	vand.u32 $0x7, v3;
	v4 =	vand.u32 $0xFFFFFFF0, v59  }
0x108: {  	v3 =	vor.u32 v3, v4  }
0x109: {  	v4 =	vperm.xlane v3, v0;
	_ =	sdelay $0x1  }
0x10a: {  	v3 =	vperm.xlane v3, v2;
	v4 =	vadd.s32 v1, v4;
	_ =	sdelay $0x1  }
0x10b: {  	v3 =	vadd.s32 v1, v3;
	_ =	sdelay $0x1  }
0x10c: {  	s17 =	simm.s32 $0x9000  }
0x10d: {  	[tilespmem:s17], [sflag:$0x2] =	stream.indirect_vreg.gather [hbm4b:s4+s3], $0x80, v4, vm0, $0xb8;
	[tilespmem:$0x12000] =	vst v63  }
0x10e: {  	s15 =	simm.s32 $0x9800  }
0x10f: {  	[tilespmem:s15], [sflag:$0x2] =	stream.indirect_vreg.gather [hbm4b:s4+s3], $0x80, v3, vm0, $0xb8;
	[tilespmem:$0x12000] =	vst v63  }
0x110: {  	v3 =	vld.msk [tilespmem:s13+$0x120], $0xff;
	_ =	sdelay $0x4  }
0x111: {  	v60 =	vshll.u32 v3, $0x1  }
0x112: {  	v3 =	vand.u32 $0x7, v3;
	v4 =	vand.u32 $0xFFFFFFF0, v60  }
0x113: {  	v3 =	vor.u32 v3, v4  }
0x114: {  	v3 =	vperm.xlane v3, v0;
	_ =	sdelay $0x1  }
0x115: {  	v3 =	vadd.s32 v1, v3;
	_ =	sdelay $0x3  }
0x116: {  	s16 =	simm.s32 $0xA000  }
0x117: {  	[tilespmem:s16], [sflag:$0x2] =	stream.indirect_vreg.gather [hbm4b:s4+s3], $0x80, v3, vm0, $0xb8;
	[tilespmem:$0x12000] =	vst v63  }
0x118: {  	v3 =	vld [tilespmem:s13+$0x4100];
	_ =	sdelay $0x4  }
0x119: {  	v61 =	vshll.u32 v3, $0x1  }
0x11a: {  	v3 =	vand.u32 $0x7, v3;
	v4 =	vand.u32 $0xFFFFFFF0, v61  }
0x11b: {  	v3 =	vor.u32 v3, v4  }
0x11c: {  	v4 =	vperm.xlane v3, v0;
	_ =	sdelay $0x1  }
0x11d: {  	v3 =	vperm.xlane v3, v2;
	v4 =	vadd.s32 v1, v4;
	_ =	sdelay $0x1  }
0x11e: {  	v3 =	vadd.s32 v1, v3;
	_ =	sdelay $0x1  }
0x11f: {  	s17 =	simm.s32 $0xD000  }
0x120: {  	[tilespmem:s17], [sflag:$0x2] =	stream.indirect_vreg.gather [hbm4b:s5+s3], $0x80, v4, vm0, $0xb8;
	[tilespmem:$0x12000] =	vst v63  }
0x121: {  	_ = 	snop  }
0x122: {  	[tilespmem:s18], [sflag:$0x2] =	stream.indirect_vreg.gather [hbm4b:s5+s3], $0x80, v3, vm0, $0xb8;
	[tilespmem:$0x12000] =	vst v63  }
0x123: {  	v3 =	vld [tilespmem:s13+$0x4110];
	_ =	sdelay $0x4  }
0x124: {  	v62 =	vshll.u32 v3, $0x1  }
0x125: {  	v3 =	vand.u32 $0x7, v3;
	v4 =	vand.u32 $0xFFFFFFF0, v62  }
0x126: {  	v3 =	vor.u32 v3, v4  }
0x127: {  	v4 =	vperm.xlane v3, v0;
	_ =	sdelay $0x1  }
0x128: {  	v3 =	vperm.xlane v3, v2;
	v4 =	vadd.s32 v1, v4;
	_ =	sdelay $0x1  }
0x129: {  	v3 =	vadd.s32 v1, v3;
	_ =	sdelay $0x2  }
0x12a: {  	[tilespmem:s19], [sflag:$0x2] =	stream.indirect_vreg.gather [hbm4b:s5+s3], $0x80, v4, vm0, $0xb8;
	[tilespmem:$0x12000] =	vst v63  }
0x12b: {  	_ = 	snop  }
0x12c: {  	[tilespmem:s20], [sflag:$0x2] =	stream.indirect_vreg.gather [hbm4b:s5+s3], $0x80, v3, vm0, $0xb8;
	[tilespmem:$0x12000] =	vst v63  }
0x12d: {  	v3 =	vld.msk [tilespmem:s13+$0x4120], $0xff;
	_ =	sdelay $0x4  }
0x12e: {  	v63 =	vshll.u32 v3, $0x1  }
0x12f: {  	v3 =	vand.u32 $0x7, v3;
	v4 =	vand.u32 $0xFFFFFFF0, v63  }
0x130: {  	v3 =	vor.u32 v3, v4  }
0x131: {  	v3 =	vperm.xlane v3, v0;
	_ =	sdelay $0x1  }
0x132: {  	v3 =	vadd.s32 v1, v3;
	_ =	sdelay $0x4  }
0x133: {  	[tilespmem:s21], [sflag:$0x2] =	stream.indirect_vreg.gather [hbm4b:s5+s3], $0x80, v3, vm0, $0xb8;
	[tilespmem:$0x12000] =	vst v63  }
.LBB2_10:
0x134: {  	_ =	swait.ge [sflag:s7], $0x2800  }
0x135: {  	[sflag:s7] =	ssyncset.done $0x0  }
0x136: {  	[sflag:s7] =	ssyncadd.s32 $0xFFFFD800  }
0x137: {  	s13 =	simm.s32 $0x0;
	_ =	swait.ge [sflag:s7], $0x2800  }
0x138: {  	s14 =	sand.u32 $0x3800, s13;
	s13 =	sand.u32 $0x380, s13;
	[sflag:s7] =	ssyncset.done $0x0  }
0x139: {  	s13 =	sor.u32 s13, s14;
	[sflag:s7] =	ssyncadd.s32 $0xFFFFD800  }
0x13a: {  	v10 =	vld [tilespmem:s13+$0xF800]  }
0x13b: {  	v11 =	vld [tilespmem:s13+$0xF810]  }
0x13c: {  	v12 =	vld [tilespmem:s13+$0xF820]  }
0x13d: {  	v13 =	vld [tilespmem:s13+$0xF830]  }
0x13e: {  	v14 =	vld [tilespmem:s13+$0xF840]  }
0x13f: {  	v15 =	vld [tilespmem:s13+$0xF850]  }
0x140: {  	v16 =	vld [tilespmem:s13+$0xF860]  }
0x141: {  	v17 =	vld [tilespmem:s13+$0xF870]  }
0x142: {  	v18 =	vld [tilespmem:s13+$0xFC00]  }
0x143: {  	v9 =	vld [tilespmem:s13+$0xFC10]  }
0x144: {  	v8 =	vld [tilespmem:s13+$0xFC20]  }
0x145: {  	v7 =	vld [tilespmem:s13+$0xFC30]  }
0x146: {  	v6 =	vld [tilespmem:s13+$0xFC40]  }
0x147: {  	v5 =	vld [tilespmem:s13+$0xFC50]  }
0x148: {  	v4 =	vld [tilespmem:s13+$0xFC60]  }
0x149: {  	v3 =	vld [tilespmem:s13+$0xFC70]  }
0x14a: {  	v19 =	vld [tilespmem:s13+$0xA800]  }
0x14b: {  	v20 =	vld [tilespmem:s13+$0xA810]  }
0x14c: {  	v21 =	vld [tilespmem:s13+$0xA820]  }
0x14d: {  	v22 =	vld [tilespmem:s13+$0xA830]  }
0x14e: {  	v23 =	vld [tilespmem:s13+$0xA840]  }
0x14f: {  	v10 =	vadd.f32 v10, v19;
	v19 =	vld [tilespmem:s13+$0xA850]  }
0x150: {  	v61 =	vld [tilespmem:s13+$0xA860];
	v11 =	vadd.f32 v11, v20  }
0x151: {  	v62 =	vld [tilespmem:s13+$0xA870];
	[tilespmem:s13+$0xA800] =	vst v10;
	v10 =	vadd.f32 v12, v21  }
0x152: {  	v63 =	vld [tilespmem:s13+$0xAC00];
	[tilespmem:s13+$0xA810] =	vst v11;
	v11 =	vadd.f32 v13, v22  }
0x153: {  	v13 =	vld [tilespmem:s13+$0xAC10];
	[tilespmem:s13+$0xA820] =	vst v10;
	v10 =	vadd.f32 v14, v23  }
0x154: {  	v12 =	vld [tilespmem:s13+$0xAC20];
	[tilespmem:s13+$0xA830] =	vst v11;
	v11 =	vadd.f32 v15, v19  }
0x155: {  	v14 =	vadd.f32 v16, v61;
	[tilespmem:s13+$0xA840] =	vst v10;
	v10 =	vld [tilespmem:s13+$0xAC30]  }
0x156: {  	v16 =	vadd.f32 v17, v62;
	[tilespmem:s13+$0xA850] =	vst v11;
	v11 =	vld [tilespmem:s13+$0xAC40]  }
0x157: {  	s15 =	simm.s32 $0x100;
	s14 =	simm.s32 $0x80;
	v15 =	vadd.f32 v18, v63;
	[tilespmem:s13+$0xA860] =	vst v14;
	v14 =	vld [tilespmem:s13+$0xAC50]  }
.LBB2_11:
0x158: {  	s16 =	sand.u32 $0x3800, s15;
	s17 =	sand.u32 $0x380, s14;
	p0 =	sne.s32 s15, $0x2700;
	[tilespmem:s13+$0xA870] =	vst v16;
	v9 =	vadd.f32 v9, v13;
	v13 =	vld [tilespmem:s13+$0xAC60]  }
0x159: {  	s16 =	sor.u32 s17, s16;
	[tilespmem:s13+$0xAC00] =	vst v15;
	v8 =	vadd.f32 v8, v12;
	v12 =	vld [tilespmem:s13+$0xAC70]  }
0x15a: {  	v15 =	vld [tilespmem:s16+$0xF800];
	[tilespmem:s13+$0xAC10] =	vst v9;
	v7 =	vadd.f32 v7, v10  }
0x15b: {  	v10 =	vld [tilespmem:s16+$0xF810];
	[tilespmem:s13+$0xAC20] =	vst v8;
	v6 =	vadd.f32 v6, v11  }
0x15c: {  	v11 =	vld [tilespmem:s16+$0xF820];
	[tilespmem:s13+$0xAC30] =	vst v7;
	v5 =	vadd.f32 v5, v14  }
0x15d: {  	v14 =	vld [tilespmem:s16+$0xF830];
	[tilespmem:s13+$0xAC40] =	vst v6;
	v4 =	vadd.f32 v4, v13  }
0x15e: {  	v13 =	vld [tilespmem:s16+$0xF840];
	[tilespmem:s13+$0xAC50] =	vst v5;
	v3 =	vadd.f32 v3, v12  }
0x15f: {  	v12 =	vld [tilespmem:s16+$0xF850];
	[tilespmem:s13+$0xAC60] =	vst v4  }
0x160: {  	v16 =	vld [tilespmem:s16+$0xF860];
	[tilespmem:s13+$0xAC70] =	vst v3;
	s13 =	smov.u32 s16  }
0x161: {  	v17 =	vld [tilespmem:s13+$0xF870]  }
0x162: {  	v18 =	vld [tilespmem:s13+$0xFC00]  }
0x163: {  	v9 =	vld [tilespmem:s13+$0xFC10]  }
0x164: {  	v8 =	vld [tilespmem:s13+$0xFC20]  }
0x165: {  	v7 =	vld [tilespmem:s13+$0xFC30]  }
0x166: {  	v6 =	vld [tilespmem:s13+$0xFC40]  }
0x167: {  	v5 =	vld [tilespmem:s13+$0xFC50]  }
0x168: {  	v4 =	vld [tilespmem:s13+$0xFC60]  }
0x169: {  	v3 =	vld [tilespmem:s13+$0xFC70]  }
0x16a: {  	v19 =	vld [tilespmem:s13+$0xA800]  }
0x16b: {  	v20 =	vld [tilespmem:s13+$0xA810]  }
0x16c: {  	v21 =	vld [tilespmem:s13+$0xA820]  }
0x16d: {  	v22 =	vld [tilespmem:s13+$0xA830]  }
0x16e: {  	v23 =	vld [tilespmem:s13+$0xA840]  }
0x16f: {  	v15 =	vadd.f32 v15, v19;
	v19 =	vld [tilespmem:s13+$0xA850]  }
0x170: {  	v10 =	vadd.f32 v10, v20;
	v20 =	vld [tilespmem:s13+$0xA860]  }
0x171: {  	[tilespmem:s13+$0xA800] =	vst v15;
	v11 =	vadd.f32 v11, v21;
	v15 =	vld [tilespmem:s13+$0xA870]  }
0x172: {  	[tilespmem:s13+$0xA810] =	vst v10;
	v10 =	vadd.f32 v14, v22;
	v14 =	vld [tilespmem:s13+$0xAC00]  }
.Ltmp9:
0x173: {  	[tilespmem:s13+$0xA820] =	vst v11;
	v11 =	vadd.f32 v13, v23;
	v13 =	vld [tilespmem:s13+$0xAC10];
	(pc) =	sbr.rel @p0 .LBB2_11-.Ltmp9, $4  }
0x174: {  	[tilespmem:s13+$0xA830] =	vst v10;
	v19 =	vadd.f32 v12, v19;
	v12 =	vld [tilespmem:s13+$0xAC20]  }
0x175: {  	[tilespmem:s13+$0xA840] =	vst v11;
	v20 =	vadd.f32 v16, v20;
	v10 =	vld [tilespmem:s13+$0xAC30]  }
0x176: {  	[tilespmem:s13+$0xA850] =	vst v19;
	v16 =	vadd.f32 v17, v15;
	v11 =	vld [tilespmem:s13+$0xAC40]  }
0x177: {  	s14 =	sadd.s32 $0x80, s14;
	s15 =	sadd.s32 $0x100, s15;
	[tilespmem:s13+$0xA860] =	vst v20;
	v15 =	vadd.f32 v18, v14;
	v14 =	vld [tilespmem:s13+$0xAC50]  }
0x178: {  	[tilespmem:s13+$0xA870] =	vst v16;
	v9 =	vadd.f32 v9, v13;
	v62 =	vld [tilespmem:s13+$0xAC60]  }
0x179: {  	v63 =	vld [tilespmem:s13+$0xAC70];
	[tilespmem:s13+$0xAC00] =	vst v15;
	v8 =	vadd.f32 v8, v12  }
0x17a: {  	[tilespmem:s13+$0xAC10] =	vst v9;
	v7 =	vadd.f32 v7, v10  }
0x17b: {  	[tilespmem:s13+$0xAC20] =	vst v8;
	v6 =	vadd.f32 v6, v11  }
0x17c: {  	[tilespmem:s13+$0xAC30] =	vst v7;
	v5 =	vadd.f32 v5, v14  }
.Ltmp10:
0x17d: {  	[tilespmem:s13+$0xAC40] =	vst v6;
	v4 =	vadd.f32 v4, v62;
	(pc) =	sbr.rel .LBB2_13-.Ltmp10, $4  }
0x17e: {  	s10 =	sadd.s32 s6, s10;
	v3 =	vadd.f32 v3, v63;
	[tilespmem:s13+$0xAC50] =	vst v5  }
0x17f: {  	s10 =	sshll.u32 s10, $0x5;
	[tilespmem:s13+$0xAC60] =	vst v4  }
0x180: {  	s10 =	sadd.s32 s2, s10;
	[tilespmem:s13+$0xAC70] =	vst v3  }
0x181: {  	[hbm4b:s10+s3] =	stream.linear.scatter [tilespmem:s22], [sflag:$0x5], $0x2800, $0x38;
	[tilespmem:$0x12000] =	vst v63  }
.LBB2_15:
0x182: {  	_ =	sfence.sel $0x180000  }
0x183: {  	[bflag:$0x0] =	sbarrier.arrive $0xFFFF  }
0x184: {  	_ =	strace $0x90000047  }
0x185: {  	s0 =	stileid.u32;
	[bflag:$0x2] =	sbarrier.arrive $0xFFFF  }
0x186: {  	p0 =	sne.s32 s0, $0x0;
	s0 =	rddreg [dreg:$0x2]  }
0x187: {  	s0 =	sadd.s32 @!p0 $0x100000, s0  }
0x188: {  	[sflag:s0] =	ssyncadd.tile.s32 @!p0 $0x1;
	_ =	shalt  }
.Lfunc_end2:
_tile_overlayer_lowered:
.L_overlay_start_2:
0x189: {  	(tag) =	ssettag $0x2  }
0x18a: {  	s0 =	rddreg [dreg:$0x0];
	s2 =	stileid.u32  }
0x18b: {  	s1 =	rddreg [dreg:$0x1];
	p0 =	sne.s32 s2, $0x0  }
0x18c: {  	s3 =	rddreg [dreg:$0x2];
	[bflag:$0x3] =	sbarrier.arrive $0xFFFF;
	s2 =	simm.s32 @!p0 $0x1C06  }
0x18d: {  	[timem:s3], [sflag:s2] =	dma.local @!p0 [hbm:s0], s1  }
0x18e: {  	s0 =	simm.s32 @!p0 $0x6  }
0x18f: {  	_ =	swait.ge @!p0 [sflag:s0], s1  }
0x190: {  	s1 =	ssub.s32 @!p0 $0x0, s1;
	[sflag:s0] =	ssyncset.done @!p0 $0x0  }
0x191: {  	[sflag:s0] =	ssyncadd.s32 @!p0 s1  }
0x192: {  	[bflag:$0x3] =	sbarrier.arrive $0xFFFF  }
0x193: {  	_ =	shalt  }

</sc_bundles>
